<compile_context>
chip_gen: v7x
topology: tpu7x:2x2x1
jax: 0.10.2.dev20260603
libtpu: 0.0.44.dev20260713+nightly
codegen_flags: <defaults>
</compile_context>

<pallas_src>
import functools

import jax
import jax.numpy as jnp
from jax import lax
from jax.experimental import pallas as pl
from jax.experimental.pallas import tpu as pltpu
from jax.experimental.pallas import tpu_sc as plsc

B = 16384
D = 128
L = 16
NC = 2
NS = 16
NW = NC * NS
SB = 6144
BPW = SB // NW
CH = 64
NCHUNK = BPW // CH
NREL = 1000
NRELP = 1024
BLK = 1024
SBB = SB // BLK
MT = B - SB
NB = MT // BLK
NBALL = B // BLK

_mesh = plsc.VectorSubcoreMesh(core_axis_name="c", subcore_axis_name="s")


@functools.partial(
    pl.kernel,
    out_type=jax.ShapeDtypeStruct((SB,), jnp.float32),
    mesh=_mesh,
    compiler_params=pltpu.CompilerParams(needs_layout_passes=False),
    scratch_types=[
        pltpu.VMEM((BPW,), jnp.int32),
        pltpu.VMEM((BPW,), jnp.float32),
        pltpu.VMEM((2, CH, D), jnp.float32),
        pltpu.VMEM((2, CH, D), jnp.float32),
        pltpu.VMEM((2, CH, D), jnp.float32),
        pltpu.SemaphoreType.DMA,
        pltpu.SemaphoreType.DMA,
    ],
)
def _distmult_sc(h_hbm, r_hbm, t_hbm, rel_hbm, out_hbm,
                 idx_v, o_v, h_b, t_b, rel_b, sem0, sem1):
    wid = lax.axis_index("s") * NC + lax.axis_index("c")
    base = wid * BPW

    lane = lax.iota(jnp.int32, L)
    perms = [lane ^ s for s in (8, 4, 2, 1)]
    lane0 = lane == 0
    sems = (sem0, sem1)

    def start_ht(c):
        k = c & 1
        cbase = base + c * CH
        return (
            pltpu.async_copy(h_hbm.at[pl.ds(cbase, CH), :], h_b.at[k], sems[k]),
            pltpu.async_copy(t_hbm.at[pl.ds(cbase, CH), :], t_b.at[k], sems[k]),
        )

    def start_g(c):
        k = c & 1
        return (
            pltpu.async_copy(rel_hbm.at[idx_v.at[pl.ds(c * CH, CH)]],
                             rel_b.at[k], sems[k]),
        )

    pend = start_ht(0)
    pltpu.sync_copy(r_hbm.at[pl.ds(base, BPW)], idx_v)
    pend = pend + start_g(0)

    for c in range(NCHUNK):
        nxt = (start_ht(c + 1) + start_g(c + 1)) if c + 1 < NCHUNK else None
        for dsc in pend:
            dsc.wait()
        k = c & 1
        hk, tk, rk = h_b.at[k], t_b.at[k], rel_b.at[k]
        obase = c * CH

        def row(i, _):
            acc = hk[i, pl.ds(0, L)] * rk[i, pl.ds(0, L)] * tk[i, pl.ds(0, L)]
            for j in range(1, D // L):
                sl = pl.ds(j * L, L)
                acc = acc + hk[i, sl] * rk[i, sl] * tk[i, sl]
            for pm in perms:
                acc = acc + acc.at[pm].get(mode="promise_in_bounds")
            plsc.store_scatter(o_v, [jnp.full((L,), obase + i, jnp.int32)],
                               acc, mask=lane0)
            return 0

        lax.fori_loop(0, CH, row, 0, unroll=2)
        pend = nxt

    pltpu.sync_copy(o_v, out_hbm.at[pl.ds(base, BPW)])


def _tc_body(rel_ref, r_ref, h_ref, t_ref, out_ref):
    r2 = r_ref[0].astype(jnp.int16)
    k_iota = lax.broadcasted_iota(jnp.int16, (NRELP, BLK), 0)
    oh_t = (k_iota == r2).astype(jnp.bfloat16)
    g = lax.dot_general(oh_t, rel_ref[...], (((0,), (0,)), ((), ())),
                        preferred_element_type=jnp.float32)
    prod = h_ref[...] * g * t_ref[...]
    ones = jnp.ones((1, D), jnp.float32)
    s = lax.dot_general(ones, prod, (((1,), (1,)), ((), ())),
                        preferred_element_type=jnp.float32)
    out_ref[...] = s[None]


_tc_call = pl.pallas_call(
    _tc_body,
    grid=(NB,),
    in_specs=[
        pl.BlockSpec((NRELP, D), lambda i: (0, 0)),
        pl.BlockSpec((1, 1, BLK), lambda i: (i + SBB, 0, 0)),
        pl.BlockSpec((BLK, D), lambda i: (i + SBB, 0)),
        pl.BlockSpec((BLK, D), lambda i: (i + SBB, 0)),
    ],
    out_specs=pl.BlockSpec((1, 1, BLK), lambda i: (i, 0, 0)),
    out_shape=jax.ShapeDtypeStruct((NB, 1, BLK), jnp.float32),
)


def kernel(h, r, t, mode, rel_emb):
    del mode
    r32 = r.astype(jnp.int32)
    out_sc = _distmult_sc(h, r32, t, rel_emb)
    relp = jnp.zeros((NRELP, D), jnp.bfloat16).at[:NREL].set(
        rel_emb.astype(jnp.bfloat16))
    rt = r32.reshape(NBALL, 1, BLK)
    out_tc = _tc_call(relp, rt, h, t).reshape(MT)
    return jnp.concatenate([out_sc, out_tc])

# --- scband reference (transcript-rebuilt; emitter-appended) ---
"""Pipeline reference for scband-dist-mult-decoder-22024592293922 (READ-ONLY COPY).

The authoritative reference and input builder live on the scoring server;
editing this copy changes nothing except your own understanding.
"""

import jax, jax.numpy as jnp
import numpy as np

NUM_RELATIONS = 1000
HIDDEN_DIM = 128
BATCH = 16384


def _xavier_uniform(key, shape, dtype=jnp.float32):
    fan_in, fan_out = shape[0], shape[1]
    limit = float(np.sqrt(6.0 / (fan_in + fan_out)))
    return jax.random.uniform(key, shape, dtype=dtype, minval=-limit, maxval=limit)


def setup_inputs(seed: int = 0) -> dict:
    key = jax.random.key(seed)
    k_h, k_r, k_t, k_w = jax.random.split(key, 4)
    h = jax.random.normal(k_h, (BATCH, HIDDEN_DIM), dtype=jnp.float32)
    r = jax.random.randint(k_r, (BATCH,), 0, NUM_RELATIONS, dtype=jnp.int64)
    t = jax.random.normal(k_t, (BATCH, HIDDEN_DIM), dtype=jnp.float32)
    rel_emb = _xavier_uniform(k_w, (NUM_RELATIONS, HIDDEN_DIM))
    mode = 0  # non-string sentinel: compares unequal to 'head-batch' -> tail-batch path
    return {"h": h, "r": r, "t": t, "mode": mode, "rel_emb": rel_emb}


def reference(h, r, t, mode, rel_emb):
    # r = self.rel_emb[r]  (embedding gather)
    rel = jnp.take(rel_emb, r, axis=0)
    if mode == 'head-batch':
        score = h * (rel * t)
    else:
        score = h * rel * t
    return jnp.sum(score, axis=1)

if __name__ == "__main__":
    import jax
    _d = setup_inputs()
    print(jax.jit(kernel)(*tuple(_d.values())))

</pallas_src>

<mosaic_0001>
#map = affine_map<(d0, d1) -> (0, 0)>
#map1 = affine_map<(d0, d1) -> (0)>
module attributes {stable_mosaic.version = 14 : i64} {
  func.func @_distmult_sc(%arg0: i32, %arg1: i32, %arg2: memref<16384x128xf32, #tpu.memory_space<hbm>>, %arg3: memref<16384xi32, #tpu.memory_space<hbm>>, %arg4: memref<16384x128xf32, #tpu.memory_space<hbm>>, %arg5: memref<1000x128xf32, #tpu.memory_space<hbm>>, %arg6: memref<6144xf32, #tpu.memory_space<hbm>>, %arg7: memref<192xi32, #tpu.memory_space<vmem>>, %arg8: memref<192xf32, #tpu.memory_space<vmem>>, %arg9: memref<2x64x128xf32, #tpu.memory_space<vmem>>, %arg10: memref<2x64x128xf32, #tpu.memory_space<vmem>>, %arg11: memref<2x64x128xf32, #tpu.memory_space<vmem>>, %arg12: memref<!tpu.dma_semaphore, #tpu.memory_space<semaphore_mem>>, %arg13: memref<!tpu.dma_semaphore, #tpu.memory_space<semaphore_mem>>) attributes {dimension_semantics = [#tpu.dimension_semantics<core_parallel>, #tpu.dimension_semantics<subcore_parallel>], iteration_bounds = array<i64: 2, 16>, scalar_prefetch = 0 : i64, scratch_operands = 7 : i64, tpu.core_type = #tpu.core_type<sc_vector_subcore>, window_params = [{transform_indices = #map}, {transform_indices = #map1}, {transform_indices = #map}, {transform_indices = #map}, {transform_indices = #map1}]} {
    %mul3A = arith.constant 2 : i32
    %mul3A_0 = arith.muli %arg1, %mul3A : i32
    %add3A = arith.addi %mul3A_0, %arg0 : i32
    %mul3A_1 = arith.constant 192 : i32
    %mul3A_2 = arith.muli %add3A, %mul3A_1 : i32
    %iota3A = tpu.iota {dimensions = array<i32: 0>} : vector<16xi32>
    %xor3A = arith.constant 8 : i32
    %xor3A_3 = vector.broadcast %xor3A : i32 to vector<16xi32>
    %xor3A_4 = arith.xori %iota3A, %xor3A_3 : vector<16xi32>
    %xor3A_5 = arith.constant 4 : i32
    %xor3A_6 = vector.broadcast %xor3A_5 : i32 to vector<16xi32>
    %xor3A_7 = arith.xori %iota3A, %xor3A_6 : vector<16xi32>
    %xor3A_8 = arith.constant 2 : i32
    %xor3A_9 = vector.broadcast %xor3A_8 : i32 to vector<16xi32>
    %xor3A_10 = arith.xori %iota3A, %xor3A_9 : vector<16xi32>
    %xor3A_11 = arith.constant 1 : i32
    %xor3A_12 = vector.broadcast %xor3A_11 : i32 to vector<16xi32>
    %xor3A_13 = arith.xori %iota3A, %xor3A_12 : vector<16xi32>
    %eq3A = arith.constant 0 : i32
    %eq3A_14 = vector.broadcast %eq3A : i32 to vector<16xi32>
    %eq3A_15 = arith.cmpi eq, %iota3A, %eq3A_14 : vector<16xi32>
    %add3A_16 = arith.constant 0 : i32
    %add3A_17 = arith.addi %mul3A_2, %add3A_16 : i32
    %dma_start3A = arith.constant 0 : i32
    %dma_start3A_18 = arith.constant 0 : i32
    %dma_start3A_19 = arith.constant 0 : i32
    %dma_start3A_20 = tpu.memref_slice %arg9[%dma_start3A, %dma_start3A_18, %dma_start3A_19] : memref<2x64x128xf32, #tpu.memory_space<vmem>> -> memref<1x64x128xf32, #tpu.memory_space<vmem>>
    %dma_start3A_21 = tpu.memref_squeeze %dma_start3A_20 : memref<1x64x128xf32, #tpu.memory_space<vmem>> -> memref<64x128xf32, #tpu.memory_space<vmem>>
    %dma_start3A_22 = arith.constant 0 : i32
    %dma_start3A_23 = tpu.memref_slice %arg2[%add3A_17, %dma_start3A_22] : memref<16384x128xf32, #tpu.memory_space<hbm>> -> memref<64x128xf32, #tpu.memory_space<hbm>>
    %dma_start3A_24 = arith.constant 0 : i32
    %dma_start3A_25 = arith.constant 0 : i32
    %dma_start3A_26 = tpu.memref_slice %arg9[%dma_start3A, %dma_start3A_24, %dma_start3A_25] : memref<2x64x128xf32, #tpu.memory_space<vmem>> -> memref<1x64x128xf32, #tpu.memory_space<vmem>>
    %dma_start3A_27 = tpu.memref_squeeze %dma_start3A_26 : memref<1x64x128xf32, #tpu.memory_space<vmem>> -> memref<64x128xf32, #tpu.memory_space<vmem>>
    %dma_start3A_28 = arith.constant 0 : i32
    %dma_start3A_29 = tpu.memref_slice %arg2[%add3A_17, %dma_start3A_28] : memref<16384x128xf32, #tpu.memory_space<hbm>> -> memref<64x128xf32, #tpu.memory_space<hbm>>
    tpu.enqueue_dma source(%dma_start3A_29 : memref<64x128xf32, #tpu.memory_space<hbm>>) target(%dma_start3A_27 : memref<64x128xf32, #tpu.memory_space<vmem>>) target_semaphore(%arg12 : memref<!tpu.dma_semaphore, #tpu.memory_space<semaphore_mem>>)
    %dma_start3A_30 = arith.constant 0 : i32
    %dma_start3A_31 = arith.constant 0 : i32
    %dma_start3A_32 = arith.constant 0 : i32
    %dma_start3A_33 = tpu.memref_slice %arg10[%dma_start3A_30, %dma_start3A_31, %dma_start3A_32] : memref<2x64x128xf32, #tpu.memory_space<vmem>> -> memref<1x64x128xf32, #tpu.memory_space<vmem>>
    %dma_start3A_34 = tpu.memref_squeeze %dma_start3A_33 : memref<1x64x128xf32, #tpu.memory_space<vmem>> -> memref<64x128xf32, #tpu.memory_space<vmem>>
    %dma_start3A_35 = arith.constant 0 : i32
    %dma_start3A_36 = tpu.memref_slice %arg4[%add3A_17, %dma_start3A_35] : memref<16384x128xf32, #tpu.memory_space<hbm>> -> memref<64x128xf32, #tpu.memory_space<hbm>>
    %dma_start3A_37 = arith.constant 0 : i32
    %dma_start3A_38 = arith.constant 0 : i32
    %dma_start3A_39 = tpu.memref_slice %arg10[%dma_start3A_30, %dma_start3A_37, %dma_start3A_38] : memref<2x64x128xf32, #tpu.memory_space<vmem>> -> memref<1x64x128xf32, #tpu.memory_space<vmem>>
    %dma_start3A_40 = tpu.memref_squeeze %dma_start3A_39 : memref<1x64x128xf32, #tpu.memory_space<vmem>> -> memref<64x128xf32, #tpu.memory_space<vmem>>
    %dma_start3A_41 = arith.constant 0 : i32
    %dma_start3A_42 = tpu.memref_slice %arg4[%add3A_17, %dma_start3A_41] : memref<16384x128xf32, #tpu.memory_space<hbm>> -> memref<64x128xf32, #tpu.memory_space<hbm>>
    tpu.enqueue_dma source(%dma_start3A_42 : memref<64x128xf32, #tpu.memory_space<hbm>>) target(%dma_start3A_40 : memref<64x128xf32, #tpu.memory_space<vmem>>) target_semaphore(%arg12 : memref<!tpu.dma_semaphore, #tpu.memory_space<semaphore_mem>>)
    "tpu.region"() ({
      %run_scoped3A = tpu.sem_alloc : memref<!tpu.dma_semaphore, #tpu.memory_space<semaphore_mem>>
      %dma_start3A_265 = tpu.memref_slice %arg3[%mul3A_2] : memref<16384xi32, #tpu.memory_space<hbm>> -> memref<192xi32, #tpu.memory_space<hbm>>
      %dma_start3A_266 = tpu.memref_slice %arg3[%mul3A_2] : memref<16384xi32, #tpu.memory_space<hbm>> -> memref<192xi32, #tpu.memory_space<hbm>>
      tpu.enqueue_dma source(%dma_start3A_266 : memref<192xi32, #tpu.memory_space<hbm>>) target(%arg7 : memref<192xi32, #tpu.memory_space<vmem>>) target_semaphore(%run_scoped3A : memref<!tpu.dma_semaphore, #tpu.memory_space<semaphore_mem>>)
      %dma_wait3A_267 = tpu.memref_slice %arg3[%mul3A_2] : memref<16384xi32, #tpu.memory_space<hbm>> -> memref<192xi32, #tpu.memory_space<hbm>>
      %dma_wait3A_268 = tpu.memref_slice %arg3[%mul3A_2] : memref<16384xi32, #tpu.memory_space<hbm>> -> memref<192xi32, #tpu.memory_space<hbm>>
      tpu.wait_dma2 semaphore(%run_scoped3A : memref<!tpu.dma_semaphore, #tpu.memory_space<semaphore_mem>>) src(%dma_wait3A_268 : memref<192xi32, #tpu.memory_space<hbm>>) dst(%arg7 : memref<192xi32, #tpu.memory_space<vmem>>)
      tpu.yield
    }) : () -> ()
    %dma_start3A_43 = arith.constant 0 : i32
    %dma_start3A_44 = arith.constant 0 : i32
    %dma_start3A_45 = arith.constant 0 : i32
    %dma_start3A_46 = tpu.memref_slice %arg11[%dma_start3A_43, %dma_start3A_44, %dma_start3A_45] : memref<2x64x128xf32, #tpu.memory_space<vmem>> -> memref<1x64x128xf32, #tpu.memory_space<vmem>>
    %dma_start3A_47 = tpu.memref_squeeze %dma_start3A_46 : memref<1x64x128xf32, #tpu.memory_space<vmem>> -> memref<64x128xf32, #tpu.memory_space<vmem>>
    %dma_start3A_48 = arith.constant 0 : i32
    %dma_start3A_49 = tpu.memref_slice %arg7[%dma_start3A_48] : memref<192xi32, #tpu.memory_space<vmem>> -> memref<64xi32, #tpu.memory_space<vmem>>
    %dma_start3A_50 = arith.constant 0 : i32
    %dma_start3A_51 = arith.constant 0 : i32
    %dma_start3A_52 = tpu.memref_slice %arg5[%dma_start3A_50, %dma_start3A_51] : memref<1000x128xf32, #tpu.memory_space<hbm>> -> memref<1000x128xf32, #tpu.memory_space<hbm>>
    tpu.enqueue_indirect_dma source(%dma_start3A_52 : memref<1000x128xf32, #tpu.memory_space<hbm>>) target(%dma_start3A_47 : memref<64x128xf32, #tpu.memory_space<vmem>>) offsets(%dma_start3A_49 : memref<64xi32, #tpu.memory_space<vmem>>) semaphore(%arg12 : memref<!tpu.dma_semaphore, #tpu.memory_space<semaphore_mem>>)
    %add3A_53 = arith.constant 64 : i32
    %add3A_54 = arith.addi %mul3A_2, %add3A_53 : i32
    %dma_start3A_55 = arith.constant 1 : i32
    %dma_start3A_56 = arith.constant 0 : i32
    %dma_start3A_57 = arith.constant 0 : i32
    %dma_start3A_58 = tpu.memref_slice %arg9[%dma_start3A_55, %dma_start3A_56, %dma_start3A_57] : memref<2x64x128xf32, #tpu.memory_space<vmem>> -> memref<1x64x128xf32, #tpu.memory_space<vmem>>
    %dma_start3A_59 = tpu.memref_squeeze %dma_start3A_58 : memref<1x64x128xf32, #tpu.memory_space<vmem>> -> memref<64x128xf32, #tpu.memory_space<vmem>>
    %dma_start3A_60 = arith.constant 0 : i32
    %dma_start3A_61 = tpu.memref_slice %arg2[%add3A_54, %dma_start3A_60] : memref<16384x128xf32, #tpu.memory_space<hbm>> -> memref<64x128xf32, #tpu.memory_space<hbm>>
    %dma_start3A_62 = arith.constant 0 : i32
    %dma_start3A_63 = arith.constant 0 : i32
    %dma_start3A_64 = tpu.memref_slice %arg9[%dma_start3A_55, %dma_start3A_62, %dma_start3A_63] : memref<2x64x128xf32, #tpu.memory_space<vmem>> -> memref<1x64x128xf32, #tpu.memory_space<vmem>>
    %dma_start3A_65 = tpu.memref_squeeze %dma_start3A_64 : memref<1x64x128xf32, #tpu.memory_space<vmem>> -> memref<64x128xf32, #tpu.memory_space<vmem>>
    %dma_start3A_66 = arith.constant 0 : i32
    %dma_start3A_67 = tpu.memref_slice %arg2[%add3A_54, %dma_start3A_66] : memref<16384x128xf32, #tpu.memory_space<hbm>> -> memref<64x128xf32, #tpu.memory_space<hbm>>
    tpu.enqueue_dma source(%dma_start3A_67 : memref<64x128xf32, #tpu.memory_space<hbm>>) target(%dma_start3A_65 : memref<64x128xf32, #tpu.memory_space<vmem>>) target_semaphore(%arg13 : memref<!tpu.dma_semaphore, #tpu.memory_space<semaphore_mem>>)
    %dma_start3A_68 = arith.constant 1 : i32
    %dma_start3A_69 = arith.constant 0 : i32
    %dma_start3A_70 = arith.constant 0 : i32
    %dma_start3A_71 = tpu.memref_slice %arg10[%dma_start3A_68, %dma_start3A_69, %dma_start3A_70] : memref<2x64x128xf32, #tpu.memory_space<vmem>> -> memref<1x64x128xf32, #tpu.memory_space<vmem>>
    %dma_start3A_72 = tpu.memref_squeeze %dma_start3A_71 : memref<1x64x128xf32, #tpu.memory_space<vmem>> -> memref<64x128xf32, #tpu.memory_space<vmem>>
    %dma_start3A_73 = arith.constant 0 : i32
    %dma_start3A_74 = tpu.memref_slice %arg4[%add3A_54, %dma_start3A_73] : memref<16384x128xf32, #tpu.memory_space<hbm>> -> memref<64x128xf32, #tpu.memory_space<hbm>>
    %dma_start3A_75 = arith.constant 0 : i32
    %dma_start3A_76 = arith.constant 0 : i32
    %dma_start3A_77 = tpu.memref_slice %arg10[%dma_start3A_68, %dma_start3A_75, %dma_start3A_76] : memref<2x64x128xf32, #tpu.memory_space<vmem>> -> memref<1x64x128xf32, #tpu.memory_space<vmem>>
    %dma_start3A_78 = tpu.memref_squeeze %dma_start3A_77 : memref<1x64x128xf32, #tpu.memory_space<vmem>> -> memref<64x128xf32, #tpu.memory_space<vmem>>
    %dma_start3A_79 = arith.constant 0 : i32
    %dma_start3A_80 = tpu.memref_slice %arg4[%add3A_54, %dma_start3A_79] : memref<16384x128xf32, #tpu.memory_space<hbm>> -> memref<64x128xf32, #tpu.memory_space<hbm>>
    tpu.enqueue_dma source(%dma_start3A_80 : memref<64x128xf32, #tpu.memory_space<hbm>>) target(%dma_start3A_78 : memref<64x128xf32, #tpu.memory_space<vmem>>) target_semaphore(%arg13 : memref<!tpu.dma_semaphore, #tpu.memory_space<semaphore_mem>>)
    %dma_start3A_81 = arith.constant 1 : i32
    %dma_start3A_82 = arith.constant 0 : i32
    %dma_start3A_83 = arith.constant 0 : i32
    %dma_start3A_84 = tpu.memref_slice %arg11[%dma_start3A_81, %dma_start3A_82, %dma_start3A_83] : memref<2x64x128xf32, #tpu.memory_space<vmem>> -> memref<1x64x128xf32, #tpu.memory_space<vmem>>
    %dma_start3A_85 = tpu.memref_squeeze %dma_start3A_84 : memref<1x64x128xf32, #tpu.memory_space<vmem>> -> memref<64x128xf32, #tpu.memory_space<vmem>>
    %dma_start3A_86 = arith.constant 64 : i32
    %dma_start3A_87 = tpu.memref_slice %arg7[%dma_start3A_86] : memref<192xi32, #tpu.memory_space<vmem>> -> memref<64xi32, #tpu.memory_space<vmem>>
    %dma_start3A_88 = arith.constant 0 : i32
    %dma_start3A_89 = arith.constant 0 : i32
    %dma_start3A_90 = tpu.memref_slice %arg5[%dma_start3A_88, %dma_start3A_89] : memref<1000x128xf32, #tpu.memory_space<hbm>> -> memref<1000x128xf32, #tpu.memory_space<hbm>>
    tpu.enqueue_indirect_dma source(%dma_start3A_90 : memref<1000x128xf32, #tpu.memory_space<hbm>>) target(%dma_start3A_85 : memref<64x128xf32, #tpu.memory_space<vmem>>) offsets(%dma_start3A_87 : memref<64xi32, #tpu.memory_space<vmem>>) semaphore(%arg13 : memref<!tpu.dma_semaphore, #tpu.memory_space<semaphore_mem>>)
    %dma_wait3A = arith.constant 0 : i32
    %dma_wait3A_91 = arith.constant 0 : i32
    %dma_wait3A_92 = arith.constant 0 : i32
    %dma_wait3A_93 = tpu.memref_slice %arg9[%dma_wait3A, %dma_wait3A_91, %dma_wait3A_92] : memref<2x64x128xf32, #tpu.memory_space<vmem>> -> memref<1x64x128xf32, #tpu.memory_space<vmem>>
    %dma_wait3A_94 = tpu.memref_squeeze %dma_wait3A_93 : memref<1x64x128xf32, #tpu.memory_space<vmem>> -> memref<64x128xf32, #tpu.memory_space<vmem>>
    %dma_wait3A_95 = arith.constant 0 : i32
    %dma_wait3A_96 = tpu.memref_slice %arg2[%add3A_17, %dma_wait3A_95] : memref<16384x128xf32, #tpu.memory_space<hbm>> -> memref<64x128xf32, #tpu.memory_space<hbm>>
    %dma_wait3A_97 = arith.constant 0 : i32
    %dma_wait3A_98 = arith.constant 0 : i32
    %dma_wait3A_99 = tpu.memref_slice %arg9[%dma_wait3A, %dma_wait3A_97, %dma_wait3A_98] : memref<2x64x128xf32, #tpu.memory_space<vmem>> -> memref<1x64x128xf32, #tpu.memory_space<vmem>>
    %dma_wait3A_100 = tpu.memref_squeeze %dma_wait3A_99 : memref<1x64x128xf32, #tpu.memory_space<vmem>> -> memref<64x128xf32, #tpu.memory_space<vmem>>
    %dma_wait3A_101 = arith.constant 0 : i32
    %dma_wait3A_102 = tpu.memref_slice %arg2[%add3A_17, %dma_wait3A_101] : memref<16384x128xf32, #tpu.memory_space<hbm>> -> memref<64x128xf32, #tpu.memory_space<hbm>>
    tpu.wait_dma2 semaphore(%arg12 : memref<!tpu.dma_semaphore, #tpu.memory_space<semaphore_mem>>) src(%dma_wait3A_102 : memref<64x128xf32, #tpu.memory_space<hbm>>) dst(%dma_wait3A_100 : memref<64x128xf32, #tpu.memory_space<vmem>>)
    %dma_wait3A_103 = arith.constant 0 : i32
    %dma_wait3A_104 = arith.constant 0 : i32
    %dma_wait3A_105 = arith.constant 0 : i32
    %dma_wait3A_106 = tpu.memref_slice %arg10[%dma_wait3A_103, %dma_wait3A_104, %dma_wait3A_105] : memref<2x64x128xf32, #tpu.memory_space<vmem>> -> memref<1x64x128xf32, #tpu.memory_space<vmem>>
    %dma_wait3A_107 = tpu.memref_squeeze %dma_wait3A_106 : memref<1x64x128xf32, #tpu.memory_space<vmem>> -> memref<64x128xf32, #tpu.memory_space<vmem>>
    %dma_wait3A_108 = arith.constant 0 : i32
    %dma_wait3A_109 = tpu.memref_slice %arg4[%add3A_17, %dma_wait3A_108] : memref<16384x128xf32, #tpu.memory_space<hbm>> -> memref<64x128xf32, #tpu.memory_space<hbm>>
    %dma_wait3A_110 = arith.constant 0 : i32
    %dma_wait3A_111 = arith.constant 0 : i32
    %dma_wait3A_112 = tpu.memref_slice %arg10[%dma_wait3A_103, %dma_wait3A_110, %dma_wait3A_111] : memref<2x64x128xf32, #tpu.memory_space<vmem>> -> memref<1x64x128xf32, #tpu.memory_space<vmem>>
    %dma_wait3A_113 = tpu.memref_squeeze %dma_wait3A_112 : memref<1x64x128xf32, #tpu.memory_space<vmem>> -> memref<64x128xf32, #tpu.memory_space<vmem>>
    %dma_wait3A_114 = arith.constant 0 : i32
    %dma_wait3A_115 = tpu.memref_slice %arg4[%add3A_17, %dma_wait3A_114] : memref<16384x128xf32, #tpu.memory_space<hbm>> -> memref<64x128xf32, #tpu.memory_space<hbm>>
    tpu.wait_dma2 semaphore(%arg12 : memref<!tpu.dma_semaphore, #tpu.memory_space<semaphore_mem>>) src(%dma_wait3A_115 : memref<64x128xf32, #tpu.memory_space<hbm>>) dst(%dma_wait3A_113 : memref<64x128xf32, #tpu.memory_space<vmem>>)
    %dma_wait3A_116 = arith.constant 0 : i32
    %dma_wait3A_117 = arith.constant 0 : i32
    %dma_wait3A_118 = arith.constant 0 : i32
    %dma_wait3A_119 = tpu.memref_slice %arg11[%dma_wait3A_116, %dma_wait3A_117, %dma_wait3A_118] : memref<2x64x128xf32, #tpu.memory_space<vmem>> -> memref<1x64x128xf32, #tpu.memory_space<vmem>>
    %dma_wait3A_120 = tpu.memref_squeeze %dma_wait3A_119 : memref<1x64x128xf32, #tpu.memory_space<vmem>> -> memref<64x128xf32, #tpu.memory_space<vmem>>
    %dma_wait3A_121 = arith.constant 0 : i32
    %dma_wait3A_122 = tpu.memref_slice %arg7[%dma_wait3A_121] : memref<192xi32, #tpu.memory_space<vmem>> -> memref<64xi32, #tpu.memory_space<vmem>>
    %dma_wait3A_123 = arith.constant 0 : i32
    %dma_wait3A_124 = arith.constant 0 : i32
    %dma_wait3A_125 = tpu.memref_slice %arg5[%dma_wait3A_123, %dma_wait3A_124] : memref<1000x128xf32, #tpu.memory_space<hbm>> -> memref<1000x128xf32, #tpu.memory_space<hbm>>
    tpu.wait_indirect_dma semaphore(%arg12 : memref<!tpu.dma_semaphore, #tpu.memory_space<semaphore_mem>>) src(%dma_wait3A_125 : memref<1000x128xf32, #tpu.memory_space<hbm>>) dst(%dma_wait3A_120 : memref<64x128xf32, #tpu.memory_space<vmem>>)
    %scan3A = arith.constant 0 : i32
    %scan3A_126 = arith.constant 0 : i32
    %scan3A_127 = arith.constant 0 : i32
    %scan3A_128 = arith.constant 0 : i32
    %scan3A_129 = arith.constant 0 : i32
    %scan3A_130 = arith.constant 64 : i32
    %scan3A_131 = arith.addi %scan3A_129, %scan3A_130 : i32
    %scan3A_132 = arith.constant 2 : i32
    %scan3A_133 = scf.for %scan3A_265 = %scan3A_129 to %scan3A_131 step %scan3A_132 iter_args(%scan3A_266 = %scan3A_128) -> (i32)  : i32 {
      %get3A = arith.constant 0 : i32
      %get3A_267 = arith.constant 0 : i32
      %get3A_268 = tpu.memref_slice %arg9[%scan3A, %get3A, %get3A_267] : memref<2x64x128xf32, #tpu.memory_space<vmem>> -> memref<1x64x128xf32, #tpu.memory_space<vmem>>
      %get3A_269 = tpu.memref_squeeze %get3A_268 : memref<1x64x128xf32, #tpu.memory_space<vmem>> -> memref<64x128xf32, #tpu.memory_space<vmem>>
      %get3A_270 = arith.index_cast %scan3A_265 : i32 to index
      %get3A_271 = arith.constant 0 : index
      %get3A_272 = tpu.vector_load %get3A_269[%get3A_270, %get3A_271] {strides = array<i32>} : memref<64x128xf32, #tpu.memory_space<vmem>>, vector<16xf32>,
      %get3A_273 = arith.constant 0 : i32
      %get3A_274 = arith.constant 0 : i32
      %get3A_275 = tpu.memref_slice %arg11[%scan3A_126, %get3A_273, %get3A_274] : memref<2x64x128xf32, #tpu.memory_space<vmem>> -> memref<1x64x128xf32, #tpu.memory_space<vmem>>
      %get3A_276 = tpu.memref_squeeze %get3A_275 : memref<1x64x128xf32, #tpu.memory_space<vmem>> -> memref<64x128xf32, #tpu.memory_space<vmem>>
      %get3A_277 = arith.index_cast %scan3A_265 : i32 to index
      %get3A_278 = arith.constant 0 : index
      %get3A_279 = tpu.vector_load %get3A_276[%get3A_277, %get3A_278] {strides = array<i32>} : memref<64x128xf32, #tpu.memory_space<vmem>>, vector<16xf32>,
      %mul3A_280 = arith.mulf %get3A_272, %get3A_279 : vector<16xf32>
      %get3A_281 = arith.constant 0 : i32
      %get3A_282 = arith.constant 0 : i32
      %get3A_283 = tpu.memref_slice %arg10[%scan3A_127, %get3A_281, %get3A_282] : memref<2x64x128xf32, #tpu.memory_space<vmem>> -> memref<1x64x128xf32, #tpu.memory_space<vmem>>
      %get3A_284 = tpu.memref_squeeze %get3A_283 : memref<1x64x128xf32, #tpu.memory_space<vmem>> -> memref<64x128xf32, #tpu.memory_space<vmem>>
      %get3A_285 = arith.index_cast %scan3A_265 : i32 to index
      %get3A_286 = arith.constant 0 : index
      %get3A_287 = tpu.vector_load %get3A_284[%get3A_285, %get3A_286] {strides = array<i32>} : memref<64x128xf32, #tpu.memory_space<vmem>>, vector<16xf32>,
      %mul3A_288 = arith.mulf %mul3A_280, %get3A_287 : vector<16xf32>
      %get3A_289 = arith.constant 0 : i32
      %get3A_290 = arith.constant 0 : i32
      %get3A_291 = tpu.memref_slice %arg9[%scan3A, %get3A_289, %get3A_290] : memref<2x64x128xf32, #tpu.memory_space<vmem>> -> memref<1x64x128xf32, #tpu.memory_space<vmem>>
      %get3A_292 = tpu.memref_squeeze %get3A_291 : memref<1x64x128xf32, #tpu.memory_space<vmem>> -> memref<64x128xf32, #tpu.memory_space<vmem>>
      %get3A_293 = arith.index_cast %scan3A_265 : i32 to index
      %get3A_294 = arith.constant 16 : index
      %get3A_295 = tpu.vector_load %get3A_292[%get3A_293, %get3A_294] {strides = array<i32>} : memref<64x128xf32, #tpu.memory_space<vmem>>, vector<16xf32>,
      %get3A_296 = arith.constant 0 : i32
      %get3A_297 = arith.constant 0 : i32
      %get3A_298 = tpu.memref_slice %arg11[%scan3A_126, %get3A_296, %get3A_297] : memref<2x64x128xf32, #tpu.memory_space<vmem>> -> memref<1x64x128xf32, #tpu.memory_space<vmem>>
      %get3A_299 = tpu.memref_squeeze %get3A_298 : memref<1x64x128xf32, #tpu.memory_space<vmem>> -> memref<64x128xf32, #tpu.memory_space<vmem>>
      %get3A_300 = arith.index_cast %scan3A_265 : i32 to index
      %get3A_301 = arith.constant 16 : index
      %get3A_302 = tpu.vector_load %get3A_299[%get3A_300, %get3A_301] {strides = array<i32>} : memref<64x128xf32, #tpu.memory_space<vmem>>, vector<16xf32>,
      %mul3A_303 = arith.mulf %get3A_295, %get3A_302 : vector<16xf32>
      %get3A_304 = arith.constant 0 : i32
      %get3A_305 = arith.constant 0 : i32
      %get3A_306 = tpu.memref_slice %arg10[%scan3A_127, %get3A_304, %get3A_305] : memref<2x64x128xf32, #tpu.memory_space<vmem>> -> memref<1x64x128xf32, #tpu.memory_space<vmem>>
      %get3A_307 = tpu.memref_squeeze %get3A_306 : memref<1x64x128xf32, #tpu.memory_space<vmem>> -> memref<64x128xf32, #tpu.memory_space<vmem>>
      %get3A_308 = arith.index_cast %scan3A_265 : i32 to index
      %get3A_309 = arith.constant 16 : index
      %get3A_310 = tpu.vector_load %get3A_307[%get3A_308, %get3A_309] {strides = array<i32>} : memref<64x128xf32, #tpu.memory_space<vmem>>, vector<16xf32>,
      %mul3A_311 = arith.mulf %mul3A_303, %get3A_310 : vector<16xf32>
      %add3A_312 = arith.addf %mul3A_288, %mul3A_311 : vector<16xf32>
      %get3A_313 = arith.constant 0 : i32
      %get3A_314 = arith.constant 0 : i32
      %get3A_315 = tpu.memref_slice %arg9[%scan3A, %get3A_313, %get3A_314] : memref<2x64x128xf32, #tpu.memory_space<vmem>> -> memref<1x64x128xf32, #tpu.memory_space<vmem>>
      %get3A_316 = tpu.memref_squeeze %get3A_315 : memref<1x64x128xf32, #tpu.memory_space<vmem>> -> memref<64x128xf32, #tpu.memory_space<vmem>>
      %get3A_317 = arith.index_cast %scan3A_265 : i32 to index
      %get3A_318 = arith.constant 32 : index
      %get3A_319 = tpu.vector_load %get3A_316[%get3A_317, %get3A_318] {strides = array<i32>} : memref<64x128xf32, #tpu.memory_space<vmem>>, vector<16xf32>,
      %get3A_320 = arith.constant 0 : i32
      %get3A_321 = arith.constant 0 : i32
      %get3A_322 = tpu.memref_slice %arg11[%scan3A_126, %get3A_320, %get3A_321] : memref<2x64x128xf32, #tpu.memory_space<vmem>> -> memref<1x64x128xf32, #tpu.memory_space<vmem>>
      %get3A_323 = tpu.memref_squeeze %get3A_322 : memref<1x64x128xf32, #tpu.memory_space<vmem>> -> memref<64x128xf32, #tpu.memory_space<vmem>>
      %get3A_324 = arith.index_cast %scan3A_265 : i32 to index
      %get3A_325 = arith.constant 32 : index
      %get3A_326 = tpu.vector_load %get3A_323[%get3A_324, %get3A_325] {strides = array<i32>} : memref<64x128xf32, #tpu.memory_space<vmem>>, vector<16xf32>,
      %mul3A_327 = arith.mulf %get3A_319, %get3A_326 : vector<16xf32>
      %get3A_328 = arith.constant 0 : i32
      %get3A_329 = arith.constant 0 : i32
      %get3A_330 = tpu.memref_slice %arg10[%scan3A_127, %get3A_328, %get3A_329] : memref<2x64x128xf32, #tpu.memory_space<vmem>> -> memref<1x64x128xf32, #tpu.memory_space<vmem>>
      %get3A_331 = tpu.memref_squeeze %get3A_330 : memref<1x64x128xf32, #tpu.memory_space<vmem>> -> memref<64x128xf32, #tpu.memory_space<vmem>>
      %get3A_332 = arith.index_cast %scan3A_265 : i32 to index
      %get3A_333 = arith.constant 32 : index
      %get3A_334 = tpu.vector_load %get3A_331[%get3A_332, %get3A_333] {strides = array<i32>} : memref<64x128xf32, #tpu.memory_space<vmem>>, vector<16xf32>,
      %mul3A_335 = arith.mulf %mul3A_327, %get3A_334 : vector<16xf32>
      %add3A_336 = arith.addf %add3A_312, %mul3A_335 : vector<16xf32>
      %get3A_337 = arith.constant 0 : i32
      %get3A_338 = arith.constant 0 : i32
      %get3A_339 = tpu.memref_slice %arg9[%scan3A, %get3A_337, %get3A_338] : memref<2x64x128xf32, #tpu.memory_space<vmem>> -> memref<1x64x128xf32, #tpu.memory_space<vmem>>
      %get3A_340 = tpu.memref_squeeze %get3A_339 : memref<1x64x128xf32, #tpu.memory_space<vmem>> -> memref<64x128xf32, #tpu.memory_space<vmem>>
      %get3A_341 = arith.index_cast %scan3A_265 : i32 to index
      %get3A_342 = arith.constant 48 : index
      %get3A_343 = tpu.vector_load %get3A_340[%get3A_341, %get3A_342] {strides = array<i32>} : memref<64x128xf32, #tpu.memory_space<vmem>>, vector<16xf32>,
      %get3A_344 = arith.constant 0 : i32
      %get3A_345 = arith.constant 0 : i32
      %get3A_346 = tpu.memref_slice %arg11[%scan3A_126, %get3A_344, %get3A_345] : memref<2x64x128xf32, #tpu.memory_space<vmem>> -> memref<1x64x128xf32, #tpu.memory_space<vmem>>
      %get3A_347 = tpu.memref_squeeze %get3A_346 : memref<1x64x128xf32, #tpu.memory_space<vmem>> -> memref<64x128xf32, #tpu.memory_space<vmem>>
      %get3A_348 = arith.index_cast %scan3A_265 : i32 to index
      %get3A_349 = arith.constant 48 : index
      %get3A_350 = tpu.vector_load %get3A_347[%get3A_348, %get3A_349] {strides = array<i32>} : memref<64x128xf32, #tpu.memory_space<vmem>>, vector<16xf32>,
      %mul3A_351 = arith.mulf %get3A_343, %get3A_350 : vector<16xf32>
      %get3A_352 = arith.constant 0 : i32
      %get3A_353 = arith.constant 0 : i32
      %get3A_354 = tpu.memref_slice %arg10[%scan3A_127, %get3A_352, %get3A_353] : memref<2x64x128xf32, #tpu.memory_space<vmem>> -> memref<1x64x128xf32, #tpu.memory_space<vmem>>
      %get3A_355 = tpu.memref_squeeze %get3A_354 : memref<1x64x128xf32, #tpu.memory_space<vmem>> -> memref<64x128xf32, #tpu.memory_space<vmem>>
      %get3A_356 = arith.index_cast %scan3A_265 : i32 to index
      %get3A_357 = arith.constant 48 : index
      %get3A_358 = tpu.vector_load %get3A_355[%get3A_356, %get3A_357] {strides = array<i32>} : memref<64x128xf32, #tpu.memory_space<vmem>>, vector<16xf32>,
      %mul3A_359 = arith.mulf %mul3A_351, %get3A_358 : vector<16xf32>
      %add3A_360 = arith.addf %add3A_336, %mul3A_359 : vector<16xf32>
      %get3A_361 = arith.constant 0 : i32
      %get3A_362 = arith.constant 0 : i32
      %get3A_363 = tpu.memref_slice %arg9[%scan3A, %get3A_361, %get3A_362] : memref<2x64x128xf32, #tpu.memory_space<vmem>> -> memref<1x64x128xf32, #tpu.memory_space<vmem>>
      %get3A_364 = tpu.memref_squeeze %get3A_363 : memref<1x64x128xf32, #tpu.memory_space<vmem>> -> memref<64x128xf32, #tpu.memory_space<vmem>>
      %get3A_365 = arith.index_cast %scan3A_265 : i32 to index
      %get3A_366 = arith.constant 64 : index
      %get3A_367 = tpu.vector_load %get3A_364[%get3A_365, %get3A_366] {strides = array<i32>} : memref<64x128xf32, #tpu.memory_space<vmem>>, vector<16xf32>,
      %get3A_368 = arith.constant 0 : i32
      %get3A_369 = arith.constant 0 : i32
      %get3A_370 = tpu.memref_slice %arg11[%scan3A_126, %get3A_368, %get3A_369] : memref<2x64x128xf32, #tpu.memory_space<vmem>> -> memref<1x64x128xf32, #tpu.memory_space<vmem>>
      %get3A_371 = tpu.memref_squeeze %get3A_370 : memref<1x64x128xf32, #tpu.memory_space<vmem>> -> memref<64x128xf32, #tpu.memory_space<vmem>>
      %get3A_372 = arith.index_cast %scan3A_265 : i32 to index
      %get3A_373 = arith.constant 64 : index
      %get3A_374 = tpu.vector_load %get3A_371[%get3A_372, %get3A_373] {strides = array<i32>} : memref<64x128xf32, #tpu.memory_space<vmem>>, vector<16xf32>,
      %mul3A_375 = arith.mulf %get3A_367, %get3A_374 : vector<16xf32>
      %get3A_376 = arith.constant 0 : i32
      %get3A_377 = arith.constant 0 : i32
      %get3A_378 = tpu.memref_slice %arg10[%scan3A_127, %get3A_376, %get3A_377] : memref<2x64x128xf32, #tpu.memory_space<vmem>> -> memref<1x64x128xf32, #tpu.memory_space<vmem>>
      %get3A_379 = tpu.memref_squeeze %get3A_378 : memref<1x64x128xf32, #tpu.memory_space<vmem>> -> memref<64x128xf32, #tpu.memory_space<vmem>>
      %get3A_380 = arith.index_cast %scan3A_265 : i32 to index
      %get3A_381 = arith.constant 64 : index
      %get3A_382 = tpu.vector_load %get3A_379[%get3A_380, %get3A_381] {strides = array<i32>} : memref<64x128xf32, #tpu.memory_space<vmem>>, vector<16xf32>,
      %mul3A_383 = arith.mulf %mul3A_375, %get3A_382 : vector<16xf32>
      %add3A_384 = arith.addf %add3A_360, %mul3A_383 : vector<16xf32>
      %get3A_385 = arith.constant 0 : i32
      %get3A_386 = arith.constant 0 : i32
      %get3A_387 = tpu.memref_slice %arg9[%scan3A, %get3A_385, %get3A_386] : memref<2x64x128xf32, #tpu.memory_space<vmem>> -> memref<1x64x128xf32, #tpu.memory_space<vmem>>
      %get3A_388 = tpu.memref_squeeze %get3A_387 : memref<1x64x128xf32, #tpu.memory_space<vmem>> -> memref<64x128xf32, #tpu.memory_space<vmem>>
      %get3A_389 = arith.index_cast %scan3A_265 : i32 to index
      %get3A_390 = arith.constant 80 : index
      %get3A_391 = tpu.vector_load %get3A_388[%get3A_389, %get3A_390] {strides = array<i32>} : memref<64x128xf32, #tpu.memory_space<vmem>>, vector<16xf32>,
      %get3A_392 = arith.constant 0 : i32
      %get3A_393 = arith.constant 0 : i32
      %get3A_394 = tpu.memref_slice %arg11[%scan3A_126, %get3A_392, %get3A_393] : memref<2x64x128xf32, #tpu.memory_space<vmem>> -> memref<1x64x128xf32, #tpu.memory_space<vmem>>
      %get3A_395 = tpu.memref_squeeze %get3A_394 : memref<1x64x128xf32, #tpu.memory_space<vmem>> -> memref<64x128xf32, #tpu.memory_space<vmem>>
      %get3A_396 = arith.index_cast %scan3A_265 : i32 to index
      %get3A_397 = arith.constant 80 : index
      %get3A_398 = tpu.vector_load %get3A_395[%get3A_396, %get3A_397] {strides = array<i32>} : memref<64x128xf32, #tpu.memory_space<vmem>>, vector<16xf32>,
      %mul3A_399 = arith.mulf %get3A_391, %get3A_398 : vector<16xf32>
      %get3A_400 = arith.constant 0 : i32
      %get3A_401 = arith.constant 0 : i32
      %get3A_402 = tpu.memref_slice %arg10[%scan3A_127, %get3A_400, %get3A_401] : memref<2x64x128xf32, #tpu.memory_space<vmem>> -> memref<1x64x128xf32, #tpu.memory_space<vmem>>
      %get3A_403 = tpu.memref_squeeze %get3A_402 : memref<1x64x128xf32, #tpu.memory_space<vmem>> -> memref<64x128xf32, #tpu.memory_space<vmem>>
      %get3A_404 = arith.index_cast %scan3A_265 : i32 to index
      %get3A_405 = arith.constant 80 : index
      %get3A_406 = tpu.vector_load %get3A_403[%get3A_404, %get3A_405] {strides = array<i32>} : memref<64x128xf32, #tpu.memory_space<vmem>>, vector<16xf32>,
      %mul3A_407 = arith.mulf %mul3A_399, %get3A_406 : vector<16xf32>
      %add3A_408 = arith.addf %add3A_384, %mul3A_407 : vector<16xf32>
      %get3A_409 = arith.constant 0 : i32
      %get3A_410 = arith.constant 0 : i32
      %get3A_411 = tpu.memref_slice %arg9[%scan3A, %get3A_409, %get3A_410] : memref<2x64x128xf32, #tpu.memory_space<vmem>> -> memref<1x64x128xf32, #tpu.memory_space<vmem>>
      %get3A_412 = tpu.memref_squeeze %get3A_411 : memref<1x64x128xf32, #tpu.memory_space<vmem>> -> memref<64x128xf32, #tpu.memory_space<vmem>>
      %get3A_413 = arith.index_cast %scan3A_265 : i32 to index
      %get3A_414 = arith.constant 96 : index
      %get3A_415 = tpu.vector_load %get3A_412[%get3A_413, %get3A_414] {strides = array<i32>} : memref<64x128xf32, #tpu.memory_space<vmem>>, vector<16xf32>,
      %get3A_416 = arith.constant 0 : i32
      %get3A_417 = arith.constant 0 : i32
      %get3A_418 = tpu.memref_slice %arg11[%scan3A_126, %get3A_416, %get3A_417] : memref<2x64x128xf32, #tpu.memory_space<vmem>> -> memref<1x64x128xf32, #tpu.memory_space<vmem>>
      %get3A_419 = tpu.memref_squeeze %get3A_418 : memref<1x64x128xf32, #tpu.memory_space<vmem>> -> memref<64x128xf32, #tpu.memory_space<vmem>>
      %get3A_420 = arith.index_cast %scan3A_265 : i32 to index
      %get3A_421 = arith.constant 96 : index
      %get3A_422 = tpu.vector_load %get3A_419[%get3A_420, %get3A_421] {strides = array<i32>} : memref<64x128xf32, #tpu.memory_space<vmem>>, vector<16xf32>,
      %mul3A_423 = arith.mulf %get3A_415, %get3A_422 : vector<16xf32>
      %get3A_424 = arith.constant 0 : i32
      %get3A_425 = arith.constant 0 : i32
      %get3A_426 = tpu.memref_slice %arg10[%scan3A_127, %get3A_424, %get3A_425] : memref<2x64x128xf32, #tpu.memory_space<vmem>> -> memref<1x64x128xf32, #tpu.memory_space<vmem>>
      %get3A_427 = tpu.memref_squeeze %get3A_426 : memref<1x64x128xf32, #tpu.memory_space<vmem>> -> memref<64x128xf32, #tpu.memory_space<vmem>>
      %get3A_428 = arith.index_cast %scan3A_265 : i32 to index
      %get3A_429 = arith.constant 96 : index
      %get3A_430 = tpu.vector_load %get3A_427[%get3A_428, %get3A_429] {strides = array<i32>} : memref<64x128xf32, #tpu.memory_space<vmem>>, vector<16xf32>,
      %mul3A_431 = arith.mulf %mul3A_423, %get3A_430 : vector<16xf32>
      %add3A_432 = arith.addf %add3A_408, %mul3A_431 : vector<16xf32>
      %get3A_433 = arith.constant 0 : i32
      %get3A_434 = arith.constant 0 : i32
      %get3A_435 = tpu.memref_slice %arg9[%scan3A, %get3A_433, %get3A_434] : memref<2x64x128xf32, #tpu.memory_space<vmem>> -> memref<1x64x128xf32, #tpu.memory_space<vmem>>
      %get3A_436 = tpu.memref_squeeze %get3A_435 : memref<1x64x128xf32, #tpu.memory_space<vmem>> -> memref<64x128xf32, #tpu.memory_space<vmem>>
      %get3A_437 = arith.index_cast %scan3A_265 : i32 to index
      %get3A_438 = arith.constant 112 : index
      %get3A_439 = tpu.vector_load %get3A_436[%get3A_437, %get3A_438] {strides = array<i32>} : memref<64x128xf32, #tpu.memory_space<vmem>>, vector<16xf32>,
      %get3A_440 = arith.constant 0 : i32
      %get3A_441 = arith.constant 0 : i32
      %get3A_442 = tpu.memref_slice %arg11[%scan3A_126, %get3A_440, %get3A_441] : memref<2x64x128xf32, #tpu.memory_space<vmem>> -> memref<1x64x128xf32, #tpu.memory_space<vmem>>
      %get3A_443 = tpu.memref_squeeze %get3A_442 : memref<1x64x128xf32, #tpu.memory_space<vmem>> -> memref<64x128xf32, #tpu.memory_space<vmem>>
      %get3A_444 = arith.index_cast %scan3A_265 : i32 to index
      %get3A_445 = arith.constant 112 : index
      %get3A_446 = tpu.vector_load %get3A_443[%get3A_444, %get3A_445] {strides = array<i32>} : memref<64x128xf32, #tpu.memory_space<vmem>>, vector<16xf32>,
      %mul3A_447 = arith.mulf %get3A_439, %get3A_446 : vector<16xf32>
      %get3A_448 = arith.constant 0 : i32
      %get3A_449 = arith.constant 0 : i32
      %get3A_450 = tpu.memref_slice %arg10[%scan3A_127, %get3A_448, %get3A_449] : memref<2x64x128xf32, #tpu.memory_space<vmem>> -> memref<1x64x128xf32, #tpu.memory_space<vmem>>
      %get3A_451 = tpu.memref_squeeze %get3A_450 : memref<1x64x128xf32, #tpu.memory_space<vmem>> -> memref<64x128xf32, #tpu.memory_space<vmem>>
      %get3A_452 = arith.index_cast %scan3A_265 : i32 to index
      %get3A_453 = arith.constant 112 : index
      %get3A_454 = tpu.vector_load %get3A_451[%get3A_452, %get3A_453] {strides = array<i32>} : memref<64x128xf32, #tpu.memory_space<vmem>>, vector<16xf32>,
      %mul3A_455 = arith.mulf %mul3A_447, %get3A_454 : vector<16xf32>
      %add3A_456 = arith.addf %add3A_432, %mul3A_455 : vector<16xf32>
      %lt3A = arith.constant 0 : i32
      %lt3A_457 = vector.broadcast %lt3A : i32 to vector<16xi32>
      %lt3A_458 = arith.cmpi slt, %xor3A_4, %lt3A_457 : vector<16xi32>
      %add3A_459 = arith.constant 16 : i32
      %add3A_460 = vector.broadcast %add3A_459 : i32 to vector<16xi32>
      %add3A_461 = arith.addi %xor3A_4, %add3A_460 : vector<16xi32>
      %select_n3A = arith.select %lt3A_458, %add3A_461, %xor3A_4 : vector<16xi1>, vector<16xi32>
      %broadcast_in_dim3A = vector.shape_cast %select_n3A : vector<16xi32> to vector<16x1xi32>
      %gather3A = vector.shape_cast %broadcast_in_dim3A : vector<16x1xi32> to vector<16xi32>
      %gather3A_462 = tpu.dynamic_gather %add3A_456[%gather3A] in [0] : vector<16xf32>, vector<16xi32> -> vector<16xf32>
      %add3A_463 = arith.addf %add3A_456, %gather3A_462 : vector<16xf32>
      %lt3A_464 = arith.constant 0 : i32
      %lt3A_465 = vector.broadcast %lt3A_464 : i32 to vector<16xi32>
      %lt3A_466 = arith.cmpi slt, %xor3A_7, %lt3A_465 : vector<16xi32>
      %add3A_467 = arith.constant 16 : i32
      %add3A_468 = vector.broadcast %add3A_467 : i32 to vector<16xi32>
      %add3A_469 = arith.addi %xor3A_7, %add3A_468 : vector<16xi32>
      %select_n3A_470 = arith.select %lt3A_466, %add3A_469, %xor3A_7 : vector<16xi1>, vector<16xi32>
      %broadcast_in_dim3A_471 = vector.shape_cast %select_n3A_470 : vector<16xi32> to vector<16x1xi32>
      %gather3A_472 = vector.shape_cast %broadcast_in_dim3A_471 : vector<16x1xi32> to vector<16xi32>
      %gather3A_473 = tpu.dynamic_gather %add3A_463[%gather3A_472] in [0] : vector<16xf32>, vector<16xi32> -> vector<16xf32>
      %add3A_474 = arith.addf %add3A_463, %gather3A_473 : vector<16xf32>
      %lt3A_475 = arith.constant 0 : i32
      %lt3A_476 = vector.broadcast %lt3A_475 : i32 to vector<16xi32>
      %lt3A_477 = arith.cmpi slt, %xor3A_10, %lt3A_476 : vector<16xi32>
      %add3A_478 = arith.constant 16 : i32
      %add3A_479 = vector.broadcast %add3A_478 : i32 to vector<16xi32>
      %add3A_480 = arith.addi %xor3A_10, %add3A_479 : vector<16xi32>
      %select_n3A_481 = arith.select %lt3A_477, %add3A_480, %xor3A_10 : vector<16xi1>, vector<16xi32>
      %broadcast_in_dim3A_482 = vector.shape_cast %select_n3A_481 : vector<16xi32> to vector<16x1xi32>
      %gather3A_483 = vector.shape_cast %broadcast_in_dim3A_482 : vector<16x1xi32> to vector<16xi32>
      %gather3A_484 = tpu.dynamic_gather %add3A_474[%gather3A_483] in [0] : vector<16xf32>, vector<16xi32> -> vector<16xf32>
      %add3A_485 = arith.addf %add3A_474, %gather3A_484 : vector<16xf32>
      %lt3A_486 = arith.constant 0 : i32
      %lt3A_487 = vector.broadcast %lt3A_486 : i32 to vector<16xi32>
      %lt3A_488 = arith.cmpi slt, %xor3A_13, %lt3A_487 : vector<16xi32>
      %add3A_489 = arith.constant 16 : i32
      %add3A_490 = vector.broadcast %add3A_489 : i32 to vector<16xi32>
      %add3A_491 = arith.addi %xor3A_13, %add3A_490 : vector<16xi32>
      %select_n3A_492 = arith.select %lt3A_488, %add3A_491, %xor3A_13 : vector<16xi1>, vector<16xi32>
      %broadcast_in_dim3A_493 = vector.shape_cast %select_n3A_492 : vector<16xi32> to vector<16x1xi32>
      %gather3A_494 = vector.shape_cast %broadcast_in_dim3A_493 : vector<16x1xi32> to vector<16xi32>
      %gather3A_495 = tpu.dynamic_gather %add3A_485[%gather3A_494] in [0] : vector<16xf32>, vector<16xi32> -> vector<16xf32>
      %add3A_496 = arith.addf %add3A_485, %gather3A_495 : vector<16xf32>
      %add3A_497 = arith.constant 0 : i32
      %add3A_498 = arith.addi %add3A_497, %scan3A_265 : i32
      %broadcast_in_dim3A_499 = vector.broadcast %add3A_498 : i32 to vector<16xi32>
      tpu.vector_store_idx %arg8[%broadcast_in_dim3A_499], %add3A_496 masked %eq3A_15 : memref<192xf32, #tpu.memory_space<vmem>>[vector<16xi32>], vector<16xf32>, vector<16xi1>
      %scan3A_500 = arith.constant 0 : i32
      %scan3A_501 = arith.constant 1 : i32
      %scan3A_502 = arith.addi %scan3A_265, %scan3A_501 : i32
      %get3A_503 = arith.constant 0 : i32
      %get3A_504 = arith.constant 0 : i32
      %get3A_505 = tpu.memref_slice %arg9[%scan3A, %get3A_503, %get3A_504] : memref<2x64x128xf32, #tpu.memory_space<vmem>> -> memref<1x64x128xf32, #tpu.memory_space<vmem>>
      %get3A_506 = tpu.memref_squeeze %get3A_505 : memref<1x64x128xf32, #tpu.memory_space<vmem>> -> memref<64x128xf32, #tpu.memory_space<vmem>>
      %get3A_507 = arith.index_cast %scan3A_502 : i32 to index
      %get3A_508 = arith.constant 0 : index
      %get3A_509 = tpu.vector_load %get3A_506[%get3A_507, %get3A_508] {strides = array<i32>} : memref<64x128xf32, #tpu.memory_space<vmem>>, vector<16xf32>,
      %get3A_510 = arith.constant 0 : i32
      %get3A_511 = arith.constant 0 : i32
      %get3A_512 = tpu.memref_slice %arg11[%scan3A_126, %get3A_510, %get3A_511] : memref<2x64x128xf32, #tpu.memory_space<vmem>> -> memref<1x64x128xf32, #tpu.memory_space<vmem>>
      %get3A_513 = tpu.memref_squeeze %get3A_512 : memref<1x64x128xf32, #tpu.memory_space<vmem>> -> memref<64x128xf32, #tpu.memory_space<vmem>>
      %get3A_514 = arith.index_cast %scan3A_502 : i32 to index
      %get3A_515 = arith.constant 0 : index
      %get3A_516 = tpu.vector_load %get3A_513[%get3A_514, %get3A_515] {strides = array<i32>} : memref<64x128xf32, #tpu.memory_space<vmem>>, vector<16xf32>,
      %mul3A_517 = arith.mulf %get3A_509, %get3A_516 : vector<16xf32>
      %get3A_518 = arith.constant 0 : i32
      %get3A_519 = arith.constant 0 : i32
      %get3A_520 = tpu.memref_slice %arg10[%scan3A_127, %get3A_518, %get3A_519] : memref<2x64x128xf32, #tpu.memory_space<vmem>> -> memref<1x64x128xf32, #tpu.memory_space<vmem>>
      %get3A_521 = tpu.memref_squeeze %get3A_520 : memref<1x64x128xf32, #tpu.memory_space<vmem>> -> memref<64x128xf32, #tpu.memory_space<vmem>>
      %get3A_522 = arith.index_cast %scan3A_502 : i32 to index
      %get3A_523 = arith.constant 0 : index
      %get3A_524 = tpu.vector_load %get3A_521[%get3A_522, %get3A_523] {strides = array<i32>} : memref<64x128xf32, #tpu.memory_space<vmem>>, vector<16xf32>,
      %mul3A_525 = arith.mulf %mul3A_517, %get3A_524 : vector<16xf32>
      %get3A_526 = arith.constant 0 : i32
      %get3A_527 = arith.constant 0 : i32
      %get3A_528 = tpu.memref_slice %arg9[%scan3A, %get3A_526, %get3A_527] : memref<2x64x128xf32, #tpu.memory_space<vmem>> -> memref<1x64x128xf32, #tpu.memory_space<vmem>>
      %get3A_529 = tpu.memref_squeeze %get3A_528 : memref<1x64x128xf32, #tpu.memory_space<vmem>> -> memref<64x128xf32, #tpu.memory_space<vmem>>
      %get3A_530 = arith.index_cast %scan3A_502 : i32 to index
      %get3A_531 = arith.constant 16 : index
      %get3A_532 = tpu.vector_load %get3A_529[%get3A_530, %get3A_531] {strides = array<i32>} : memref<64x128xf32, #tpu.memory_space<vmem>>, vector<16xf32>,
      %get3A_533 = arith.constant 0 : i32
      %get3A_534 = arith.constant 0 : i32
      %get3A_535 = tpu.memref_slice %arg11[%scan3A_126, %get3A_533, %get3A_534] : memref<2x64x128xf32, #tpu.memory_space<vmem>> -> memref<1x64x128xf32, #tpu.memory_space<vmem>>
      %get3A_536 = tpu.memref_squeeze %get3A_535 : memref<1x64x128xf32, #tpu.memory_space<vmem>> -> memref<64x128xf32, #tpu.memory_space<vmem>>
      %get3A_537 = arith.index_cast %scan3A_502 : i32 to index
      %get3A_538 = arith.constant 16 : index
      %get3A_539 = tpu.vector_load %get3A_536[%get3A_537, %get3A_538] {strides = array<i32>} : memref<64x128xf32, #tpu.memory_space<vmem>>, vector<16xf32>,
      %mul3A_540 = arith.mulf %get3A_532, %get3A_539 : vector<16xf32>
      %get3A_541 = arith.constant 0 : i32
      %get3A_542 = arith.constant 0 : i32
      %get3A_543 = tpu.memref_slice %arg10[%scan3A_127, %get3A_541, %get3A_542] : memref<2x64x128xf32, #tpu.memory_space<vmem>> -> memref<1x64x128xf32, #tpu.memory_space<vmem>>
      %get3A_544 = tpu.memref_squeeze %get3A_543 : memref<1x64x128xf32, #tpu.memory_space<vmem>> -> memref<64x128xf32, #tpu.memory_space<vmem>>
      %get3A_545 = arith.index_cast %scan3A_502 : i32 to index
      %get3A_546 = arith.constant 16 : index
      %get3A_547 = tpu.vector_load %get3A_544[%get3A_545, %get3A_546] {strides = array<i32>} : memref<64x128xf32, #tpu.memory_space<vmem>>, vector<16xf32>,
      %mul3A_548 = arith.mulf %mul3A_540, %get3A_547 : vector<16xf32>
      %add3A_549 = arith.addf %mul3A_525, %mul3A_548 : vector<16xf32>
      %get3A_550 = arith.constant 0 : i32
      %get3A_551 = arith.constant 0 : i32
      %get3A_552 = tpu.memref_slice %arg9[%scan3A, %get3A_550, %get3A_551] : memref<2x64x128xf32, #tpu.memory_space<vmem>> -> memref<1x64x128xf32, #tpu.memory_space<vmem>>
      %get3A_553 = tpu.memref_squeeze %get3A_552 : memref<1x64x128xf32, #tpu.memory_space<vmem>> -> memref<64x128xf32, #tpu.memory_space<vmem>>
      %get3A_554 = arith.index_cast %scan3A_502 : i32 to index
      %get3A_555 = arith.constant 32 : index
      %get3A_556 = tpu.vector_load %get3A_553[%get3A_554, %get3A_555] {strides = array<i32>} : memref<64x128xf32, #tpu.memory_space<vmem>>, vector<16xf32>,
      %get3A_557 = arith.constant 0 : i32
      %get3A_558 = arith.constant 0 : i32
      %get3A_559 = tpu.memref_slice %arg11[%scan3A_126, %get3A_557, %get3A_558] : memref<2x64x128xf32, #tpu.memory_space<vmem>> -> memref<1x64x128xf32, #tpu.memory_space<vmem>>
      %get3A_560 = tpu.memref_squeeze %get3A_559 : memref<1x64x128xf32, #tpu.memory_space<vmem>> -> memref<64x128xf32, #tpu.memory_space<vmem>>
      %get3A_561 = arith.index_cast %scan3A_502 : i32 to index
      %get3A_562 = arith.constant 32 : index
      %get3A_563 = tpu.vector_load %get3A_560[%get3A_561, %get3A_562] {strides = array<i32>} : memref<64x128xf32, #tpu.memory_space<vmem>>, vector<16xf32>,
      %mul3A_564 = arith.mulf %get3A_556, %get3A_563 : vector<16xf32>
      %get3A_565 = arith.constant 0 : i32
      %get3A_566 = arith.constant 0 : i32
      %get3A_567 = tpu.memref_slice %arg10[%scan3A_127, %get3A_565, %get3A_566] : memref<2x64x128xf32, #tpu.memory_space<vmem>> -> memref<1x64x128xf32, #tpu.memory_space<vmem>>
      %get3A_568 = tpu.memref_squeeze %get3A_567 : memref<1x64x128xf32, #tpu.memory_space<vmem>> -> memref<64x128xf32, #tpu.memory_space<vmem>>
      %get3A_569 = arith.index_cast %scan3A_502 : i32 to index
      %get3A_570 = arith.constant 32 : index
      %get3A_571 = tpu.vector_load %get3A_568[%get3A_569, %get3A_570] {strides = array<i32>} : memref<64x128xf32, #tpu.memory_space<vmem>>, vector<16xf32>,
      %mul3A_572 = arith.mulf %mul3A_564, %get3A_571 : vector<16xf32>
      %add3A_573 = arith.addf %add3A_549, %mul3A_572 : vector<16xf32>
      %get3A_574 = arith.constant 0 : i32
      %get3A_575 = arith.constant 0 : i32
      %get3A_576 = tpu.memref_slice %arg9[%scan3A, %get3A_574, %get3A_575] : memref<2x64x128xf32, #tpu.memory_space<vmem>> -> memref<1x64x128xf32, #tpu.memory_space<vmem>>
      %get3A_577 = tpu.memref_squeeze %get3A_576 : memref<1x64x128xf32, #tpu.memory_space<vmem>> -> memref<64x128xf32, #tpu.memory_space<vmem>>
      %get3A_578 = arith.index_cast %scan3A_502 : i32 to index
      %get3A_579 = arith.constant 48 : index
      %get3A_580 = tpu.vector_load %get3A_577[%get3A_578, %get3A_579] {strides = array<i32>} : memref<64x128xf32, #tpu.memory_space<vmem>>, vector<16xf32>,
      %get3A_581 = arith.constant 0 : i32
      %get3A_582 = arith.constant 0 : i32
      %get3A_583 = tpu.memref_slice %arg11[%scan3A_126, %get3A_581, %get3A_582] : memref<2x64x128xf32, #tpu.memory_space<vmem>> -> memref<1x64x128xf32, #tpu.memory_space<vmem>>
      %get3A_584 = tpu.memref_squeeze %get3A_583 : memref<1x64x128xf32, #tpu.memory_space<vmem>> -> memref<64x128xf32, #tpu.memory_space<vmem>>
      %get3A_585 = arith.index_cast %scan3A_502 : i32 to index
      %get3A_586 = arith.constant 48 : index
      %get3A_587 = tpu.vector_load %get3A_584[%get3A_585, %get3A_586] {strides = array<i32>} : memref<64x128xf32, #tpu.memory_space<vmem>>, vector<16xf32>,
      %mul3A_588 = arith.mulf %get3A_580, %get3A_587 : vector<16xf32>
      %get3A_589 = arith.constant 0 : i32
      %get3A_590 = arith.constant 0 : i32
      %get3A_591 = tpu.memref_slice %arg10[%scan3A_127, %get3A_589, %get3A_590] : memref<2x64x128xf32, #tpu.memory_space<vmem>> -> memref<1x64x128xf32, #tpu.memory_space<vmem>>
      %get3A_592 = tpu.memref_squeeze %get3A_591 : memref<1x64x128xf32, #tpu.memory_space<vmem>> -> memref<64x128xf32, #tpu.memory_space<vmem>>
      %get3A_593 = arith.index_cast %scan3A_502 : i32 to index
      %get3A_594 = arith.constant 48 : index
      %get3A_595 = tpu.vector_load %get3A_592[%get3A_593, %get3A_594] {strides = array<i32>} : memref<64x128xf32, #tpu.memory_space<vmem>>, vector<16xf32>,
      %mul3A_596 = arith.mulf %mul3A_588, %get3A_595 : vector<16xf32>
      %add3A_597 = arith.addf %add3A_573, %mul3A_596 : vector<16xf32>
      %get3A_598 = arith.constant 0 : i32
      %get3A_599 = arith.constant 0 : i32
      %get3A_600 = tpu.memref_slice %arg9[%scan3A, %get3A_598, %get3A_599] : memref<2x64x128xf32, #tpu.memory_space<vmem>> -> memref<1x64x128xf32, #tpu.memory_space<vmem>>
      %get3A_601 = tpu.memref_squeeze %get3A_600 : memref<1x64x128xf32, #tpu.memory_space<vmem>> -> memref<64x128xf32, #tpu.memory_space<vmem>>
      %get3A_602 = arith.index_cast %scan3A_502 : i32 to index
      %get3A_603 = arith.constant 64 : index
      %get3A_604 = tpu.vector_load %get3A_601[%get3A_602, %get3A_603] {strides = array<i32>} : memref<64x128xf32, #tpu.memory_space<vmem>>, vector<16xf32>,
      %get3A_605 = arith.constant 0 : i32
      %get3A_606 = arith.constant 0 : i32
      %get3A_607 = tpu.memref_slice %arg11[%scan3A_126, %get3A_605, %get3A_606] : memref<2x64x128xf32, #tpu.memory_space<vmem>> -> memref<1x64x128xf32, #tpu.memory_space<vmem>>
      %get3A_608 = tpu.memref_squeeze %get3A_607 : memref<1x64x128xf32, #tpu.memory_space<vmem>> -> memref<64x128xf32, #tpu.memory_space<vmem>>
      %get3A_609 = arith.index_cast %scan3A_502 : i32 to index
      %get3A_610 = arith.constant 64 : index
      %get3A_611 = tpu.vector_load %get3A_608[%get3A_609, %get3A_610] {strides = array<i32>} : memref<64x128xf32, #tpu.memory_space<vmem>>, vector<16xf32>,
      %mul3A_612 = arith.mulf %get3A_604, %get3A_611 : vector<16xf32>
      %get3A_613 = arith.constant 0 : i32
      %get3A_614 = arith.constant 0 : i32
      %get3A_615 = tpu.memref_slice %arg10[%scan3A_127, %get3A_613, %get3A_614] : memref<2x64x128xf32, #tpu.memory_space<vmem>> -> memref<1x64x128xf32, #tpu.memory_space<vmem>>
      %get3A_616 = tpu.memref_squeeze %get3A_615 : memref<1x64x128xf32, #tpu.memory_space<vmem>> -> memref<64x128xf32, #tpu.memory_space<vmem>>
      %get3A_617 = arith.index_cast %scan3A_502 : i32 to index
      %get3A_618 = arith.constant 64 : index
      %get3A_619 = tpu.vector_load %get3A_616[%get3A_617, %get3A_618] {strides = array<i32>} : memref<64x128xf32, #tpu.memory_space<vmem>>, vector<16xf32>,
      %mul3A_620 = arith.mulf %mul3A_612, %get3A_619 : vector<16xf32>
      %add3A_621 = arith.addf %add3A_597, %mul3A_620 : vector<16xf32>
      %get3A_622 = arith.constant 0 : i32
      %get3A_623 = arith.constant 0 : i32
      %get3A_624 = tpu.memref_slice %arg9[%scan3A, %get3A_622, %get3A_623] : memref<2x64x128xf32, #tpu.memory_space<vmem>> -> memref<1x64x128xf32, #tpu.memory_space<vmem>>
      %get3A_625 = tpu.memref_squeeze %get3A_624 : memref<1x64x128xf32, #tpu.memory_space<vmem>> -> memref<64x128xf32, #tpu.memory_space<vmem>>
      %get3A_626 = arith.index_cast %scan3A_502 : i32 to index
      %get3A_627 = arith.constant 80 : index
      %get3A_628 = tpu.vector_load %get3A_625[%get3A_626, %get3A_627] {strides = array<i32>} : memref<64x128xf32, #tpu.memory_space<vmem>>, vector<16xf32>,
      %get3A_629 = arith.constant 0 : i32
      %get3A_630 = arith.constant 0 : i32
      %get3A_631 = tpu.memref_slice %arg11[%scan3A_126, %get3A_629, %get3A_630] : memref<2x64x128xf32, #tpu.memory_space<vmem>> -> memref<1x64x128xf32, #tpu.memory_space<vmem>>
      %get3A_632 = tpu.memref_squeeze %get3A_631 : memref<1x64x128xf32, #tpu.memory_space<vmem>> -> memref<64x128xf32, #tpu.memory_space<vmem>>
      %get3A_633 = arith.index_cast %scan3A_502 : i32 to index
      %get3A_634 = arith.constant 80 : index
      %get3A_635 = tpu.vector_load %get3A_632[%get3A_633, %get3A_634] {strides = array<i32>} : memref<64x128xf32, #tpu.memory_space<vmem>>, vector<16xf32>,
      %mul3A_636 = arith.mulf %get3A_628, %get3A_635 : vector<16xf32>
      %get3A_637 = arith.constant 0 : i32
      %get3A_638 = arith.constant 0 : i32
      %get3A_639 = tpu.memref_slice %arg10[%scan3A_127, %get3A_637, %get3A_638] : memref<2x64x128xf32, #tpu.memory_space<vmem>> -> memref<1x64x128xf32, #tpu.memory_space<vmem>>
      %get3A_640 = tpu.memref_squeeze %get3A_639 : memref<1x64x128xf32, #tpu.memory_space<vmem>> -> memref<64x128xf32, #tpu.memory_space<vmem>>
      %get3A_641 = arith.index_cast %scan3A_502 : i32 to index
      %get3A_642 = arith.constant 80 : index
      %get3A_643 = tpu.vector_load %get3A_640[%get3A_641, %get3A_642] {strides = array<i32>} : memref<64x128xf32, #tpu.memory_space<vmem>>, vector<16xf32>,
      %mul3A_644 = arith.mulf %mul3A_636, %get3A_643 : vector<16xf32>
      %add3A_645 = arith.addf %add3A_621, %mul3A_644 : vector<16xf32>
      %get3A_646 = arith.constant 0 : i32
      %get3A_647 = arith.constant 0 : i32
      %get3A_648 = tpu.memref_slice %arg9[%scan3A, %get3A_646, %get3A_647] : memref<2x64x128xf32, #tpu.memory_space<vmem>> -> memref<1x64x128xf32, #tpu.memory_space<vmem>>
      %get3A_649 = tpu.memref_squeeze %get3A_648 : memref<1x64x128xf32, #tpu.memory_space<vmem>> -> memref<64x128xf32, #tpu.memory_space<vmem>>
      %get3A_650 = arith.index_cast %scan3A_502 : i32 to index
      %get3A_651 = arith.constant 96 : index
      %get3A_652 = tpu.vector_load %get3A_649[%get3A_650, %get3A_651] {strides = array<i32>} : memref<64x128xf32, #tpu.memory_space<vmem>>, vector<16xf32>,
      %get3A_653 = arith.constant 0 : i32
      %get3A_654 = arith.constant 0 : i32
      %get3A_655 = tpu.memref_slice %arg11[%scan3A_126, %get3A_653, %get3A_654] : memref<2x64x128xf32, #tpu.memory_space<vmem>> -> memref<1x64x128xf32, #tpu.memory_space<vmem>>
      %get3A_656 = tpu.memref_squeeze %get3A_655 : memref<1x64x128xf32, #tpu.memory_space<vmem>> -> memref<64x128xf32, #tpu.memory_space<vmem>>
      %get3A_657 = arith.index_cast %scan3A_502 : i32 to index
      %get3A_658 = arith.constant 96 : index
      %get3A_659 = tpu.vector_load %get3A_656[%get3A_657, %get3A_658] {strides = array<i32>} : memref<64x128xf32, #tpu.memory_space<vmem>>, vector<16xf32>,
      %mul3A_660 = arith.mulf %get3A_652, %get3A_659 : vector<16xf32>
      %get3A_661 = arith.constant 0 : i32
      %get3A_662 = arith.constant 0 : i32
      %get3A_663 = tpu.memref_slice %arg10[%scan3A_127, %get3A_661, %get3A_662] : memref<2x64x128xf32, #tpu.memory_space<vmem>> -> memref<1x64x128xf32, #tpu.memory_space<vmem>>
      %get3A_664 = tpu.memref_squeeze %get3A_663 : memref<1x64x128xf32, #tpu.memory_space<vmem>> -> memref<64x128xf32, #tpu.memory_space<vmem>>
      %get3A_665 = arith.index_cast %scan3A_502 : i32 to index
      %get3A_666 = arith.constant 96 : index
      %get3A_667 = tpu.vector_load %get3A_664[%get3A_665, %get3A_666] {strides = array<i32>} : memref<64x128xf32, #tpu.memory_space<vmem>>, vector<16xf32>,
      %mul3A_668 = arith.mulf %mul3A_660, %get3A_667 : vector<16xf32>
      %add3A_669 = arith.addf %add3A_645, %mul3A_668 : vector<16xf32>
      %get3A_670 = arith.constant 0 : i32
      %get3A_671 = arith.constant 0 : i32
      %get3A_672 = tpu.memref_slice %arg9[%scan3A, %get3A_670, %get3A_671] : memref<2x64x128xf32, #tpu.memory_space<vmem>> -> memref<1x64x128xf32, #tpu.memory_space<vmem>>
      %get3A_673 = tpu.memref_squeeze %get3A_672 : memref<1x64x128xf32, #tpu.memory_space<vmem>> -> memref<64x128xf32, #tpu.memory_space<vmem>>
      %get3A_674 = arith.index_cast %scan3A_502 : i32 to index
      %get3A_675 = arith.constant 112 : index
      %get3A_676 = tpu.vector_load %get3A_673[%get3A_674, %get3A_675] {strides = array<i32>} : memref<64x128xf32, #tpu.memory_space<vmem>>, vector<16xf32>,
      %get3A_677 = arith.constant 0 : i32
      %get3A_678 = arith.constant 0 : i32
      %get3A_679 = tpu.memref_slice %arg11[%scan3A_126, %get3A_677, %get3A_678] : memref<2x64x128xf32, #tpu.memory_space<vmem>> -> memref<1x64x128xf32, #tpu.memory_space<vmem>>
      %get3A_680 = tpu.memref_squeeze %get3A_679 : memref<1x64x128xf32, #tpu.memory_space<vmem>> -> memref<64x128xf32, #tpu.memory_space<vmem>>
      %get3A_681 = arith.index_cast %scan3A_502 : i32 to index
      %get3A_682 = arith.constant 112 : index
      %get3A_683 = tpu.vector_load %get3A_680[%get3A_681, %get3A_682] {strides = array<i32>} : memref<64x128xf32, #tpu.memory_space<vmem>>, vector<16xf32>,
      %mul3A_684 = arith.mulf %get3A_676, %get3A_683 : vector<16xf32>
      %get3A_685 = arith.constant 0 : i32
      %get3A_686 = arith.constant 0 : i32
      %get3A_687 = tpu.memref_slice %arg10[%scan3A_127, %get3A_685, %get3A_686] : memref<2x64x128xf32, #tpu.memory_space<vmem>> -> memref<1x64x128xf32, #tpu.memory_space<vmem>>
      %get3A_688 = tpu.memref_squeeze %get3A_687 : memref<1x64x128xf32, #tpu.memory_space<vmem>> -> memref<64x128xf32, #tpu.memory_space<vmem>>
      %get3A_689 = arith.index_cast %scan3A_502 : i32 to index
      %get3A_690 = arith.constant 112 : index
      %get3A_691 = tpu.vector_load %get3A_688[%get3A_689, %get3A_690] {strides = array<i32>} : memref<64x128xf32, #tpu.memory_space<vmem>>, vector<16xf32>,
      %mul3A_692 = arith.mulf %mul3A_684, %get3A_691 : vector<16xf32>
      %add3A_693 = arith.addf %add3A_669, %mul3A_692 : vector<16xf32>
      %lt3A_694 = arith.constant 0 : i32
      %lt3A_695 = vector.broadcast %lt3A_694 : i32 to vector<16xi32>
      %lt3A_696 = arith.cmpi slt, %xor3A_4, %lt3A_695 : vector<16xi32>
      %add3A_697 = arith.constant 16 : i32
      %add3A_698 = vector.broadcast %add3A_697 : i32 to vector<16xi32>
      %add3A_699 = arith.addi %xor3A_4, %add3A_698 : vector<16xi32>
      %select_n3A_700 = arith.select %lt3A_696, %add3A_699, %xor3A_4 : vector<16xi1>, vector<16xi32>
      %broadcast_in_dim3A_701 = vector.shape_cast %select_n3A_700 : vector<16xi32> to vector<16x1xi32>
      %gather3A_702 = vector.shape_cast %broadcast_in_dim3A_701 : vector<16x1xi32> to vector<16xi32>
      %gather3A_703 = tpu.dynamic_gather %add3A_693[%gather3A_702] in [0] : vector<16xf32>, vector<16xi32> -> vector<16xf32>
      %add3A_704 = arith.addf %add3A_693, %gather3A_703 : vector<16xf32>
      %lt3A_705 = arith.constant 0 : i32
      %lt3A_706 = vector.broadcast %lt3A_705 : i32 to vector<16xi32>
      %lt3A_707 = arith.cmpi slt, %xor3A_7, %lt3A_706 : vector<16xi32>
      %add3A_708 = arith.constant 16 : i32
      %add3A_709 = vector.broadcast %add3A_708 : i32 to vector<16xi32>
      %add3A_710 = arith.addi %xor3A_7, %add3A_709 : vector<16xi32>
      %select_n3A_711 = arith.select %lt3A_707, %add3A_710, %xor3A_7 : vector<16xi1>, vector<16xi32>
      %broadcast_in_dim3A_712 = vector.shape_cast %select_n3A_711 : vector<16xi32> to vector<16x1xi32>
      %gather3A_713 = vector.shape_cast %broadcast_in_dim3A_712 : vector<16x1xi32> to vector<16xi32>
      %gather3A_714 = tpu.dynamic_gather %add3A_704[%gather3A_713] in [0] : vector<16xf32>, vector<16xi32> -> vector<16xf32>
      %add3A_715 = arith.addf %add3A_704, %gather3A_714 : vector<16xf32>
      %lt3A_716 = arith.constant 0 : i32
      %lt3A_717 = vector.broadcast %lt3A_716 : i32 to vector<16xi32>
      %lt3A_718 = arith.cmpi slt, %xor3A_10, %lt3A_717 : vector<16xi32>
      %add3A_719 = arith.constant 16 : i32
      %add3A_720 = vector.broadcast %add3A_719 : i32 to vector<16xi32>
      %add3A_721 = arith.addi %xor3A_10, %add3A_720 : vector<16xi32>
      %select_n3A_722 = arith.select %lt3A_718, %add3A_721, %xor3A_10 : vector<16xi1>, vector<16xi32>
      %broadcast_in_dim3A_723 = vector.shape_cast %select_n3A_722 : vector<16xi32> to vector<16x1xi32>
      %gather3A_724 = vector.shape_cast %broadcast_in_dim3A_723 : vector<16x1xi32> to vector<16xi32>
      %gather3A_725 = tpu.dynamic_gather %add3A_715[%gather3A_724] in [0] : vector<16xf32>, vector<16xi32> -> vector<16xf32>
      %add3A_726 = arith.addf %add3A_715, %gather3A_725 : vector<16xf32>
      %lt3A_727 = arith.constant 0 : i32
      %lt3A_728 = vector.broadcast %lt3A_727 : i32 to vector<16xi32>
      %lt3A_729 = arith.cmpi slt, %xor3A_13, %lt3A_728 : vector<16xi32>
      %add3A_730 = arith.constant 16 : i32
      %add3A_731 = vector.broadcast %add3A_730 : i32 to vector<16xi32>
      %add3A_732 = arith.addi %xor3A_13, %add3A_731 : vector<16xi32>
      %select_n3A_733 = arith.select %lt3A_729, %add3A_732, %xor3A_13 : vector<16xi1>, vector<16xi32>
      %broadcast_in_dim3A_734 = vector.shape_cast %select_n3A_733 : vector<16xi32> to vector<16x1xi32>
      %gather3A_735 = vector.shape_cast %broadcast_in_dim3A_734 : vector<16x1xi32> to vector<16xi32>
      %gather3A_736 = tpu.dynamic_gather %add3A_726[%gather3A_735] in [0] : vector<16xf32>, vector<16xi32> -> vector<16xf32>
      %add3A_737 = arith.addf %add3A_726, %gather3A_736 : vector<16xf32>
      %add3A_738 = arith.constant 0 : i32
      %add3A_739 = arith.addi %add3A_738, %scan3A_502 : i32
      %broadcast_in_dim3A_740 = vector.broadcast %add3A_739 : i32 to vector<16xi32>
      tpu.vector_store_idx %arg8[%broadcast_in_dim3A_740], %add3A_737 masked %eq3A_15 : memref<192xf32, #tpu.memory_space<vmem>>[vector<16xi32>], vector<16xf32>, vector<16xi1>
      %scan3A_741 = arith.constant 0 : i32
      scf.yield %scan3A_741 : i32
    }
    %scan3A_134 = arith.constant 64 : i32
    %add3A_135 = arith.constant 128 : i32
    %add3A_136 = arith.addi %mul3A_2, %add3A_135 : i32
    %dma_start3A_137 = arith.constant 0 : i32
    %dma_start3A_138 = arith.constant 0 : i32
    %dma_start3A_139 = arith.constant 0 : i32
    %dma_start3A_140 = tpu.memref_slice %arg9[%dma_start3A_137, %dma_start3A_138, %dma_start3A_139] : memref<2x64x128xf32, #tpu.memory_space<vmem>> -> memref<1x64x128xf32, #tpu.memory_space<vmem>>
    %dma_start3A_141 = tpu.memref_squeeze %dma_start3A_140 : memref<1x64x128xf32, #tpu.memory_space<vmem>> -> memref<64x128xf32, #tpu.memory_space<vmem>>
    %dma_start3A_142 = arith.constant 0 : i32
    %dma_start3A_143 = tpu.memref_slice %arg2[%add3A_136, %dma_start3A_142] : memref<16384x128xf32, #tpu.memory_space<hbm>> -> memref<64x128xf32, #tpu.memory_space<hbm>>
    %dma_start3A_144 = arith.constant 0 : i32
    %dma_start3A_145 = arith.constant 0 : i32
    %dma_start3A_146 = tpu.memref_slice %arg9[%dma_start3A_137, %dma_start3A_144, %dma_start3A_145] : memref<2x64x128xf32, #tpu.memory_space<vmem>> -> memref<1x64x128xf32, #tpu.memory_space<vmem>>
    %dma_start3A_147 = tpu.memref_squeeze %dma_start3A_146 : memref<1x64x128xf32, #tpu.memory_space<vmem>> -> memref<64x128xf32, #tpu.memory_space<vmem>>
    %dma_start3A_148 = arith.constant 0 : i32
    %dma_start3A_149 = tpu.memref_slice %arg2[%add3A_136, %dma_start3A_148] : memref<16384x128xf32, #tpu.memory_space<hbm>> -> memref<64x128xf32, #tpu.memory_space<hbm>>
    tpu.enqueue_dma source(%dma_start3A_149 : memref<64x128xf32, #tpu.memory_space<hbm>>) target(%dma_start3A_147 : memref<64x128xf32, #tpu.memory_space<vmem>>) target_semaphore(%arg12 : memref<!tpu.dma_semaphore, #tpu.memory_space<semaphore_mem>>)
    %dma_start3A_150 = arith.constant 0 : i32
    %dma_start3A_151 = arith.constant 0 : i32
    %dma_start3A_152 = arith.constant 0 : i32
    %dma_start3A_153 = tpu.memref_slice %arg10[%dma_start3A_150, %dma_start3A_151, %dma_start3A_152] : memref<2x64x128xf32, #tpu.memory_space<vmem>> -> memref<1x64x128xf32, #tpu.memory_space<vmem>>
    %dma_start3A_154 = tpu.memref_squeeze %dma_start3A_153 : memref<1x64x128xf32, #tpu.memory_space<vmem>> -> memref<64x128xf32, #tpu.memory_space<vmem>>
    %dma_start3A_155 = arith.constant 0 : i32
    %dma_start3A_156 = tpu.memref_slice %arg4[%add3A_136, %dma_start3A_155] : memref<16384x128xf32, #tpu.memory_space<hbm>> -> memref<64x128xf32, #tpu.memory_space<hbm>>
    %dma_start3A_157 = arith.constant 0 : i32
    %dma_start3A_158 = arith.constant 0 : i32
    %dma_start3A_159 = tpu.memref_slice %arg10[%dma_start3A_150, %dma_start3A_157, %dma_start3A_158] : memref<2x64x128xf32, #tpu.memory_space<vmem>> -> memref<1x64x128xf32, #tpu.memory_space<vmem>>
    %dma_start3A_160 = tpu.memref_squeeze %dma_start3A_159 : memref<1x64x128xf32, #tpu.memory_space<vmem>> -> memref<64x128xf32, #tpu.memory_space<vmem>>
    %dma_start3A_161 = arith.constant 0 : i32
    %dma_start3A_162 = tpu.memref_slice %arg4[%add3A_136, %dma_start3A_161] : memref<16384x128xf32, #tpu.memory_space<hbm>> -> memref<64x128xf32, #tpu.memory_space<hbm>>
    tpu.enqueue_dma source(%dma_start3A_162 : memref<64x128xf32, #tpu.memory_space<hbm>>) target(%dma_start3A_160 : memref<64x128xf32, #tpu.memory_space<vmem>>) target_semaphore(%arg12 : memref<!tpu.dma_semaphore, #tpu.memory_space<semaphore_mem>>)
    %dma_start3A_163 = arith.constant 0 : i32
    %dma_start3A_164 = arith.constant 0 : i32
    %dma_start3A_165 = arith.constant 0 : i32
    %dma_start3A_166 = tpu.memref_slice %arg11[%dma_start3A_163, %dma_start3A_164, %dma_start3A_165] : memref<2x64x128xf32, #tpu.memory_space<vmem>> -> memref<1x64x128xf32, #tpu.memory_space<vmem>>
    %dma_start3A_167 = tpu.memref_squeeze %dma_start3A_166 : memref<1x64x128xf32, #tpu.memory_space<vmem>> -> memref<64x128xf32, #tpu.memory_space<vmem>>
    %dma_start3A_168 = arith.constant 128 : i32
    %dma_start3A_169 = tpu.memref_slice %arg7[%dma_start3A_168] : memref<192xi32, #tpu.memory_space<vmem>> -> memref<64xi32, #tpu.memory_space<vmem>>
    %dma_start3A_170 = arith.constant 0 : i32
    %dma_start3A_171 = arith.constant 0 : i32
    %dma_start3A_172 = tpu.memref_slice %arg5[%dma_start3A_170, %dma_start3A_171] : memref<1000x128xf32, #tpu.memory_space<hbm>> -> memref<1000x128xf32, #tpu.memory_space<hbm>>
    tpu.enqueue_indirect_dma source(%dma_start3A_172 : memref<1000x128xf32, #tpu.memory_space<hbm>>) target(%dma_start3A_167 : memref<64x128xf32, #tpu.memory_space<vmem>>) offsets(%dma_start3A_169 : memref<64xi32, #tpu.memory_space<vmem>>) semaphore(%arg12 : memref<!tpu.dma_semaphore, #tpu.memory_space<semaphore_mem>>)
    %dma_wait3A_173 = arith.constant 1 : i32
    %dma_wait3A_174 = arith.constant 0 : i32
    %dma_wait3A_175 = arith.constant 0 : i32
    %dma_wait3A_176 = tpu.memref_slice %arg9[%dma_wait3A_173, %dma_wait3A_174, %dma_wait3A_175] : memref<2x64x128xf32, #tpu.memory_space<vmem>> -> memref<1x64x128xf32, #tpu.memory_space<vmem>>
    %dma_wait3A_177 = tpu.memref_squeeze %dma_wait3A_176 : memref<1x64x128xf32, #tpu.memory_space<vmem>> -> memref<64x128xf32, #tpu.memory_space<vmem>>
    %dma_wait3A_178 = arith.constant 0 : i32
    %dma_wait3A_179 = tpu.memref_slice %arg2[%add3A_54, %dma_wait3A_178] : memref<16384x128xf32, #tpu.memory_space<hbm>> -> memref<64x128xf32, #tpu.memory_space<hbm>>
    %dma_wait3A_180 = arith.constant 0 : i32
    %dma_wait3A_181 = arith.constant 0 : i32
    %dma_wait3A_182 = tpu.memref_slice %arg9[%dma_wait3A_173, %dma_wait3A_180, %dma_wait3A_181] : memref<2x64x128xf32, #tpu.memory_space<vmem>> -> memref<1x64x128xf32, #tpu.memory_space<vmem>>
    %dma_wait3A_183 = tpu.memref_squeeze %dma_wait3A_182 : memref<1x64x128xf32, #tpu.memory_space<vmem>> -> memref<64x128xf32, #tpu.memory_space<vmem>>
    %dma_wait3A_184 = arith.constant 0 : i32
    %dma_wait3A_185 = tpu.memref_slice %arg2[%add3A_54, %dma_wait3A_184] : memref<16384x128xf32, #tpu.memory_space<hbm>> -> memref<64x128xf32, #tpu.memory_space<hbm>>
    tpu.wait_dma2 semaphore(%arg13 : memref<!tpu.dma_semaphore, #tpu.memory_space<semaphore_mem>>) src(%dma_wait3A_185 : memref<64x128xf32, #tpu.memory_space<hbm>>) dst(%dma_wait3A_183 : memref<64x128xf32, #tpu.memory_space<vmem>>)
    %dma_wait3A_186 = arith.constant 1 : i32
    %dma_wait3A_187 = arith.constant 0 : i32
    %dma_wait3A_188 = arith.constant 0 : i32
    %dma_wait3A_189 = tpu.memref_slice %arg10[%dma_wait3A_186, %dma_wait3A_187, %dma_wait3A_188] : memref<2x64x128xf32, #tpu.memory_space<vmem>> -> memref<1x64x128xf32, #tpu.memory_space<vmem>>
    %dma_wait3A_190 = tpu.memref_squeeze %dma_wait3A_189 : memref<1x64x128xf32, #tpu.memory_space<vmem>> -> memref<64x128xf32, #tpu.memory_space<vmem>>
    %dma_wait3A_191 = arith.constant 0 : i32
    %dma_wait3A_192 = tpu.memref_slice %arg4[%add3A_54, %dma_wait3A_191] : memref<16384x128xf32, #tpu.memory_space<hbm>> -> memref<64x128xf32, #tpu.memory_space<hbm>>
    %dma_wait3A_193 = arith.constant 0 : i32
    %dma_wait3A_194 = arith.constant 0 : i32
    %dma_wait3A_195 = tpu.memref_slice %arg10[%dma_wait3A_186, %dma_wait3A_193, %dma_wait3A_194] : memref<2x64x128xf32, #tpu.memory_space<vmem>> -> memref<1x64x128xf32, #tpu.memory_space<vmem>>
    %dma_wait3A_196 = tpu.memref_squeeze %dma_wait3A_195 : memref<1x64x128xf32, #tpu.memory_space<vmem>> -> memref<64x128xf32, #tpu.memory_space<vmem>>
    %dma_wait3A_197 = arith.constant 0 : i32
    %dma_wait3A_198 = tpu.memref_slice %arg4[%add3A_54, %dma_wait3A_197] : memref<16384x128xf32, #tpu.memory_space<hbm>> -> memref<64x128xf32, #tpu.memory_space<hbm>>
    tpu.wait_dma2 semaphore(%arg13 : memref<!tpu.dma_semaphore, #tpu.memory_space<semaphore_mem>>) src(%dma_wait3A_198 : memref<64x128xf32, #tpu.memory_space<hbm>>) dst(%dma_wait3A_196 : memref<64x128xf32, #tpu.memory_space<vmem>>)
    %dma_wait3A_199 = arith.constant 1 : i32
    %dma_wait3A_200 = arith.constant 0 : i32
    %dma_wait3A_201 = arith.constant 0 : i32
    %dma_wait3A_202 = tpu.memref_slice %arg11[%dma_wait3A_199, %dma_wait3A_200, %dma_wait3A_201] : memref<2x64x128xf32, #tpu.memory_space<vmem>> -> memref<1x64x128xf32, #tpu.memory_space<vmem>>
    %dma_wait3A_203 = tpu.memref_squeeze %dma_wait3A_202 : memref<1x64x128xf32, #tpu.memory_space<vmem>> -> memref<64x128xf32, #tpu.memory_space<vmem>>
    %dma_wait3A_204 = arith.constant 64 : i32
    %dma_wait3A_205 = tpu.memref_slice %arg7[%dma_wait3A_204] : memref<192xi32, #tpu.memory_space<vmem>> -> memref<64xi32, #tpu.memory_space<vmem>>
    %dma_wait3A_206 = arith.constant 0 : i32
    %dma_wait3A_207 = arith.constant 0 : i32
    %dma_wait3A_208 = tpu.memref_slice %arg5[%dma_wait3A_206, %dma_wait3A_207] : memref<1000x128xf32, #tpu.memory_space<hbm>> -> memref<1000x128xf32, #tpu.memory_space<hbm>>
    tpu.wait_indirect_dma semaphore(%arg13 : memref<!tpu.dma_semaphore, #tpu.memory_space<semaphore_mem>>) src(%dma_wait3A_208 : memref<1000x128xf32, #tpu.memory_space<hbm>>) dst(%dma_wait3A_203 : memref<64x128xf32, #tpu.memory_space<vmem>>)
    %scan3A_209 = arith.constant 1 : i32
    %scan3A_210 = arith.constant 1 : i32
    %scan3A_211 = arith.constant 1 : i32
    %scan3A_212 = arith.constant 0 : i32
    %scan3A_213 = arith.constant 0 : i32
    %scan3A_214 = arith.constant 64 : i32
    %scan3A_215 = arith.addi %scan3A_213, %scan3A_214 : i32
    %scan3A_216 = arith.constant 2 : i32
    %scan3A_217 = scf.for %scan3A_265 = %scan3A_213 to %scan3A_215 step %scan3A_216 iter_args(%scan3A_266 = %scan3A_212) -> (i32)  : i32 {
      %get3A = arith.constant 0 : i32
      %get3A_267 = arith.constant 0 : i32
      %get3A_268 = tpu.memref_slice %arg9[%scan3A_209, %get3A, %get3A_267] : memref<2x64x128xf32, #tpu.memory_space<vmem>> -> memref<1x64x128xf32, #tpu.memory_space<vmem>>
      %get3A_269 = tpu.memref_squeeze %get3A_268 : memref<1x64x128xf32, #tpu.memory_space<vmem>> -> memref<64x128xf32, #tpu.memory_space<vmem>>
      %get3A_270 = arith.index_cast %scan3A_265 : i32 to index
      %get3A_271 = arith.constant 0 : index
      %get3A_272 = tpu.vector_load %get3A_269[%get3A_270, %get3A_271] {strides = array<i32>} : memref<64x128xf32, #tpu.memory_space<vmem>>, vector<16xf32>,
      %get3A_273 = arith.constant 0 : i32
      %get3A_274 = arith.constant 0 : i32
      %get3A_275 = tpu.memref_slice %arg11[%scan3A_210, %get3A_273, %get3A_274] : memref<2x64x128xf32, #tpu.memory_space<vmem>> -> memref<1x64x128xf32, #tpu.memory_space<vmem>>
      %get3A_276 = tpu.memref_squeeze %get3A_275 : memref<1x64x128xf32, #tpu.memory_space<vmem>> -> memref<64x128xf32, #tpu.memory_space<vmem>>
      %get3A_277 = arith.index_cast %scan3A_265 : i32 to index
      %get3A_278 = arith.constant 0 : index
      %get3A_279 = tpu.vector_load %get3A_276[%get3A_277, %get3A_278] {strides = array<i32>} : memref<64x128xf32, #tpu.memory_space<vmem>>, vector<16xf32>,
      %mul3A_280 = arith.mulf %get3A_272, %get3A_279 : vector<16xf32>
      %get3A_281 = arith.constant 0 : i32
      %get3A_282 = arith.constant 0 : i32
      %get3A_283 = tpu.memref_slice %arg10[%scan3A_211, %get3A_281, %get3A_282] : memref<2x64x128xf32, #tpu.memory_space<vmem>> -> memref<1x64x128xf32, #tpu.memory_space<vmem>>
      %get3A_284 = tpu.memref_squeeze %get3A_283 : memref<1x64x128xf32, #tpu.memory_space<vmem>> -> memref<64x128xf32, #tpu.memory_space<vmem>>
      %get3A_285 = arith.index_cast %scan3A_265 : i32 to index
      %get3A_286 = arith.constant 0 : index
      %get3A_287 = tpu.vector_load %get3A_284[%get3A_285, %get3A_286] {strides = array<i32>} : memref<64x128xf32, #tpu.memory_space<vmem>>, vector<16xf32>,
      %mul3A_288 = arith.mulf %mul3A_280, %get3A_287 : vector<16xf32>
      %get3A_289 = arith.constant 0 : i32
      %get3A_290 = arith.constant 0 : i32
      %get3A_291 = tpu.memref_slice %arg9[%scan3A_209, %get3A_289, %get3A_290] : memref<2x64x128xf32, #tpu.memory_space<vmem>> -> memref<1x64x128xf32, #tpu.memory_space<vmem>>
      %get3A_292 = tpu.memref_squeeze %get3A_291 : memref<1x64x128xf32, #tpu.memory_space<vmem>> -> memref<64x128xf32, #tpu.memory_space<vmem>>
      %get3A_293 = arith.index_cast %scan3A_265 : i32 to index
      %get3A_294 = arith.constant 16 : index
      %get3A_295 = tpu.vector_load %get3A_292[%get3A_293, %get3A_294] {strides = array<i32>} : memref<64x128xf32, #tpu.memory_space<vmem>>, vector<16xf32>,
      %get3A_296 = arith.constant 0 : i32
      %get3A_297 = arith.constant 0 : i32
      %get3A_298 = tpu.memref_slice %arg11[%scan3A_210, %get3A_296, %get3A_297] : memref<2x64x128xf32, #tpu.memory_space<vmem>> -> memref<1x64x128xf32, #tpu.memory_space<vmem>>
      %get3A_299 = tpu.memref_squeeze %get3A_298 : memref<1x64x128xf32, #tpu.memory_space<vmem>> -> memref<64x128xf32, #tpu.memory_space<vmem>>
      %get3A_300 = arith.index_cast %scan3A_265 : i32 to index
      %get3A_301 = arith.constant 16 : index
      %get3A_302 = tpu.vector_load %get3A_299[%get3A_300, %get3A_301] {strides = array<i32>} : memref<64x128xf32, #tpu.memory_space<vmem>>, vector<16xf32>,
      %mul3A_303 = arith.mulf %get3A_295, %get3A_302 : vector<16xf32>
      %get3A_304 = arith.constant 0 : i32
      %get3A_305 = arith.constant 0 : i32
      %get3A_306 = tpu.memref_slice %arg10[%scan3A_211, %get3A_304, %get3A_305] : memref<2x64x128xf32, #tpu.memory_space<vmem>> -> memref<1x64x128xf32, #tpu.memory_space<vmem>>
      %get3A_307 = tpu.memref_squeeze %get3A_306 : memref<1x64x128xf32, #tpu.memory_space<vmem>> -> memref<64x128xf32, #tpu.memory_space<vmem>>
      %get3A_308 = arith.index_cast %scan3A_265 : i32 to index
      %get3A_309 = arith.constant 16 : index
      %get3A_310 = tpu.vector_load %get3A_307[%get3A_308, %get3A_309] {strides = array<i32>} : memref<64x128xf32, #tpu.memory_space<vmem>>, vector<16xf32>,
      %mul3A_311 = arith.mulf %mul3A_303, %get3A_310 : vector<16xf32>
      %add3A_312 = arith.addf %mul3A_288, %mul3A_311 : vector<16xf32>
      %get3A_313 = arith.constant 0 : i32
      %get3A_314 = arith.constant 0 : i32
      %get3A_315 = tpu.memref_slice %arg9[%scan3A_209, %get3A_313, %get3A_314] : memref<2x64x128xf32, #tpu.memory_space<vmem>> -> memref<1x64x128xf32, #tpu.memory_space<vmem>>
      %get3A_316 = tpu.memref_squeeze %get3A_315 : memref<1x64x128xf32, #tpu.memory_space<vmem>> -> memref<64x128xf32, #tpu.memory_space<vmem>>
      %get3A_317 = arith.index_cast %scan3A_265 : i32 to index
      %get3A_318 = arith.constant 32 : index
      %get3A_319 = tpu.vector_load %get3A_316[%get3A_317, %get3A_318] {strides = array<i32>} : memref<64x128xf32, #tpu.memory_space<vmem>>, vector<16xf32>,
      %get3A_320 = arith.constant 0 : i32
      %get3A_321 = arith.constant 0 : i32
      %get3A_322 = tpu.memref_slice %arg11[%scan3A_210, %get3A_320, %get3A_321] : memref<2x64x128xf32, #tpu.memory_space<vmem>> -> memref<1x64x128xf32, #tpu.memory_space<vmem>>
      %get3A_323 = tpu.memref_squeeze %get3A_322 : memref<1x64x128xf32, #tpu.memory_space<vmem>> -> memref<64x128xf32, #tpu.memory_space<vmem>>
      %get3A_324 = arith.index_cast %scan3A_265 : i32 to index
      %get3A_325 = arith.constant 32 : index
      %get3A_326 = tpu.vector_load %get3A_323[%get3A_324, %get3A_325] {strides = array<i32>} : memref<64x128xf32, #tpu.memory_space<vmem>>, vector<16xf32>,
      %mul3A_327 = arith.mulf %get3A_319, %get3A_326 : vector<16xf32>
      %get3A_328 = arith.constant 0 : i32
      %get3A_329 = arith.constant 0 : i32
      %get3A_330 = tpu.memref_slice %arg10[%scan3A_211, %get3A_328, %get3A_329] : memref<2x64x128xf32, #tpu.memory_space<vmem>> -> memref<1x64x128xf32, #tpu.memory_space<vmem>>
      %get3A_331 = tpu.memref_squeeze %get3A_330 : memref<1x64x128xf32, #tpu.memory_space<vmem>> -> memref<64x128xf32, #tpu.memory_space<vmem>>
      %get3A_332 = arith.index_cast %scan3A_265 : i32 to index
      %get3A_333 = arith.constant 32 : index
      %get3A_334 = tpu.vector_load %get3A_331[%get3A_332, %get3A_333] {strides = array<i32>} : memref<64x128xf32, #tpu.memory_space<vmem>>, vector<16xf32>,
      %mul3A_335 = arith.mulf %mul3A_327, %get3A_334 : vector<16xf32>
      %add3A_336 = arith.addf %add3A_312, %mul3A_335 : vector<16xf32>
      %get3A_337 = arith.constant 0 : i32
      %get3A_338 = arith.constant 0 : i32
      %get3A_339 = tpu.memref_slice %arg9[%scan3A_209, %get3A_337, %get3A_338] : memref<2x64x128xf32, #tpu.memory_space<vmem>> -> memref<1x64x128xf32, #tpu.memory_space<vmem>>
      %get3A_340 = tpu.memref_squeeze %get3A_339 : memref<1x64x128xf32, #tpu.memory_space<vmem>> -> memref<64x128xf32, #tpu.memory_space<vmem>>
      %get3A_341 = arith.index_cast %scan3A_265 : i32 to index
      %get3A_342 = arith.constant 48 : index
      %get3A_343 = tpu.vector_load %get3A_340[%get3A_341, %get3A_342] {strides = array<i32>} : memref<64x128xf32, #tpu.memory_space<vmem>>, vector<16xf32>,
      %get3A_344 = arith.constant 0 : i32
      %get3A_345 = arith.constant 0 : i32
      %get3A_346 = tpu.memref_slice %arg11[%scan3A_210, %get3A_344, %get3A_345] : memref<2x64x128xf32, #tpu.memory_space<vmem>> -> memref<1x64x128xf32, #tpu.memory_space<vmem>>
      %get3A_347 = tpu.memref_squeeze %get3A_346 : memref<1x64x128xf32, #tpu.memory_space<vmem>> -> memref<64x128xf32, #tpu.memory_space<vmem>>
      %get3A_348 = arith.index_cast %scan3A_265 : i32 to index
      %get3A_349 = arith.constant 48 : index
      %get3A_350 = tpu.vector_load %get3A_347[%get3A_348, %get3A_349] {strides = array<i32>} : memref<64x128xf32, #tpu.memory_space<vmem>>, vector<16xf32>,
      %mul3A_351 = arith.mulf %get3A_343, %get3A_350 : vector<16xf32>
      %get3A_352 = arith.constant 0 : i32
      %get3A_353 = arith.constant 0 : i32
      %get3A_354 = tpu.memref_slice %arg10[%scan3A_211, %get3A_352, %get3A_353] : memref<2x64x128xf32, #tpu.memory_space<vmem>> -> memref<1x64x128xf32, #tpu.memory_space<vmem>>
      %get3A_355 = tpu.memref_squeeze %get3A_354 : memref<1x64x128xf32, #tpu.memory_space<vmem>> -> memref<64x128xf32, #tpu.memory_space<vmem>>
      %get3A_356 = arith.index_cast %scan3A_265 : i32 to index
      %get3A_357 = arith.constant 48 : index
      %get3A_358 = tpu.vector_load %get3A_355[%get3A_356, %get3A_357] {strides = array<i32>} : memref<64x128xf32, #tpu.memory_space<vmem>>, vector<16xf32>,
      %mul3A_359 = arith.mulf %mul3A_351, %get3A_358 : vector<16xf32>
      %add3A_360 = arith.addf %add3A_336, %mul3A_359 : vector<16xf32>
      %get3A_361 = arith.constant 0 : i32
      %get3A_362 = arith.constant 0 : i32
      %get3A_363 = tpu.memref_slice %arg9[%scan3A_209, %get3A_361, %get3A_362] : memref<2x64x128xf32, #tpu.memory_space<vmem>> -> memref<1x64x128xf32, #tpu.memory_space<vmem>>
      %get3A_364 = tpu.memref_squeeze %get3A_363 : memref<1x64x128xf32, #tpu.memory_space<vmem>> -> memref<64x128xf32, #tpu.memory_space<vmem>>
      %get3A_365 = arith.index_cast %scan3A_265 : i32 to index
      %get3A_366 = arith.constant 64 : index
      %get3A_367 = tpu.vector_load %get3A_364[%get3A_365, %get3A_366] {strides = array<i32>} : memref<64x128xf32, #tpu.memory_space<vmem>>, vector<16xf32>,
      %get3A_368 = arith.constant 0 : i32
      %get3A_369 = arith.constant 0 : i32
      %get3A_370 = tpu.memref_slice %arg11[%scan3A_210, %get3A_368, %get3A_369] : memref<2x64x128xf32, #tpu.memory_space<vmem>> -> memref<1x64x128xf32, #tpu.memory_space<vmem>>
      %get3A_371 = tpu.memref_squeeze %get3A_370 : memref<1x64x128xf32, #tpu.memory_space<vmem>> -> memref<64x128xf32, #tpu.memory_space<vmem>>
      %get3A_372 = arith.index_cast %scan3A_265 : i32 to index
      %get3A_373 = arith.constant 64 : index
      %get3A_374 = tpu.vector_load %get3A_371[%get3A_372, %get3A_373] {strides = array<i32>} : memref<64x128xf32, #tpu.memory_space<vmem>>, vector<16xf32>,
      %mul3A_375 = arith.mulf %get3A_367, %get3A_374 : vector<16xf32>
      %get3A_376 = arith.constant 0 : i32
      %get3A_377 = arith.constant 0 : i32
      %get3A_378 = tpu.memref_slice %arg10[%scan3A_211, %get3A_376, %get3A_377] : memref<2x64x128xf32, #tpu.memory_space<vmem>> -> memref<1x64x128xf32, #tpu.memory_space<vmem>>
      %get3A_379 = tpu.memref_squeeze %get3A_378 : memref<1x64x128xf32, #tpu.memory_space<vmem>> -> memref<64x128xf32, #tpu.memory_space<vmem>>
      %get3A_380 = arith.index_cast %scan3A_265 : i32 to index
      %get3A_381 = arith.constant 64 : index
      %get3A_382 = tpu.vector_load %get3A_379[%get3A_380, %get3A_381] {strides = array<i32>} : memref<64x128xf32, #tpu.memory_space<vmem>>, vector<16xf32>,
      %mul3A_383 = arith.mulf %mul3A_375, %get3A_382 : vector<16xf32>
      %add3A_384 = arith.addf %add3A_360, %mul3A_383 : vector<16xf32>
      %get3A_385 = arith.constant 0 : i32
      %get3A_386 = arith.constant 0 : i32
      %get3A_387 = tpu.memref_slice %arg9[%scan3A_209, %get3A_385, %get3A_386] : memref<2x64x128xf32, #tpu.memory_space<vmem>> -> memref<1x64x128xf32, #tpu.memory_space<vmem>>
      %get3A_388 = tpu.memref_squeeze %get3A_387 : memref<1x64x128xf32, #tpu.memory_space<vmem>> -> memref<64x128xf32, #tpu.memory_space<vmem>>
      %get3A_389 = arith.index_cast %scan3A_265 : i32 to index
      %get3A_390 = arith.constant 80 : index
      %get3A_391 = tpu.vector_load %get3A_388[%get3A_389, %get3A_390] {strides = array<i32>} : memref<64x128xf32, #tpu.memory_space<vmem>>, vector<16xf32>,
      %get3A_392 = arith.constant 0 : i32
      %get3A_393 = arith.constant 0 : i32
      %get3A_394 = tpu.memref_slice %arg11[%scan3A_210, %get3A_392, %get3A_393] : memref<2x64x128xf32, #tpu.memory_space<vmem>> -> memref<1x64x128xf32, #tpu.memory_space<vmem>>
      %get3A_395 = tpu.memref_squeeze %get3A_394 : memref<1x64x128xf32, #tpu.memory_space<vmem>> -> memref<64x128xf32, #tpu.memory_space<vmem>>
      %get3A_396 = arith.index_cast %scan3A_265 : i32 to index
      %get3A_397 = arith.constant 80 : index
      %get3A_398 = tpu.vector_load %get3A_395[%get3A_396, %get3A_397] {strides = array<i32>} : memref<64x128xf32, #tpu.memory_space<vmem>>, vector<16xf32>,
      %mul3A_399 = arith.mulf %get3A_391, %get3A_398 : vector<16xf32>
      %get3A_400 = arith.constant 0 : i32
      %get3A_401 = arith.constant 0 : i32
      %get3A_402 = tpu.memref_slice %arg10[%scan3A_211, %get3A_400, %get3A_401] : memref<2x64x128xf32, #tpu.memory_space<vmem>> -> memref<1x64x128xf32, #tpu.memory_space<vmem>>
      %get3A_403 = tpu.memref_squeeze %get3A_402 : memref<1x64x128xf32, #tpu.memory_space<vmem>> -> memref<64x128xf32, #tpu.memory_space<vmem>>
      %get3A_404 = arith.index_cast %scan3A_265 : i32 to index
      %get3A_405 = arith.constant 80 : index
      %get3A_406 = tpu.vector_load %get3A_403[%get3A_404, %get3A_405] {strides = array<i32>} : memref<64x128xf32, #tpu.memory_space<vmem>>, vector<16xf32>,
      %mul3A_407 = arith.mulf %mul3A_399, %get3A_406 : vector<16xf32>
      %add3A_408 = arith.addf %add3A_384, %mul3A_407 : vector<16xf32>
      %get3A_409 = arith.constant 0 : i32
      %get3A_410 = arith.constant 0 : i32
      %get3A_411 = tpu.memref_slice %arg9[%scan3A_209, %get3A_409, %get3A_410] : memref<2x64x128xf32, #tpu.memory_space<vmem>> -> memref<1x64x128xf32, #tpu.memory_space<vmem>>
      %get3A_412 = tpu.memref_squeeze %get3A_411 : memref<1x64x128xf32, #tpu.memory_space<vmem>> -> memref<64x128xf32, #tpu.memory_space<vmem>>
      %get3A_413 = arith.index_cast %scan3A_265 : i32 to index
      %get3A_414 = arith.constant 96 : index
      %get3A_415 = tpu.vector_load %get3A_412[%get3A_413, %get3A_414] {strides = array<i32>} : memref<64x128xf32, #tpu.memory_space<vmem>>, vector<16xf32>,
      %get3A_416 = arith.constant 0 : i32
      %get3A_417 = arith.constant 0 : i32
      %get3A_418 = tpu.memref_slice %arg11[%scan3A_210, %get3A_416, %get3A_417] : memref<2x64x128xf32, #tpu.memory_space<vmem>> -> memref<1x64x128xf32, #tpu.memory_space<vmem>>
      %get3A_419 = tpu.memref_squeeze %get3A_418 : memref<1x64x128xf32, #tpu.memory_space<vmem>> -> memref<64x128xf32, #tpu.memory_space<vmem>>
      %get3A_420 = arith.index_cast %scan3A_265 : i32 to index
      %get3A_421 = arith.constant 96 : index
      %get3A_422 = tpu.vector_load %get3A_419[%get3A_420, %get3A_421] {strides = array<i32>} : memref<64x128xf32, #tpu.memory_space<vmem>>, vector<16xf32>,
      %mul3A_423 = arith.mulf %get3A_415, %get3A_422 : vector<16xf32>
      %get3A_424 = arith.constant 0 : i32
      %get3A_425 = arith.constant 0 : i32
      %get3A_426 = tpu.memref_slice %arg10[%scan3A_211, %get3A_424, %get3A_425] : memref<2x64x128xf32, #tpu.memory_space<vmem>> -> memref<1x64x128xf32, #tpu.memory_space<vmem>>
      %get3A_427 = tpu.memref_squeeze %get3A_426 : memref<1x64x128xf32, #tpu.memory_space<vmem>> -> memref<64x128xf32, #tpu.memory_space<vmem>>
      %get3A_428 = arith.index_cast %scan3A_265 : i32 to index
      %get3A_429 = arith.constant 96 : index
      %get3A_430 = tpu.vector_load %get3A_427[%get3A_428, %get3A_429] {strides = array<i32>} : memref<64x128xf32, #tpu.memory_space<vmem>>, vector<16xf32>,
      %mul3A_431 = arith.mulf %mul3A_423, %get3A_430 : vector<16xf32>
      %add3A_432 = arith.addf %add3A_408, %mul3A_431 : vector<16xf32>
      %get3A_433 = arith.constant 0 : i32
      %get3A_434 = arith.constant 0 : i32
      %get3A_435 = tpu.memref_slice %arg9[%scan3A_209, %get3A_433, %get3A_434] : memref<2x64x128xf32, #tpu.memory_space<vmem>> -> memref<1x64x128xf32, #tpu.memory_space<vmem>>
      %get3A_436 = tpu.memref_squeeze %get3A_435 : memref<1x64x128xf32, #tpu.memory_space<vmem>> -> memref<64x128xf32, #tpu.memory_space<vmem>>
      %get3A_437 = arith.index_cast %scan3A_265 : i32 to index
      %get3A_438 = arith.constant 112 : index
      %get3A_439 = tpu.vector_load %get3A_436[%get3A_437, %get3A_438] {strides = array<i32>} : memref<64x128xf32, #tpu.memory_space<vmem>>, vector<16xf32>,
      %get3A_440 = arith.constant 0 : i32
      %get3A_441 = arith.constant 0 : i32
      %get3A_442 = tpu.memref_slice %arg11[%scan3A_210, %get3A_440, %get3A_441] : memref<2x64x128xf32, #tpu.memory_space<vmem>> -> memref<1x64x128xf32, #tpu.memory_space<vmem>>
      %get3A_443 = tpu.memref_squeeze %get3A_442 : memref<1x64x128xf32, #tpu.memory_space<vmem>> -> memref<64x128xf32, #tpu.memory_space<vmem>>
      %get3A_444 = arith.index_cast %scan3A_265 : i32 to index
      %get3A_445 = arith.constant 112 : index
      %get3A_446 = tpu.vector_load %get3A_443[%get3A_444, %get3A_445] {strides = array<i32>} : memref<64x128xf32, #tpu.memory_space<vmem>>, vector<16xf32>,
      %mul3A_447 = arith.mulf %get3A_439, %get3A_446 : vector<16xf32>
      %get3A_448 = arith.constant 0 : i32
      %get3A_449 = arith.constant 0 : i32
      %get3A_450 = tpu.memref_slice %arg10[%scan3A_211, %get3A_448, %get3A_449] : memref<2x64x128xf32, #tpu.memory_space<vmem>> -> memref<1x64x128xf32, #tpu.memory_space<vmem>>
      %get3A_451 = tpu.memref_squeeze %get3A_450 : memref<1x64x128xf32, #tpu.memory_space<vmem>> -> memref<64x128xf32, #tpu.memory_space<vmem>>
      %get3A_452 = arith.index_cast %scan3A_265 : i32 to index
      %get3A_453 = arith.constant 112 : index
      %get3A_454 = tpu.vector_load %get3A_451[%get3A_452, %get3A_453] {strides = array<i32>} : memref<64x128xf32, #tpu.memory_space<vmem>>, vector<16xf32>,
      %mul3A_455 = arith.mulf %mul3A_447, %get3A_454 : vector<16xf32>
      %add3A_456 = arith.addf %add3A_432, %mul3A_455 : vector<16xf32>
      %lt3A = arith.constant 0 : i32
      %lt3A_457 = vector.broadcast %lt3A : i32 to vector<16xi32>
      %lt3A_458 = arith.cmpi slt, %xor3A_4, %lt3A_457 : vector<16xi32>
      %add3A_459 = arith.constant 16 : i32
      %add3A_460 = vector.broadcast %add3A_459 : i32 to vector<16xi32>
      %add3A_461 = arith.addi %xor3A_4, %add3A_460 : vector<16xi32>
      %select_n3A = arith.select %lt3A_458, %add3A_461, %xor3A_4 : vector<16xi1>, vector<16xi32>
      %broadcast_in_dim3A = vector.shape_cast %select_n3A : vector<16xi32> to vector<16x1xi32>
      %gather3A = vector.shape_cast %broadcast_in_dim3A : vector<16x1xi32> to vector<16xi32>
      %gather3A_462 = tpu.dynamic_gather %add3A_456[%gather3A] in [0] : vector<16xf32>, vector<16xi32> -> vector<16xf32>
      %add3A_463 = arith.addf %add3A_456, %gather3A_462 : vector<16xf32>
      %lt3A_464 = arith.constant 0 : i32
      %lt3A_465 = vector.broadcast %lt3A_464 : i32 to vector<16xi32>
      %lt3A_466 = arith.cmpi slt, %xor3A_7, %lt3A_465 : vector<16xi32>
      %add3A_467 = arith.constant 16 : i32
      %add3A_468 = vector.broadcast %add3A_467 : i32 to vector<16xi32>
      %add3A_469 = arith.addi %xor3A_7, %add3A_468 : vector<16xi32>
      %select_n3A_470 = arith.select %lt3A_466, %add3A_469, %xor3A_7 : vector<16xi1>, vector<16xi32>
      %broadcast_in_dim3A_471 = vector.shape_cast %select_n3A_470 : vector<16xi32> to vector<16x1xi32>
      %gather3A_472 = vector.shape_cast %broadcast_in_dim3A_471 : vector<16x1xi32> to vector<16xi32>
      %gather3A_473 = tpu.dynamic_gather %add3A_463[%gather3A_472] in [0] : vector<16xf32>, vector<16xi32> -> vector<16xf32>
      %add3A_474 = arith.addf %add3A_463, %gather3A_473 : vector<16xf32>
      %lt3A_475 = arith.constant 0 : i32
      %lt3A_476 = vector.broadcast %lt3A_475 : i32 to vector<16xi32>
      %lt3A_477 = arith.cmpi slt, %xor3A_10, %lt3A_476 : vector<16xi32>
      %add3A_478 = arith.constant 16 : i32
      %add3A_479 = vector.broadcast %add3A_478 : i32 to vector<16xi32>
      %add3A_480 = arith.addi %xor3A_10, %add3A_479 : vector<16xi32>
      %select_n3A_481 = arith.select %lt3A_477, %add3A_480, %xor3A_10 : vector<16xi1>, vector<16xi32>
      %broadcast_in_dim3A_482 = vector.shape_cast %select_n3A_481 : vector<16xi32> to vector<16x1xi32>
      %gather3A_483 = vector.shape_cast %broadcast_in_dim3A_482 : vector<16x1xi32> to vector<16xi32>
      %gather3A_484 = tpu.dynamic_gather %add3A_474[%gather3A_483] in [0] : vector<16xf32>, vector<16xi32> -> vector<16xf32>
      %add3A_485 = arith.addf %add3A_474, %gather3A_484 : vector<16xf32>
      %lt3A_486 = arith.constant 0 : i32
      %lt3A_487 = vector.broadcast %lt3A_486 : i32 to vector<16xi32>
      %lt3A_488 = arith.cmpi slt, %xor3A_13, %lt3A_487 : vector<16xi32>
      %add3A_489 = arith.constant 16 : i32
      %add3A_490 = vector.broadcast %add3A_489 : i32 to vector<16xi32>
      %add3A_491 = arith.addi %xor3A_13, %add3A_490 : vector<16xi32>
      %select_n3A_492 = arith.select %lt3A_488, %add3A_491, %xor3A_13 : vector<16xi1>, vector<16xi32>
      %broadcast_in_dim3A_493 = vector.shape_cast %select_n3A_492 : vector<16xi32> to vector<16x1xi32>
      %gather3A_494 = vector.shape_cast %broadcast_in_dim3A_493 : vector<16x1xi32> to vector<16xi32>
      %gather3A_495 = tpu.dynamic_gather %add3A_485[%gather3A_494] in [0] : vector<16xf32>, vector<16xi32> -> vector<16xf32>
      %add3A_496 = arith.addf %add3A_485, %gather3A_495 : vector<16xf32>
      %add3A_497 = arith.constant 64 : i32
      %add3A_498 = arith.addi %add3A_497, %scan3A_265 : i32
      %broadcast_in_dim3A_499 = vector.broadcast %add3A_498 : i32 to vector<16xi32>
      tpu.vector_store_idx %arg8[%broadcast_in_dim3A_499], %add3A_496 masked %eq3A_15 : memref<192xf32, #tpu.memory_space<vmem>>[vector<16xi32>], vector<16xf32>, vector<16xi1>
      %scan3A_500 = arith.constant 0 : i32
      %scan3A_501 = arith.constant 1 : i32
      %scan3A_502 = arith.addi %scan3A_265, %scan3A_501 : i32
      %get3A_503 = arith.constant 0 : i32
      %get3A_504 = arith.constant 0 : i32
      %get3A_505 = tpu.memref_slice %arg9[%scan3A_209, %get3A_503, %get3A_504] : memref<2x64x128xf32, #tpu.memory_space<vmem>> -> memref<1x64x128xf32, #tpu.memory_space<vmem>>
      %get3A_506 = tpu.memref_squeeze %get3A_505 : memref<1x64x128xf32, #tpu.memory_space<vmem>> -> memref<64x128xf32, #tpu.memory_space<vmem>>
      %get3A_507 = arith.index_cast %scan3A_502 : i32 to index
      %get3A_508 = arith.constant 0 : index
      %get3A_509 = tpu.vector_load %get3A_506[%get3A_507, %get3A_508] {strides = array<i32>} : memref<64x128xf32, #tpu.memory_space<vmem>>, vector<16xf32>,
      %get3A_510 = arith.constant 0 : i32
      %get3A_511 = arith.constant 0 : i32
      %get3A_512 = tpu.memref_slice %arg11[%scan3A_210, %get3A_510, %get3A_511] : memref<2x64x128xf32, #tpu.memory_space<vmem>> -> memref<1x64x128xf32, #tpu.memory_space<vmem>>
      %get3A_513 = tpu.memref_squeeze %get3A_512 : memref<1x64x128xf32, #tpu.memory_space<vmem>> -> memref<64x128xf32, #tpu.memory_space<vmem>>
      %get3A_514 = arith.index_cast %scan3A_502 : i32 to index
      %get3A_515 = arith.constant 0 : index
      %get3A_516 = tpu.vector_load %get3A_513[%get3A_514, %get3A_515] {strides = array<i32>} : memref<64x128xf32, #tpu.memory_space<vmem>>, vector<16xf32>,
      %mul3A_517 = arith.mulf %get3A_509, %get3A_516 : vector<16xf32>
      %get3A_518 = arith.constant 0 : i32
      %get3A_519 = arith.constant 0 : i32
      %get3A_520 = tpu.memref_slice %arg10[%scan3A_211, %get3A_518, %get3A_519] : memref<2x64x128xf32, #tpu.memory_space<vmem>> -> memref<1x64x128xf32, #tpu.memory_space<vmem>>
      %get3A_521 = tpu.memref_squeeze %get3A_520 : memref<1x64x128xf32, #tpu.memory_space<vmem>> -> memref<64x128xf32, #tpu.memory_space<vmem>>
      %get3A_522 = arith.index_cast %scan3A_502 : i32 to index
      %get3A_523 = arith.constant 0 : index
      %get3A_524 = tpu.vector_load %get3A_521[%get3A_522, %get3A_523] {strides = array<i32>} : memref<64x128xf32, #tpu.memory_space<vmem>>, vector<16xf32>,
      %mul3A_525 = arith.mulf %mul3A_517, %get3A_524 : vector<16xf32>
      %get3A_526 = arith.constant 0 : i32
      %get3A_527 = arith.constant 0 : i32
      %get3A_528 = tpu.memref_slice %arg9[%scan3A_209, %get3A_526, %get3A_527] : memref<2x64x128xf32, #tpu.memory_space<vmem>> -> memref<1x64x128xf32, #tpu.memory_space<vmem>>
      %get3A_529 = tpu.memref_squeeze %get3A_528 : memref<1x64x128xf32, #tpu.memory_space<vmem>> -> memref<64x128xf32, #tpu.memory_space<vmem>>
      %get3A_530 = arith.index_cast %scan3A_502 : i32 to index
      %get3A_531 = arith.constant 16 : index
      %get3A_532 = tpu.vector_load %get3A_529[%get3A_530, %get3A_531] {strides = array<i32>} : memref<64x128xf32, #tpu.memory_space<vmem>>, vector<16xf32>,
      %get3A_533 = arith.constant 0 : i32
      %get3A_534 = arith.constant 0 : i32
      %get3A_535 = tpu.memref_slice %arg11[%scan3A_210, %get3A_533, %get3A_534] : memref<2x64x128xf32, #tpu.memory_space<vmem>> -> memref<1x64x128xf32, #tpu.memory_space<vmem>>
      %get3A_536 = tpu.memref_squeeze %get3A_535 : memref<1x64x128xf32, #tpu.memory_space<vmem>> -> memref<64x128xf32, #tpu.memory_space<vmem>>
      %get3A_537 = arith.index_cast %scan3A_502 : i32 to index
      %get3A_538 = arith.constant 16 : index
      %get3A_539 = tpu.vector_load %get3A_536[%get3A_537, %get3A_538] {strides = array<i32>} : memref<64x128xf32, #tpu.memory_space<vmem>>, vector<16xf32>,
      %mul3A_540 = arith.mulf %get3A_532, %get3A_539 : vector<16xf32>
      %get3A_541 = arith.constant 0 : i32
      %get3A_542 = arith.constant 0 : i32
      %get3A_543 = tpu.memref_slice %arg10[%scan3A_211, %get3A_541, %get3A_542] : memref<2x64x128xf32, #tpu.memory_space<vmem>> -> memref<1x64x128xf32, #tpu.memory_space<vmem>>
      %get3A_544 = tpu.memref_squeeze %get3A_543 : memref<1x64x128xf32, #tpu.memory_space<vmem>> -> memref<64x128xf32, #tpu.memory_space<vmem>>
      %get3A_545 = arith.index_cast %scan3A_502 : i32 to index
      %get3A_546 = arith.constant 16 : index
      %get3A_547 = tpu.vector_load %get3A_544[%get3A_545, %get3A_546] {strides = array<i32>} : memref<64x128xf32, #tpu.memory_space<vmem>>, vector<16xf32>,
      %mul3A_548 = arith.mulf %mul3A_540, %get3A_547 : vector<16xf32>
      %add3A_549 = arith.addf %mul3A_525, %mul3A_548 : vector<16xf32>
      %get3A_550 = arith.constant 0 : i32
      %get3A_551 = arith.constant 0 : i32
      %get3A_552 = tpu.memref_slice %arg9[%scan3A_209, %get3A_550, %get3A_551] : memref<2x64x128xf32, #tpu.memory_space<vmem>> -> memref<1x64x128xf32, #tpu.memory_space<vmem>>
      %get3A_553 = tpu.memref_squeeze %get3A_552 : memref<1x64x128xf32, #tpu.memory_space<vmem>> -> memref<64x128xf32, #tpu.memory_space<vmem>>
      %get3A_554 = arith.index_cast %scan3A_502 : i32 to index
      %get3A_555 = arith.constant 32 : index
      %get3A_556 = tpu.vector_load %get3A_553[%get3A_554, %get3A_555] {strides = array<i32>} : memref<64x128xf32, #tpu.memory_space<vmem>>, vector<16xf32>,
      %get3A_557 = arith.constant 0 : i32
      %get3A_558 = arith.constant 0 : i32
      %get3A_559 = tpu.memref_slice %arg11[%scan3A_210, %get3A_557, %get3A_558] : memref<2x64x128xf32, #tpu.memory_space<vmem>> -> memref<1x64x128xf32, #tpu.memory_space<vmem>>
      %get3A_560 = tpu.memref_squeeze %get3A_559 : memref<1x64x128xf32, #tpu.memory_space<vmem>> -> memref<64x128xf32, #tpu.memory_space<vmem>>
      %get3A_561 = arith.index_cast %scan3A_502 : i32 to index
      %get3A_562 = arith.constant 32 : index
      %get3A_563 = tpu.vector_load %get3A_560[%get3A_561, %get3A_562] {strides = array<i32>} : memref<64x128xf32, #tpu.memory_space<vmem>>, vector<16xf32>,
      %mul3A_564 = arith.mulf %get3A_556, %get3A_563 : vector<16xf32>
      %get3A_565 = arith.constant 0 : i32
      %get3A_566 = arith.constant 0 : i32
      %get3A_567 = tpu.memref_slice %arg10[%scan3A_211, %get3A_565, %get3A_566] : memref<2x64x128xf32, #tpu.memory_space<vmem>> -> memref<1x64x128xf32, #tpu.memory_space<vmem>>
      %get3A_568 = tpu.memref_squeeze %get3A_567 : memref<1x64x128xf32, #tpu.memory_space<vmem>> -> memref<64x128xf32, #tpu.memory_space<vmem>>
      %get3A_569 = arith.index_cast %scan3A_502 : i32 to index
      %get3A_570 = arith.constant 32 : index
      %get3A_571 = tpu.vector_load %get3A_568[%get3A_569, %get3A_570] {strides = array<i32>} : memref<64x128xf32, #tpu.memory_space<vmem>>, vector<16xf32>,
      %mul3A_572 = arith.mulf %mul3A_564, %get3A_571 : vector<16xf32>
      %add3A_573 = arith.addf %add3A_549, %mul3A_572 : vector<16xf32>
      %get3A_574 = arith.constant 0 : i32
      %get3A_575 = arith.constant 0 : i32
      %get3A_576 = tpu.memref_slice %arg9[%scan3A_209, %get3A_574, %get3A_575] : memref<2x64x128xf32, #tpu.memory_space<vmem>> -> memref<1x64x128xf32, #tpu.memory_space<vmem>>
      %get3A_577 = tpu.memref_squeeze %get3A_576 : memref<1x64x128xf32, #tpu.memory_space<vmem>> -> memref<64x128xf32, #tpu.memory_space<vmem>>
      %get3A_578 = arith.index_cast %scan3A_502 : i32 to index
      %get3A_579 = arith.constant 48 : index
      %get3A_580 = tpu.vector_load %get3A_577[%get3A_578, %get3A_579] {strides = array<i32>} : memref<64x128xf32, #tpu.memory_space<vmem>>, vector<16xf32>,
      %get3A_581 = arith.constant 0 : i32
      %get3A_582 = arith.constant 0 : i32
      %get3A_583 = tpu.memref_slice %arg11[%scan3A_210, %get3A_581, %get3A_582] : memref<2x64x128xf32, #tpu.memory_space<vmem>> -> memref<1x64x128xf32, #tpu.memory_space<vmem>>
      %get3A_584 = tpu.memref_squeeze %get3A_583 : memref<1x64x128xf32, #tpu.memory_space<vmem>> -> memref<64x128xf32, #tpu.memory_space<vmem>>
      %get3A_585 = arith.index_cast %scan3A_502 : i32 to index
      %get3A_586 = arith.constant 48 : index
      %get3A_587 = tpu.vector_load %get3A_584[%get3A_585, %get3A_586] {strides = array<i32>} : memref<64x128xf32, #tpu.memory_space<vmem>>, vector<16xf32>,
      %mul3A_588 = arith.mulf %get3A_580, %get3A_587 : vector<16xf32>
      %get3A_589 = arith.constant 0 : i32
      %get3A_590 = arith.constant 0 : i32
      %get3A_591 = tpu.memref_slice %arg10[%scan3A_211, %get3A_589, %get3A_590] : memref<2x64x128xf32, #tpu.memory_space<vmem>> -> memref<1x64x128xf32, #tpu.memory_space<vmem>>
      %get3A_592 = tpu.memref_squeeze %get3A_591 : memref<1x64x128xf32, #tpu.memory_space<vmem>> -> memref<64x128xf32, #tpu.memory_space<vmem>>
      %get3A_593 = arith.index_cast %scan3A_502 : i32 to index
      %get3A_594 = arith.constant 48 : index
      %get3A_595 = tpu.vector_load %get3A_592[%get3A_593, %get3A_594] {strides = array<i32>} : memref<64x128xf32, #tpu.memory_space<vmem>>, vector<16xf32>,
      %mul3A_596 = arith.mulf %mul3A_588, %get3A_595 : vector<16xf32>
      %add3A_597 = arith.addf %add3A_573, %mul3A_596 : vector<16xf32>
      %get3A_598 = arith.constant 0 : i32
      %get3A_599 = arith.constant 0 : i32
      %get3A_600 = tpu.memref_slice %arg9[%scan3A_209, %get3A_598, %get3A_599] : memref<2x64x128xf32, #tpu.memory_space<vmem>> -> memref<1x64x128xf32, #tpu.memory_space<vmem>>
      %get3A_601 = tpu.memref_squeeze %get3A_600 : memref<1x64x128xf32, #tpu.memory_space<vmem>> -> memref<64x128xf32, #tpu.memory_space<vmem>>
      %get3A_602 = arith.index_cast %scan3A_502 : i32 to index
      %get3A_603 = arith.constant 64 : index
      %get3A_604 = tpu.vector_load %get3A_601[%get3A_602, %get3A_603] {strides = array<i32>} : memref<64x128xf32, #tpu.memory_space<vmem>>, vector<16xf32>,
      %get3A_605 = arith.constant 0 : i32
      %get3A_606 = arith.constant 0 : i32
      %get3A_607 = tpu.memref_slice %arg11[%scan3A_210, %get3A_605, %get3A_606] : memref<2x64x128xf32, #tpu.memory_space<vmem>> -> memref<1x64x128xf32, #tpu.memory_space<vmem>>
      %get3A_608 = tpu.memref_squeeze %get3A_607 : memref<1x64x128xf32, #tpu.memory_space<vmem>> -> memref<64x128xf32, #tpu.memory_space<vmem>>
      %get3A_609 = arith.index_cast %scan3A_502 : i32 to index
      %get3A_610 = arith.constant 64 : index
      %get3A_611 = tpu.vector_load %get3A_608[%get3A_609, %get3A_610] {strides = array<i32>} : memref<64x128xf32, #tpu.memory_space<vmem>>, vector<16xf32>,
      %mul3A_612 = arith.mulf %get3A_604, %get3A_611 : vector<16xf32>
      %get3A_613 = arith.constant 0 : i32
      %get3A_614 = arith.constant 0 : i32
      %get3A_615 = tpu.memref_slice %arg10[%scan3A_211, %get3A_613, %get3A_614] : memref<2x64x128xf32, #tpu.memory_space<vmem>> -> memref<1x64x128xf32, #tpu.memory_space<vmem>>
      %get3A_616 = tpu.memref_squeeze %get3A_615 : memref<1x64x128xf32, #tpu.memory_space<vmem>> -> memref<64x128xf32, #tpu.memory_space<vmem>>
      %get3A_617 = arith.index_cast %scan3A_502 : i32 to index
      %get3A_618 = arith.constant 64 : index
      %get3A_619 = tpu.vector_load %get3A_616[%get3A_617, %get3A_618] {strides = array<i32>} : memref<64x128xf32, #tpu.memory_space<vmem>>, vector<16xf32>,
      %mul3A_620 = arith.mulf %mul3A_612, %get3A_619 : vector<16xf32>
      %add3A_621 = arith.addf %add3A_597, %mul3A_620 : vector<16xf32>
      %get3A_622 = arith.constant 0 : i32
      %get3A_623 = arith.constant 0 : i32
      %get3A_624 = tpu.memref_slice %arg9[%scan3A_209, %get3A_622, %get3A_623] : memref<2x64x128xf32, #tpu.memory_space<vmem>> -> memref<1x64x128xf32, #tpu.memory_space<vmem>>
      %get3A_625 = tpu.memref_squeeze %get3A_624 : memref<1x64x128xf32, #tpu.memory_space<vmem>> -> memref<64x128xf32, #tpu.memory_space<vmem>>
      %get3A_626 = arith.index_cast %scan3A_502 : i32 to index
      %get3A_627 = arith.constant 80 : index
      %get3A_628 = tpu.vector_load %get3A_625[%get3A_626, %get3A_627] {strides = array<i32>} : memref<64x128xf32, #tpu.memory_space<vmem>>, vector<16xf32>,
      %get3A_629 = arith.constant 0 : i32
      %get3A_630 = arith.constant 0 : i32
      %get3A_631 = tpu.memref_slice %arg11[%scan3A_210, %get3A_629, %get3A_630] : memref<2x64x128xf32, #tpu.memory_space<vmem>> -> memref<1x64x128xf32, #tpu.memory_space<vmem>>
      %get3A_632 = tpu.memref_squeeze %get3A_631 : memref<1x64x128xf32, #tpu.memory_space<vmem>> -> memref<64x128xf32, #tpu.memory_space<vmem>>
      %get3A_633 = arith.index_cast %scan3A_502 : i32 to index
      %get3A_634 = arith.constant 80 : index
      %get3A_635 = tpu.vector_load %get3A_632[%get3A_633, %get3A_634] {strides = array<i32>} : memref<64x128xf32, #tpu.memory_space<vmem>>, vector<16xf32>,
      %mul3A_636 = arith.mulf %get3A_628, %get3A_635 : vector<16xf32>
      %get3A_637 = arith.constant 0 : i32
      %get3A_638 = arith.constant 0 : i32
      %get3A_639 = tpu.memref_slice %arg10[%scan3A_211, %get3A_637, %get3A_638] : memref<2x64x128xf32, #tpu.memory_space<vmem>> -> memref<1x64x128xf32, #tpu.memory_space<vmem>>
      %get3A_640 = tpu.memref_squeeze %get3A_639 : memref<1x64x128xf32, #tpu.memory_space<vmem>> -> memref<64x128xf32, #tpu.memory_space<vmem>>
      %get3A_641 = arith.index_cast %scan3A_502 : i32 to index
      %get3A_642 = arith.constant 80 : index
      %get3A_643 = tpu.vector_load %get3A_640[%get3A_641, %get3A_642] {strides = array<i32>} : memref<64x128xf32, #tpu.memory_space<vmem>>, vector<16xf32>,
      %mul3A_644 = arith.mulf %mul3A_636, %get3A_643 : vector<16xf32>
      %add3A_645 = arith.addf %add3A_621, %mul3A_644 : vector<16xf32>
      %get3A_646 = arith.constant 0 : i32
      %get3A_647 = arith.constant 0 : i32
      %get3A_648 = tpu.memref_slice %arg9[%scan3A_209, %get3A_646, %get3A_647] : memref<2x64x128xf32, #tpu.memory_space<vmem>> -> memref<1x64x128xf32, #tpu.memory_space<vmem>>
      %get3A_649 = tpu.memref_squeeze %get3A_648 : memref<1x64x128xf32, #tpu.memory_space<vmem>> -> memref<64x128xf32, #tpu.memory_space<vmem>>
      %get3A_650 = arith.index_cast %scan3A_502 : i32 to index
      %get3A_651 = arith.constant 96 : index
      %get3A_652 = tpu.vector_load %get3A_649[%get3A_650, %get3A_651] {strides = array<i32>} : memref<64x128xf32, #tpu.memory_space<vmem>>, vector<16xf32>,
      %get3A_653 = arith.constant 0 : i32
      %get3A_654 = arith.constant 0 : i32
      %get3A_655 = tpu.memref_slice %arg11[%scan3A_210, %get3A_653, %get3A_654] : memref<2x64x128xf32, #tpu.memory_space<vmem>> -> memref<1x64x128xf32, #tpu.memory_space<vmem>>
      %get3A_656 = tpu.memref_squeeze %get3A_655 : memref<1x64x128xf32, #tpu.memory_space<vmem>> -> memref<64x128xf32, #tpu.memory_space<vmem>>
      %get3A_657 = arith.index_cast %scan3A_502 : i32 to index
      %get3A_658 = arith.constant 96 : index
      %get3A_659 = tpu.vector_load %get3A_656[%get3A_657, %get3A_658] {strides = array<i32>} : memref<64x128xf32, #tpu.memory_space<vmem>>, vector<16xf32>,
      %mul3A_660 = arith.mulf %get3A_652, %get3A_659 : vector<16xf32>
      %get3A_661 = arith.constant 0 : i32
      %get3A_662 = arith.constant 0 : i32
      %get3A_663 = tpu.memref_slice %arg10[%scan3A_211, %get3A_661, %get3A_662] : memref<2x64x128xf32, #tpu.memory_space<vmem>> -> memref<1x64x128xf32, #tpu.memory_space<vmem>>
      %get3A_664 = tpu.memref_squeeze %get3A_663 : memref<1x64x128xf32, #tpu.memory_space<vmem>> -> memref<64x128xf32, #tpu.memory_space<vmem>>
      %get3A_665 = arith.index_cast %scan3A_502 : i32 to index
      %get3A_666 = arith.constant 96 : index
      %get3A_667 = tpu.vector_load %get3A_664[%get3A_665, %get3A_666] {strides = array<i32>} : memref<64x128xf32, #tpu.memory_space<vmem>>, vector<16xf32>,
      %mul3A_668 = arith.mulf %mul3A_660, %get3A_667 : vector<16xf32>
      %add3A_669 = arith.addf %add3A_645, %mul3A_668 : vector<16xf32>
      %get3A_670 = arith.constant 0 : i32
      %get3A_671 = arith.constant 0 : i32
      %get3A_672 = tpu.memref_slice %arg9[%scan3A_209, %get3A_670, %get3A_671] : memref<2x64x128xf32, #tpu.memory_space<vmem>> -> memref<1x64x128xf32, #tpu.memory_space<vmem>>
      %get3A_673 = tpu.memref_squeeze %get3A_672 : memref<1x64x128xf32, #tpu.memory_space<vmem>> -> memref<64x128xf32, #tpu.memory_space<vmem>>
      %get3A_674 = arith.index_cast %scan3A_502 : i32 to index
      %get3A_675 = arith.constant 112 : index
      %get3A_676 = tpu.vector_load %get3A_673[%get3A_674, %get3A_675] {strides = array<i32>} : memref<64x128xf32, #tpu.memory_space<vmem>>, vector<16xf32>,
      %get3A_677 = arith.constant 0 : i32
      %get3A_678 = arith.constant 0 : i32
      %get3A_679 = tpu.memref_slice %arg11[%scan3A_210, %get3A_677, %get3A_678] : memref<2x64x128xf32, #tpu.memory_space<vmem>> -> memref<1x64x128xf32, #tpu.memory_space<vmem>>
      %get3A_680 = tpu.memref_squeeze %get3A_679 : memref<1x64x128xf32, #tpu.memory_space<vmem>> -> memref<64x128xf32, #tpu.memory_space<vmem>>
      %get3A_681 = arith.index_cast %scan3A_502 : i32 to index
      %get3A_682 = arith.constant 112 : index
      %get3A_683 = tpu.vector_load %get3A_680[%get3A_681, %get3A_682] {strides = array<i32>} : memref<64x128xf32, #tpu.memory_space<vmem>>, vector<16xf32>,
      %mul3A_684 = arith.mulf %get3A_676, %get3A_683 : vector<16xf32>
      %get3A_685 = arith.constant 0 : i32
      %get3A_686 = arith.constant 0 : i32
      %get3A_687 = tpu.memref_slice %arg10[%scan3A_211, %get3A_685, %get3A_686] : memref<2x64x128xf32, #tpu.memory_space<vmem>> -> memref<1x64x128xf32, #tpu.memory_space<vmem>>
      %get3A_688 = tpu.memref_squeeze %get3A_687 : memref<1x64x128xf32, #tpu.memory_space<vmem>> -> memref<64x128xf32, #tpu.memory_space<vmem>>
      %get3A_689 = arith.index_cast %scan3A_502 : i32 to index
      %get3A_690 = arith.constant 112 : index
      %get3A_691 = tpu.vector_load %get3A_688[%get3A_689, %get3A_690] {strides = array<i32>} : memref<64x128xf32, #tpu.memory_space<vmem>>, vector<16xf32>,
      %mul3A_692 = arith.mulf %mul3A_684, %get3A_691 : vector<16xf32>
      %add3A_693 = arith.addf %add3A_669, %mul3A_692 : vector<16xf32>
      %lt3A_694 = arith.constant 0 : i32
      %lt3A_695 = vector.broadcast %lt3A_694 : i32 to vector<16xi32>
      %lt3A_696 = arith.cmpi slt, %xor3A_4, %lt3A_695 : vector<16xi32>
      %add3A_697 = arith.constant 16 : i32
      %add3A_698 = vector.broadcast %add3A_697 : i32 to vector<16xi32>
      %add3A_699 = arith.addi %xor3A_4, %add3A_698 : vector<16xi32>
      %select_n3A_700 = arith.select %lt3A_696, %add3A_699, %xor3A_4 : vector<16xi1>, vector<16xi32>
      %broadcast_in_dim3A_701 = vector.shape_cast %select_n3A_700 : vector<16xi32> to vector<16x1xi32>
      %gather3A_702 = vector.shape_cast %broadcast_in_dim3A_701 : vector<16x1xi32> to vector<16xi32>
      %gather3A_703 = tpu.dynamic_gather %add3A_693[%gather3A_702] in [0] : vector<16xf32>, vector<16xi32> -> vector<16xf32>
      %add3A_704 = arith.addf %add3A_693, %gather3A_703 : vector<16xf32>
      %lt3A_705 = arith.constant 0 : i32
      %lt3A_706 = vector.broadcast %lt3A_705 : i32 to vector<16xi32>
      %lt3A_707 = arith.cmpi slt, %xor3A_7, %lt3A_706 : vector<16xi32>
      %add3A_708 = arith.constant 16 : i32
      %add3A_709 = vector.broadcast %add3A_708 : i32 to vector<16xi32>
      %add3A_710 = arith.addi %xor3A_7, %add3A_709 : vector<16xi32>
      %select_n3A_711 = arith.select %lt3A_707, %add3A_710, %xor3A_7 : vector<16xi1>, vector<16xi32>
      %broadcast_in_dim3A_712 = vector.shape_cast %select_n3A_711 : vector<16xi32> to vector<16x1xi32>
      %gather3A_713 = vector.shape_cast %broadcast_in_dim3A_712 : vector<16x1xi32> to vector<16xi32>
      %gather3A_714 = tpu.dynamic_gather %add3A_704[%gather3A_713] in [0] : vector<16xf32>, vector<16xi32> -> vector<16xf32>
      %add3A_715 = arith.addf %add3A_704, %gather3A_714 : vector<16xf32>
      %lt3A_716 = arith.constant 0 : i32
      %lt3A_717 = vector.broadcast %lt3A_716 : i32 to vector<16xi32>
      %lt3A_718 = arith.cmpi slt, %xor3A_10, %lt3A_717 : vector<16xi32>
      %add3A_719 = arith.constant 16 : i32
      %add3A_720 = vector.broadcast %add3A_719 : i32 to vector<16xi32>
      %add3A_721 = arith.addi %xor3A_10, %add3A_720 : vector<16xi32>
      %select_n3A_722 = arith.select %lt3A_718, %add3A_721, %xor3A_10 : vector<16xi1>, vector<16xi32>
      %broadcast_in_dim3A_723 = vector.shape_cast %select_n3A_722 : vector<16xi32> to vector<16x1xi32>
      %gather3A_724 = vector.shape_cast %broadcast_in_dim3A_723 : vector<16x1xi32> to vector<16xi32>
      %gather3A_725 = tpu.dynamic_gather %add3A_715[%gather3A_724] in [0] : vector<16xf32>, vector<16xi32> -> vector<16xf32>
      %add3A_726 = arith.addf %add3A_715, %gather3A_725 : vector<16xf32>
      %lt3A_727 = arith.constant 0 : i32
      %lt3A_728 = vector.broadcast %lt3A_727 : i32 to vector<16xi32>
      %lt3A_729 = arith.cmpi slt, %xor3A_13, %lt3A_728 : vector<16xi32>
      %add3A_730 = arith.constant 16 : i32
      %add3A_731 = vector.broadcast %add3A_730 : i32 to vector<16xi32>
      %add3A_732 = arith.addi %xor3A_13, %add3A_731 : vector<16xi32>
      %select_n3A_733 = arith.select %lt3A_729, %add3A_732, %xor3A_13 : vector<16xi1>, vector<16xi32>
      %broadcast_in_dim3A_734 = vector.shape_cast %select_n3A_733 : vector<16xi32> to vector<16x1xi32>
      %gather3A_735 = vector.shape_cast %broadcast_in_dim3A_734 : vector<16x1xi32> to vector<16xi32>
      %gather3A_736 = tpu.dynamic_gather %add3A_726[%gather3A_735] in [0] : vector<16xf32>, vector<16xi32> -> vector<16xf32>
      %add3A_737 = arith.addf %add3A_726, %gather3A_736 : vector<16xf32>
      %add3A_738 = arith.constant 64 : i32
      %add3A_739 = arith.addi %add3A_738, %scan3A_502 : i32
      %broadcast_in_dim3A_740 = vector.broadcast %add3A_739 : i32 to vector<16xi32>
      tpu.vector_store_idx %arg8[%broadcast_in_dim3A_740], %add3A_737 masked %eq3A_15 : memref<192xf32, #tpu.memory_space<vmem>>[vector<16xi32>], vector<16xf32>, vector<16xi1>
      %scan3A_741 = arith.constant 0 : i32
      scf.yield %scan3A_741 : i32
    }
    %scan3A_218 = arith.constant 64 : i32
    %dma_wait3A_219 = arith.constant 0 : i32
    %dma_wait3A_220 = arith.constant 0 : i32
    %dma_wait3A_221 = arith.constant 0 : i32
    %dma_wait3A_222 = tpu.memref_slice %arg9[%dma_wait3A_219, %dma_wait3A_220, %dma_wait3A_221] : memref<2x64x128xf32, #tpu.memory_space<vmem>> -> memref<1x64x128xf32, #tpu.memory_space<vmem>>
    %dma_wait3A_223 = tpu.memref_squeeze %dma_wait3A_222 : memref<1x64x128xf32, #tpu.memory_space<vmem>> -> memref<64x128xf32, #tpu.memory_space<vmem>>
    %dma_wait3A_224 = arith.constant 0 : i32
    %dma_wait3A_225 = tpu.memref_slice %arg2[%add3A_136, %dma_wait3A_224] : memref<16384x128xf32, #tpu.memory_space<hbm>> -> memref<64x128xf32, #tpu.memory_space<hbm>>
    %dma_wait3A_226 = arith.constant 0 : i32
    %dma_wait3A_227 = arith.constant 0 : i32
    %dma_wait3A_228 = tpu.memref_slice %arg9[%dma_wait3A_219, %dma_wait3A_226, %dma_wait3A_227] : memref<2x64x128xf32, #tpu.memory_space<vmem>> -> memref<1x64x128xf32, #tpu.memory_space<vmem>>
    %dma_wait3A_229 = tpu.memref_squeeze %dma_wait3A_228 : memref<1x64x128xf32, #tpu.memory_space<vmem>> -> memref<64x128xf32, #tpu.memory_space<vmem>>
    %dma_wait3A_230 = arith.constant 0 : i32
    %dma_wait3A_231 = tpu.memref_slice %arg2[%add3A_136, %dma_wait3A_230] : memref<16384x128xf32, #tpu.memory_space<hbm>> -> memref<64x128xf32, #tpu.memory_space<hbm>>
    tpu.wait_dma2 semaphore(%arg12 : memref<!tpu.dma_semaphore, #tpu.memory_space<semaphore_mem>>) src(%dma_wait3A_231 : memref<64x128xf32, #tpu.memory_space<hbm>>) dst(%dma_wait3A_229 : memref<64x128xf32, #tpu.memory_space<vmem>>)
    %dma_wait3A_232 = arith.constant 0 : i32
    %dma_wait3A_233 = arith.constant 0 : i32
    %dma_wait3A_234 = arith.constant 0 : i32
    %dma_wait3A_235 = tpu.memref_slice %arg10[%dma_wait3A_232, %dma_wait3A_233, %dma_wait3A_234] : memref<2x64x128xf32, #tpu.memory_space<vmem>> -> memref<1x64x128xf32, #tpu.memory_space<vmem>>
    %dma_wait3A_236 = tpu.memref_squeeze %dma_wait3A_235 : memref<1x64x128xf32, #tpu.memory_space<vmem>> -> memref<64x128xf32, #tpu.memory_space<vmem>>
    %dma_wait3A_237 = arith.constant 0 : i32
    %dma_wait3A_238 = tpu.memref_slice %arg4[%add3A_136, %dma_wait3A_237] : memref<16384x128xf32, #tpu.memory_space<hbm>> -> memref<64x128xf32, #tpu.memory_space<hbm>>
    %dma_wait3A_239 = arith.constant 0 : i32
    %dma_wait3A_240 = arith.constant 0 : i32
    %dma_wait3A_241 = tpu.memref_slice %arg10[%dma_wait3A_232, %dma_wait3A_239, %dma_wait3A_240] : memref<2x64x128xf32, #tpu.memory_space<vmem>> -> memref<1x64x128xf32, #tpu.memory_space<vmem>>
    %dma_wait3A_242 = tpu.memref_squeeze %dma_wait3A_241 : memref<1x64x128xf32, #tpu.memory_space<vmem>> -> memref<64x128xf32, #tpu.memory_space<vmem>>
    %dma_wait3A_243 = arith.constant 0 : i32
    %dma_wait3A_244 = tpu.memref_slice %arg4[%add3A_136, %dma_wait3A_243] : memref<16384x128xf32, #tpu.memory_space<hbm>> -> memref<64x128xf32, #tpu.memory_space<hbm>>
    tpu.wait_dma2 semaphore(%arg12 : memref<!tpu.dma_semaphore, #tpu.memory_space<semaphore_mem>>) src(%dma_wait3A_244 : memref<64x128xf32, #tpu.memory_space<hbm>>) dst(%dma_wait3A_242 : memref<64x128xf32, #tpu.memory_space<vmem>>)
    %dma_wait3A_245 = arith.constant 0 : i32
    %dma_wait3A_246 = arith.constant 0 : i32
    %dma_wait3A_247 = arith.constant 0 : i32
    %dma_wait3A_248 = tpu.memref_slice %arg11[%dma_wait3A_245, %dma_wait3A_246, %dma_wait3A_247] : memref<2x64x128xf32, #tpu.memory_space<vmem>> -> memref<1x64x128xf32, #tpu.memory_space<vmem>>
    %dma_wait3A_249 = tpu.memref_squeeze %dma_wait3A_248 : memref<1x64x128xf32, #tpu.memory_space<vmem>> -> memref<64x128xf32, #tpu.memory_space<vmem>>
    %dma_wait3A_250 = arith.constant 128 : i32
    %dma_wait3A_251 = tpu.memref_slice %arg7[%dma_wait3A_250] : memref<192xi32, #tpu.memory_space<vmem>> -> memref<64xi32, #tpu.memory_space<vmem>>
    %dma_wait3A_252 = arith.constant 0 : i32
    %dma_wait3A_253 = arith.constant 0 : i32
    %dma_wait3A_254 = tpu.memref_slice %arg5[%dma_wait3A_252, %dma_wait3A_253] : memref<1000x128xf32, #tpu.memory_space<hbm>> -> memref<1000x128xf32, #tpu.memory_space<hbm>>
    tpu.wait_indirect_dma semaphore(%arg12 : memref<!tpu.dma_semaphore, #tpu.memory_space<semaphore_mem>>) src(%dma_wait3A_254 : memref<1000x128xf32, #tpu.memory_space<hbm>>) dst(%dma_wait3A_249 : memref<64x128xf32, #tpu.memory_space<vmem>>)
    %scan3A_255 = arith.constant 0 : i32
    %scan3A_256 = arith.constant 0 : i32
    %scan3A_257 = arith.constant 0 : i32
    %scan3A_258 = arith.constant 0 : i32
    %scan3A_259 = arith.constant 0 : i32
    %scan3A_260 = arith.constant 64 : i32
    %scan3A_261 = arith.addi %scan3A_259, %scan3A_260 : i32
    %scan3A_262 = arith.constant 2 : i32
    %scan3A_263 = scf.for %scan3A_265 = %scan3A_259 to %scan3A_261 step %scan3A_262 iter_args(%scan3A_266 = %scan3A_258) -> (i32)  : i32 {
      %get3A = arith.constant 0 : i32
      %get3A_267 = arith.constant 0 : i32
      %get3A_268 = tpu.memref_slice %arg9[%scan3A_255, %get3A, %get3A_267] : memref<2x64x128xf32, #tpu.memory_space<vmem>> -> memref<1x64x128xf32, #tpu.memory_space<vmem>>
      %get3A_269 = tpu.memref_squeeze %get3A_268 : memref<1x64x128xf32, #tpu.memory_space<vmem>> -> memref<64x128xf32, #tpu.memory_space<vmem>>
      %get3A_270 = arith.index_cast %scan3A_265 : i32 to index
      %get3A_271 = arith.constant 0 : index
      %get3A_272 = tpu.vector_load %get3A_269[%get3A_270, %get3A_271] {strides = array<i32>} : memref<64x128xf32, #tpu.memory_space<vmem>>, vector<16xf32>,
      %get3A_273 = arith.constant 0 : i32
      %get3A_274 = arith.constant 0 : i32
      %get3A_275 = tpu.memref_slice %arg11[%scan3A_256, %get3A_273, %get3A_274] : memref<2x64x128xf32, #tpu.memory_space<vmem>> -> memref<1x64x128xf32, #tpu.memory_space<vmem>>
      %get3A_276 = tpu.memref_squeeze %get3A_275 : memref<1x64x128xf32, #tpu.memory_space<vmem>> -> memref<64x128xf32, #tpu.memory_space<vmem>>
      %get3A_277 = arith.index_cast %scan3A_265 : i32 to index
      %get3A_278 = arith.constant 0 : index
      %get3A_279 = tpu.vector_load %get3A_276[%get3A_277, %get3A_278] {strides = array<i32>} : memref<64x128xf32, #tpu.memory_space<vmem>>, vector<16xf32>,
      %mul3A_280 = arith.mulf %get3A_272, %get3A_279 : vector<16xf32>
      %get3A_281 = arith.constant 0 : i32
      %get3A_282 = arith.constant 0 : i32
      %get3A_283 = tpu.memref_slice %arg10[%scan3A_257, %get3A_281, %get3A_282] : memref<2x64x128xf32, #tpu.memory_space<vmem>> -> memref<1x64x128xf32, #tpu.memory_space<vmem>>
      %get3A_284 = tpu.memref_squeeze %get3A_283 : memref<1x64x128xf32, #tpu.memory_space<vmem>> -> memref<64x128xf32, #tpu.memory_space<vmem>>
      %get3A_285 = arith.index_cast %scan3A_265 : i32 to index
      %get3A_286 = arith.constant 0 : index
      %get3A_287 = tpu.vector_load %get3A_284[%get3A_285, %get3A_286] {strides = array<i32>} : memref<64x128xf32, #tpu.memory_space<vmem>>, vector<16xf32>,
      %mul3A_288 = arith.mulf %mul3A_280, %get3A_287 : vector<16xf32>
      %get3A_289 = arith.constant 0 : i32
      %get3A_290 = arith.constant 0 : i32
      %get3A_291 = tpu.memref_slice %arg9[%scan3A_255, %get3A_289, %get3A_290] : memref<2x64x128xf32, #tpu.memory_space<vmem>> -> memref<1x64x128xf32, #tpu.memory_space<vmem>>
      %get3A_292 = tpu.memref_squeeze %get3A_291 : memref<1x64x128xf32, #tpu.memory_space<vmem>> -> memref<64x128xf32, #tpu.memory_space<vmem>>
      %get3A_293 = arith.index_cast %scan3A_265 : i32 to index
      %get3A_294 = arith.constant 16 : index
      %get3A_295 = tpu.vector_load %get3A_292[%get3A_293, %get3A_294] {strides = array<i32>} : memref<64x128xf32, #tpu.memory_space<vmem>>, vector<16xf32>,
      %get3A_296 = arith.constant 0 : i32
      %get3A_297 = arith.constant 0 : i32
      %get3A_298 = tpu.memref_slice %arg11[%scan3A_256, %get3A_296, %get3A_297] : memref<2x64x128xf32, #tpu.memory_space<vmem>> -> memref<1x64x128xf32, #tpu.memory_space<vmem>>
      %get3A_299 = tpu.memref_squeeze %get3A_298 : memref<1x64x128xf32, #tpu.memory_space<vmem>> -> memref<64x128xf32, #tpu.memory_space<vmem>>
      %get3A_300 = arith.index_cast %scan3A_265 : i32 to index
      %get3A_301 = arith.constant 16 : index
      %get3A_302 = tpu.vector_load %get3A_299[%get3A_300, %get3A_301] {strides = array<i32>} : memref<64x128xf32, #tpu.memory_space<vmem>>, vector<16xf32>,
      %mul3A_303 = arith.mulf %get3A_295, %get3A_302 : vector<16xf32>
      %get3A_304 = arith.constant 0 : i32
      %get3A_305 = arith.constant 0 : i32
      %get3A_306 = tpu.memref_slice %arg10[%scan3A_257, %get3A_304, %get3A_305] : memref<2x64x128xf32, #tpu.memory_space<vmem>> -> memref<1x64x128xf32, #tpu.memory_space<vmem>>
      %get3A_307 = tpu.memref_squeeze %get3A_306 : memref<1x64x128xf32, #tpu.memory_space<vmem>> -> memref<64x128xf32, #tpu.memory_space<vmem>>
      %get3A_308 = arith.index_cast %scan3A_265 : i32 to index
      %get3A_309 = arith.constant 16 : index
      %get3A_310 = tpu.vector_load %get3A_307[%get3A_308, %get3A_309] {strides = array<i32>} : memref<64x128xf32, #tpu.memory_space<vmem>>, vector<16xf32>,
      %mul3A_311 = arith.mulf %mul3A_303, %get3A_310 : vector<16xf32>
      %add3A_312 = arith.addf %mul3A_288, %mul3A_311 : vector<16xf32>
      %get3A_313 = arith.constant 0 : i32
      %get3A_314 = arith.constant 0 : i32
      %get3A_315 = tpu.memref_slice %arg9[%scan3A_255, %get3A_313, %get3A_314] : memref<2x64x128xf32, #tpu.memory_space<vmem>> -> memref<1x64x128xf32, #tpu.memory_space<vmem>>
      %get3A_316 = tpu.memref_squeeze %get3A_315 : memref<1x64x128xf32, #tpu.memory_space<vmem>> -> memref<64x128xf32, #tpu.memory_space<vmem>>
      %get3A_317 = arith.index_cast %scan3A_265 : i32 to index
      %get3A_318 = arith.constant 32 : index
      %get3A_319 = tpu.vector_load %get3A_316[%get3A_317, %get3A_318] {strides = array<i32>} : memref<64x128xf32, #tpu.memory_space<vmem>>, vector<16xf32>,
      %get3A_320 = arith.constant 0 : i32
      %get3A_321 = arith.constant 0 : i32
      %get3A_322 = tpu.memref_slice %arg11[%scan3A_256, %get3A_320, %get3A_321] : memref<2x64x128xf32, #tpu.memory_space<vmem>> -> memref<1x64x128xf32, #tpu.memory_space<vmem>>
      %get3A_323 = tpu.memref_squeeze %get3A_322 : memref<1x64x128xf32, #tpu.memory_space<vmem>> -> memref<64x128xf32, #tpu.memory_space<vmem>>
      %get3A_324 = arith.index_cast %scan3A_265 : i32 to index
      %get3A_325 = arith.constant 32 : index
      %get3A_326 = tpu.vector_load %get3A_323[%get3A_324, %get3A_325] {strides = array<i32>} : memref<64x128xf32, #tpu.memory_space<vmem>>, vector<16xf32>,
      %mul3A_327 = arith.mulf %get3A_319, %get3A_326 : vector<16xf32>
      %get3A_328 = arith.constant 0 : i32
      %get3A_329 = arith.constant 0 : i32
      %get3A_330 = tpu.memref_slice %arg10[%scan3A_257, %get3A_328, %get3A_329] : memref<2x64x128xf32, #tpu.memory_space<vmem>> -> memref<1x64x128xf32, #tpu.memory_space<vmem>>
      %get3A_331 = tpu.memref_squeeze %get3A_330 : memref<1x64x128xf32, #tpu.memory_space<vmem>> -> memref<64x128xf32, #tpu.memory_space<vmem>>
      %get3A_332 = arith.index_cast %scan3A_265 : i32 to index
      %get3A_333 = arith.constant 32 : index
      %get3A_334 = tpu.vector_load %get3A_331[%get3A_332, %get3A_333] {strides = array<i32>} : memref<64x128xf32, #tpu.memory_space<vmem>>, vector<16xf32>,
      %mul3A_335 = arith.mulf %mul3A_327, %get3A_334 : vector<16xf32>
      %add3A_336 = arith.addf %add3A_312, %mul3A_335 : vector<16xf32>
      %get3A_337 = arith.constant 0 : i32
      %get3A_338 = arith.constant 0 : i32
      %get3A_339 = tpu.memref_slice %arg9[%scan3A_255, %get3A_337, %get3A_338] : memref<2x64x128xf32, #tpu.memory_space<vmem>> -> memref<1x64x128xf32, #tpu.memory_space<vmem>>
      %get3A_340 = tpu.memref_squeeze %get3A_339 : memref<1x64x128xf32, #tpu.memory_space<vmem>> -> memref<64x128xf32, #tpu.memory_space<vmem>>
      %get3A_341 = arith.index_cast %scan3A_265 : i32 to index
      %get3A_342 = arith.constant 48 : index
      %get3A_343 = tpu.vector_load %get3A_340[%get3A_341, %get3A_342] {strides = array<i32>} : memref<64x128xf32, #tpu.memory_space<vmem>>, vector<16xf32>,
      %get3A_344 = arith.constant 0 : i32
      %get3A_345 = arith.constant 0 : i32
      %get3A_346 = tpu.memref_slice %arg11[%scan3A_256, %get3A_344, %get3A_345] : memref<2x64x128xf32, #tpu.memory_space<vmem>> -> memref<1x64x128xf32, #tpu.memory_space<vmem>>
      %get3A_347 = tpu.memref_squeeze %get3A_346 : memref<1x64x128xf32, #tpu.memory_space<vmem>> -> memref<64x128xf32, #tpu.memory_space<vmem>>
      %get3A_348 = arith.index_cast %scan3A_265 : i32 to index
      %get3A_349 = arith.constant 48 : index
      %get3A_350 = tpu.vector_load %get3A_347[%get3A_348, %get3A_349] {strides = array<i32>} : memref<64x128xf32, #tpu.memory_space<vmem>>, vector<16xf32>,
      %mul3A_351 = arith.mulf %get3A_343, %get3A_350 : vector<16xf32>
      %get3A_352 = arith.constant 0 : i32
      %get3A_353 = arith.constant 0 : i32
      %get3A_354 = tpu.memref_slice %arg10[%scan3A_257, %get3A_352, %get3A_353] : memref<2x64x128xf32, #tpu.memory_space<vmem>> -> memref<1x64x128xf32, #tpu.memory_space<vmem>>
      %get3A_355 = tpu.memref_squeeze %get3A_354 : memref<1x64x128xf32, #tpu.memory_space<vmem>> -> memref<64x128xf32, #tpu.memory_space<vmem>>
      %get3A_356 = arith.index_cast %scan3A_265 : i32 to index
      %get3A_357 = arith.constant 48 : index
      %get3A_358 = tpu.vector_load %get3A_355[%get3A_356, %get3A_357] {strides = array<i32>} : memref<64x128xf32, #tpu.memory_space<vmem>>, vector<16xf32>,
      %mul3A_359 = arith.mulf %mul3A_351, %get3A_358 : vector<16xf32>
      %add3A_360 = arith.addf %add3A_336, %mul3A_359 : vector<16xf32>
      %get3A_361 = arith.constant 0 : i32
      %get3A_362 = arith.constant 0 : i32
      %get3A_363 = tpu.memref_slice %arg9[%scan3A_255, %get3A_361, %get3A_362] : memref<2x64x128xf32, #tpu.memory_space<vmem>> -> memref<1x64x128xf32, #tpu.memory_space<vmem>>
      %get3A_364 = tpu.memref_squeeze %get3A_363 : memref<1x64x128xf32, #tpu.memory_space<vmem>> -> memref<64x128xf32, #tpu.memory_space<vmem>>
      %get3A_365 = arith.index_cast %scan3A_265 : i32 to index
      %get3A_366 = arith.constant 64 : index
      %get3A_367 = tpu.vector_load %get3A_364[%get3A_365, %get3A_366] {strides = array<i32>} : memref<64x128xf32, #tpu.memory_space<vmem>>, vector<16xf32>,
      %get3A_368 = arith.constant 0 : i32
      %get3A_369 = arith.constant 0 : i32
      %get3A_370 = tpu.memref_slice %arg11[%scan3A_256, %get3A_368, %get3A_369] : memref<2x64x128xf32, #tpu.memory_space<vmem>> -> memref<1x64x128xf32, #tpu.memory_space<vmem>>
      %get3A_371 = tpu.memref_squeeze %get3A_370 : memref<1x64x128xf32, #tpu.memory_space<vmem>> -> memref<64x128xf32, #tpu.memory_space<vmem>>
      %get3A_372 = arith.index_cast %scan3A_265 : i32 to index
      %get3A_373 = arith.constant 64 : index
      %get3A_374 = tpu.vector_load %get3A_371[%get3A_372, %get3A_373] {strides = array<i32>} : memref<64x128xf32, #tpu.memory_space<vmem>>, vector<16xf32>,
      %mul3A_375 = arith.mulf %get3A_367, %get3A_374 : vector<16xf32>
      %get3A_376 = arith.constant 0 : i32
      %get3A_377 = arith.constant 0 : i32
      %get3A_378 = tpu.memref_slice %arg10[%scan3A_257, %get3A_376, %get3A_377] : memref<2x64x128xf32, #tpu.memory_space<vmem>> -> memref<1x64x128xf32, #tpu.memory_space<vmem>>
      %get3A_379 = tpu.memref_squeeze %get3A_378 : memref<1x64x128xf32, #tpu.memory_space<vmem>> -> memref<64x128xf32, #tpu.memory_space<vmem>>
      %get3A_380 = arith.index_cast %scan3A_265 : i32 to index
      %get3A_381 = arith.constant 64 : index
      %get3A_382 = tpu.vector_load %get3A_379[%get3A_380, %get3A_381] {strides = array<i32>} : memref<64x128xf32, #tpu.memory_space<vmem>>, vector<16xf32>,
      %mul3A_383 = arith.mulf %mul3A_375, %get3A_382 : vector<16xf32>
      %add3A_384 = arith.addf %add3A_360, %mul3A_383 : vector<16xf32>
      %get3A_385 = arith.constant 0 : i32
      %get3A_386 = arith.constant 0 : i32
      %get3A_387 = tpu.memref_slice %arg9[%scan3A_255, %get3A_385, %get3A_386] : memref<2x64x128xf32, #tpu.memory_space<vmem>> -> memref<1x64x128xf32, #tpu.memory_space<vmem>>
      %get3A_388 = tpu.memref_squeeze %get3A_387 : memref<1x64x128xf32, #tpu.memory_space<vmem>> -> memref<64x128xf32, #tpu.memory_space<vmem>>
      %get3A_389 = arith.index_cast %scan3A_265 : i32 to index
      %get3A_390 = arith.constant 80 : index
      %get3A_391 = tpu.vector_load %get3A_388[%get3A_389, %get3A_390] {strides = array<i32>} : memref<64x128xf32, #tpu.memory_space<vmem>>, vector<16xf32>,
      %get3A_392 = arith.constant 0 : i32
      %get3A_393 = arith.constant 0 : i32
      %get3A_394 = tpu.memref_slice %arg11[%scan3A_256, %get3A_392, %get3A_393] : memref<2x64x128xf32, #tpu.memory_space<vmem>> -> memref<1x64x128xf32, #tpu.memory_space<vmem>>
      %get3A_395 = tpu.memref_squeeze %get3A_394 : memref<1x64x128xf32, #tpu.memory_space<vmem>> -> memref<64x128xf32, #tpu.memory_space<vmem>>
      %get3A_396 = arith.index_cast %scan3A_265 : i32 to index
      %get3A_397 = arith.constant 80 : index
      %get3A_398 = tpu.vector_load %get3A_395[%get3A_396, %get3A_397] {strides = array<i32>} : memref<64x128xf32, #tpu.memory_space<vmem>>, vector<16xf32>,
      %mul3A_399 = arith.mulf %get3A_391, %get3A_398 : vector<16xf32>
      %get3A_400 = arith.constant 0 : i32
      %get3A_401 = arith.constant 0 : i32
      %get3A_402 = tpu.memref_slice %arg10[%scan3A_257, %get3A_400, %get3A_401] : memref<2x64x128xf32, #tpu.memory_space<vmem>> -> memref<1x64x128xf32, #tpu.memory_space<vmem>>
      %get3A_403 = tpu.memref_squeeze %get3A_402 : memref<1x64x128xf32, #tpu.memory_space<vmem>> -> memref<64x128xf32, #tpu.memory_space<vmem>>
      %get3A_404 = arith.index_cast %scan3A_265 : i32 to index
      %get3A_405 = arith.constant 80 : index
      %get3A_406 = tpu.vector_load %get3A_403[%get3A_404, %get3A_405] {strides = array<i32>} : memref<64x128xf32, #tpu.memory_space<vmem>>, vector<16xf32>,
      %mul3A_407 = arith.mulf %mul3A_399, %get3A_406 : vector<16xf32>
      %add3A_408 = arith.addf %add3A_384, %mul3A_407 : vector<16xf32>
      %get3A_409 = arith.constant 0 : i32
      %get3A_410 = arith.constant 0 : i32
      %get3A_411 = tpu.memref_slice %arg9[%scan3A_255, %get3A_409, %get3A_410] : memref<2x64x128xf32, #tpu.memory_space<vmem>> -> memref<1x64x128xf32, #tpu.memory_space<vmem>>
      %get3A_412 = tpu.memref_squeeze %get3A_411 : memref<1x64x128xf32, #tpu.memory_space<vmem>> -> memref<64x128xf32, #tpu.memory_space<vmem>>
      %get3A_413 = arith.index_cast %scan3A_265 : i32 to index
      %get3A_414 = arith.constant 96 : index
      %get3A_415 = tpu.vector_load %get3A_412[%get3A_413, %get3A_414] {strides = array<i32>} : memref<64x128xf32, #tpu.memory_space<vmem>>, vector<16xf32>,
      %get3A_416 = arith.constant 0 : i32
      %get3A_417 = arith.constant 0 : i32
      %get3A_418 = tpu.memref_slice %arg11[%scan3A_256, %get3A_416, %get3A_417] : memref<2x64x128xf32, #tpu.memory_space<vmem>> -> memref<1x64x128xf32, #tpu.memory_space<vmem>>
      %get3A_419 = tpu.memref_squeeze %get3A_418 : memref<1x64x128xf32, #tpu.memory_space<vmem>> -> memref<64x128xf32, #tpu.memory_space<vmem>>
      %get3A_420 = arith.index_cast %scan3A_265 : i32 to index
      %get3A_421 = arith.constant 96 : index
      %get3A_422 = tpu.vector_load %get3A_419[%get3A_420, %get3A_421] {strides = array<i32>} : memref<64x128xf32, #tpu.memory_space<vmem>>, vector<16xf32>,
      %mul3A_423 = arith.mulf %get3A_415, %get3A_422 : vector<16xf32>
      %get3A_424 = arith.constant 0 : i32
      %get3A_425 = arith.constant 0 : i32
      %get3A_426 = tpu.memref_slice %arg10[%scan3A_257, %get3A_424, %get3A_425] : memref<2x64x128xf32, #tpu.memory_space<vmem>> -> memref<1x64x128xf32, #tpu.memory_space<vmem>>
      %get3A_427 = tpu.memref_squeeze %get3A_426 : memref<1x64x128xf32, #tpu.memory_space<vmem>> -> memref<64x128xf32, #tpu.memory_space<vmem>>
      %get3A_428 = arith.index_cast %scan3A_265 : i32 to index
      %get3A_429 = arith.constant 96 : index
      %get3A_430 = tpu.vector_load %get3A_427[%get3A_428, %get3A_429] {strides = array<i32>} : memref<64x128xf32, #tpu.memory_space<vmem>>, vector<16xf32>,
      %mul3A_431 = arith.mulf %mul3A_423, %get3A_430 : vector<16xf32>
      %add3A_432 = arith.addf %add3A_408, %mul3A_431 : vector<16xf32>
      %get3A_433 = arith.constant 0 : i32
      %get3A_434 = arith.constant 0 : i32
      %get3A_435 = tpu.memref_slice %arg9[%scan3A_255, %get3A_433, %get3A_434] : memref<2x64x128xf32, #tpu.memory_space<vmem>> -> memref<1x64x128xf32, #tpu.memory_space<vmem>>
      %get3A_436 = tpu.memref_squeeze %get3A_435 : memref<1x64x128xf32, #tpu.memory_space<vmem>> -> memref<64x128xf32, #tpu.memory_space<vmem>>
      %get3A_437 = arith.index_cast %scan3A_265 : i32 to index
      %get3A_438 = arith.constant 112 : index
      %get3A_439 = tpu.vector_load %get3A_436[%get3A_437, %get3A_438] {strides = array<i32>} : memref<64x128xf32, #tpu.memory_space<vmem>>, vector<16xf32>,
      %get3A_440 = arith.constant 0 : i32
      %get3A_441 = arith.constant 0 : i32
      %get3A_442 = tpu.memref_slice %arg11[%scan3A_256, %get3A_440, %get3A_441] : memref<2x64x128xf32, #tpu.memory_space<vmem>> -> memref<1x64x128xf32, #tpu.memory_space<vmem>>
      %get3A_443 = tpu.memref_squeeze %get3A_442 : memref<1x64x128xf32, #tpu.memory_space<vmem>> -> memref<64x128xf32, #tpu.memory_space<vmem>>
      %get3A_444 = arith.index_cast %scan3A_265 : i32 to index
      %get3A_445 = arith.constant 112 : index
      %get3A_446 = tpu.vector_load %get3A_443[%get3A_444, %get3A_445] {strides = array<i32>} : memref<64x128xf32, #tpu.memory_space<vmem>>, vector<16xf32>,
      %mul3A_447 = arith.mulf %get3A_439, %get3A_446 : vector<16xf32>
      %get3A_448 = arith.constant 0 : i32
      %get3A_449 = arith.constant 0 : i32
      %get3A_450 = tpu.memref_slice %arg10[%scan3A_257, %get3A_448, %get3A_449] : memref<2x64x128xf32, #tpu.memory_space<vmem>> -> memref<1x64x128xf32, #tpu.memory_space<vmem>>
      %get3A_451 = tpu.memref_squeeze %get3A_450 : memref<1x64x128xf32, #tpu.memory_space<vmem>> -> memref<64x128xf32, #tpu.memory_space<vmem>>
      %get3A_452 = arith.index_cast %scan3A_265 : i32 to index
      %get3A_453 = arith.constant 112 : index
      %get3A_454 = tpu.vector_load %get3A_451[%get3A_452, %get3A_453] {strides = array<i32>} : memref<64x128xf32, #tpu.memory_space<vmem>>, vector<16xf32>,
      %mul3A_455 = arith.mulf %mul3A_447, %get3A_454 : vector<16xf32>
      %add3A_456 = arith.addf %add3A_432, %mul3A_455 : vector<16xf32>
      %lt3A = arith.constant 0 : i32
      %lt3A_457 = vector.broadcast %lt3A : i32 to vector<16xi32>
      %lt3A_458 = arith.cmpi slt, %xor3A_4, %lt3A_457 : vector<16xi32>
      %add3A_459 = arith.constant 16 : i32
      %add3A_460 = vector.broadcast %add3A_459 : i32 to vector<16xi32>
      %add3A_461 = arith.addi %xor3A_4, %add3A_460 : vector<16xi32>
      %select_n3A = arith.select %lt3A_458, %add3A_461, %xor3A_4 : vector<16xi1>, vector<16xi32>
      %broadcast_in_dim3A = vector.shape_cast %select_n3A : vector<16xi32> to vector<16x1xi32>
      %gather3A = vector.shape_cast %broadcast_in_dim3A : vector<16x1xi32> to vector<16xi32>
      %gather3A_462 = tpu.dynamic_gather %add3A_456[%gather3A] in [0] : vector<16xf32>, vector<16xi32> -> vector<16xf32>
      %add3A_463 = arith.addf %add3A_456, %gather3A_462 : vector<16xf32>
      %lt3A_464 = arith.constant 0 : i32
      %lt3A_465 = vector.broadcast %lt3A_464 : i32 to vector<16xi32>
      %lt3A_466 = arith.cmpi slt, %xor3A_7, %lt3A_465 : vector<16xi32>
      %add3A_467 = arith.constant 16 : i32
      %add3A_468 = vector.broadcast %add3A_467 : i32 to vector<16xi32>
      %add3A_469 = arith.addi %xor3A_7, %add3A_468 : vector<16xi32>
      %select_n3A_470 = arith.select %lt3A_466, %add3A_469, %xor3A_7 : vector<16xi1>, vector<16xi32>
      %broadcast_in_dim3A_471 = vector.shape_cast %select_n3A_470 : vector<16xi32> to vector<16x1xi32>
      %gather3A_472 = vector.shape_cast %broadcast_in_dim3A_471 : vector<16x1xi32> to vector<16xi32>
      %gather3A_473 = tpu.dynamic_gather %add3A_463[%gather3A_472] in [0] : vector<16xf32>, vector<16xi32> -> vector<16xf32>
      %add3A_474 = arith.addf %add3A_463, %gather3A_473 : vector<16xf32>
      %lt3A_475 = arith.constant 0 : i32
      %lt3A_476 = vector.broadcast %lt3A_475 : i32 to vector<16xi32>
      %lt3A_477 = arith.cmpi slt, %xor3A_10, %lt3A_476 : vector<16xi32>
      %add3A_478 = arith.constant 16 : i32
      %add3A_479 = vector.broadcast %add3A_478 : i32 to vector<16xi32>
      %add3A_480 = arith.addi %xor3A_10, %add3A_479 : vector<16xi32>
      %select_n3A_481 = arith.select %lt3A_477, %add3A_480, %xor3A_10 : vector<16xi1>, vector<16xi32>
      %broadcast_in_dim3A_482 = vector.shape_cast %select_n3A_481 : vector<16xi32> to vector<16x1xi32>
      %gather3A_483 = vector.shape_cast %broadcast_in_dim3A_482 : vector<16x1xi32> to vector<16xi32>
      %gather3A_484 = tpu.dynamic_gather %add3A_474[%gather3A_483] in [0] : vector<16xf32>, vector<16xi32> -> vector<16xf32>
      %add3A_485 = arith.addf %add3A_474, %gather3A_484 : vector<16xf32>
      %lt3A_486 = arith.constant 0 : i32
      %lt3A_487 = vector.broadcast %lt3A_486 : i32 to vector<16xi32>
      %lt3A_488 = arith.cmpi slt, %xor3A_13, %lt3A_487 : vector<16xi32>
      %add3A_489 = arith.constant 16 : i32
      %add3A_490 = vector.broadcast %add3A_489 : i32 to vector<16xi32>
      %add3A_491 = arith.addi %xor3A_13, %add3A_490 : vector<16xi32>
      %select_n3A_492 = arith.select %lt3A_488, %add3A_491, %xor3A_13 : vector<16xi1>, vector<16xi32>
      %broadcast_in_dim3A_493 = vector.shape_cast %select_n3A_492 : vector<16xi32> to vector<16x1xi32>
      %gather3A_494 = vector.shape_cast %broadcast_in_dim3A_493 : vector<16x1xi32> to vector<16xi32>
      %gather3A_495 = tpu.dynamic_gather %add3A_485[%gather3A_494] in [0] : vector<16xf32>, vector<16xi32> -> vector<16xf32>
      %add3A_496 = arith.addf %add3A_485, %gather3A_495 : vector<16xf32>
      %add3A_497 = arith.constant 128 : i32
      %add3A_498 = arith.addi %add3A_497, %scan3A_265 : i32
      %broadcast_in_dim3A_499 = vector.broadcast %add3A_498 : i32 to vector<16xi32>
      tpu.vector_store_idx %arg8[%broadcast_in_dim3A_499], %add3A_496 masked %eq3A_15 : memref<192xf32, #tpu.memory_space<vmem>>[vector<16xi32>], vector<16xf32>, vector<16xi1>
      %scan3A_500 = arith.constant 0 : i32
      %scan3A_501 = arith.constant 1 : i32
      %scan3A_502 = arith.addi %scan3A_265, %scan3A_501 : i32
      %get3A_503 = arith.constant 0 : i32
      %get3A_504 = arith.constant 0 : i32
      %get3A_505 = tpu.memref_slice %arg9[%scan3A_255, %get3A_503, %get3A_504] : memref<2x64x128xf32, #tpu.memory_space<vmem>> -> memref<1x64x128xf32, #tpu.memory_space<vmem>>
      %get3A_506 = tpu.memref_squeeze %get3A_505 : memref<1x64x128xf32, #tpu.memory_space<vmem>> -> memref<64x128xf32, #tpu.memory_space<vmem>>
      %get3A_507 = arith.index_cast %scan3A_502 : i32 to index
      %get3A_508 = arith.constant 0 : index
      %get3A_509 = tpu.vector_load %get3A_506[%get3A_507, %get3A_508] {strides = array<i32>} : memref<64x128xf32, #tpu.memory_space<vmem>>, vector<16xf32>,
      %get3A_510 = arith.constant 0 : i32
      %get3A_511 = arith.constant 0 : i32
      %get3A_512 = tpu.memref_slice %arg11[%scan3A_256, %get3A_510, %get3A_511] : memref<2x64x128xf32, #tpu.memory_space<vmem>> -> memref<1x64x128xf32, #tpu.memory_space<vmem>>
      %get3A_513 = tpu.memref_squeeze %get3A_512 : memref<1x64x128xf32, #tpu.memory_space<vmem>> -> memref<64x128xf32, #tpu.memory_space<vmem>>
      %get3A_514 = arith.index_cast %scan3A_502 : i32 to index
      %get3A_515 = arith.constant 0 : index
      %get3A_516 = tpu.vector_load %get3A_513[%get3A_514, %get3A_515] {strides = array<i32>} : memref<64x128xf32, #tpu.memory_space<vmem>>, vector<16xf32>,
      %mul3A_517 = arith.mulf %get3A_509, %get3A_516 : vector<16xf32>
      %get3A_518 = arith.constant 0 : i32
      %get3A_519 = arith.constant 0 : i32
      %get3A_520 = tpu.memref_slice %arg10[%scan3A_257, %get3A_518, %get3A_519] : memref<2x64x128xf32, #tpu.memory_space<vmem>> -> memref<1x64x128xf32, #tpu.memory_space<vmem>>
      %get3A_521 = tpu.memref_squeeze %get3A_520 : memref<1x64x128xf32, #tpu.memory_space<vmem>> -> memref<64x128xf32, #tpu.memory_space<vmem>>
      %get3A_522 = arith.index_cast %scan3A_502 : i32 to index
      %get3A_523 = arith.constant 0 : index
      %get3A_524 = tpu.vector_load %get3A_521[%get3A_522, %get3A_523] {strides = array<i32>} : memref<64x128xf32, #tpu.memory_space<vmem>>, vector<16xf32>,
      %mul3A_525 = arith.mulf %mul3A_517, %get3A_524 : vector<16xf32>
      %get3A_526 = arith.constant 0 : i32
      %get3A_527 = arith.constant 0 : i32
      %get3A_528 = tpu.memref_slice %arg9[%scan3A_255, %get3A_526, %get3A_527] : memref<2x64x128xf32, #tpu.memory_space<vmem>> -> memref<1x64x128xf32, #tpu.memory_space<vmem>>
      %get3A_529 = tpu.memref_squeeze %get3A_528 : memref<1x64x128xf32, #tpu.memory_space<vmem>> -> memref<64x128xf32, #tpu.memory_space<vmem>>
      %get3A_530 = arith.index_cast %scan3A_502 : i32 to index
      %get3A_531 = arith.constant 16 : index
      %get3A_532 = tpu.vector_load %get3A_529[%get3A_530, %get3A_531] {strides = array<i32>} : memref<64x128xf32, #tpu.memory_space<vmem>>, vector<16xf32>,
      %get3A_533 = arith.constant 0 : i32
      %get3A_534 = arith.constant 0 : i32
      %get3A_535 = tpu.memref_slice %arg11[%scan3A_256, %get3A_533, %get3A_534] : memref<2x64x128xf32, #tpu.memory_space<vmem>> -> memref<1x64x128xf32, #tpu.memory_space<vmem>>
      %get3A_536 = tpu.memref_squeeze %get3A_535 : memref<1x64x128xf32, #tpu.memory_space<vmem>> -> memref<64x128xf32, #tpu.memory_space<vmem>>
      %get3A_537 = arith.index_cast %scan3A_502 : i32 to index
      %get3A_538 = arith.constant 16 : index
      %get3A_539 = tpu.vector_load %get3A_536[%get3A_537, %get3A_538] {strides = array<i32>} : memref<64x128xf32, #tpu.memory_space<vmem>>, vector<16xf32>,
      %mul3A_540 = arith.mulf %get3A_532, %get3A_539 : vector<16xf32>
      %get3A_541 = arith.constant 0 : i32
      %get3A_542 = arith.constant 0 : i32
      %get3A_543 = tpu.memref_slice %arg10[%scan3A_257, %get3A_541, %get3A_542] : memref<2x64x128xf32, #tpu.memory_space<vmem>> -> memref<1x64x128xf32, #tpu.memory_space<vmem>>
      %get3A_544 = tpu.memref_squeeze %get3A_543 : memref<1x64x128xf32, #tpu.memory_space<vmem>> -> memref<64x128xf32, #tpu.memory_space<vmem>>
      %get3A_545 = arith.index_cast %scan3A_502 : i32 to index
      %get3A_546 = arith.constant 16 : index
      %get3A_547 = tpu.vector_load %get3A_544[%get3A_545, %get3A_546] {strides = array<i32>} : memref<64x128xf32, #tpu.memory_space<vmem>>, vector<16xf32>,
      %mul3A_548 = arith.mulf %mul3A_540, %get3A_547 : vector<16xf32>
      %add3A_549 = arith.addf %mul3A_525, %mul3A_548 : vector<16xf32>
      %get3A_550 = arith.constant 0 : i32
      %get3A_551 = arith.constant 0 : i32
      %get3A_552 = tpu.memref_slice %arg9[%scan3A_255, %get3A_550, %get3A_551] : memref<2x64x128xf32, #tpu.memory_space<vmem>> -> memref<1x64x128xf32, #tpu.memory_space<vmem>>
      %get3A_553 = tpu.memref_squeeze %get3A_552 : memref<1x64x128xf32, #tpu.memory_space<vmem>> -> memref<64x128xf32, #tpu.memory_space<vmem>>
      %get3A_554 = arith.index_cast %scan3A_502 : i32 to index
      %get3A_555 = arith.constant 32 : index
      %get3A_556 = tpu.vector_load %get3A_553[%get3A_554, %get3A_555] {strides = array<i32>} : memref<64x128xf32, #tpu.memory_space<vmem>>, vector<16xf32>,
      %get3A_557 = arith.constant 0 : i32
      %get3A_558 = arith.constant 0 : i32
      %get3A_559 = tpu.memref_slice %arg11[%scan3A_256, %get3A_557, %get3A_558] : memref<2x64x128xf32, #tpu.memory_space<vmem>> -> memref<1x64x128xf32, #tpu.memory_space<vmem>>
      %get3A_560 = tpu.memref_squeeze %get3A_559 : memref<1x64x128xf32, #tpu.memory_space<vmem>> -> memref<64x128xf32, #tpu.memory_space<vmem>>
      %get3A_561 = arith.index_cast %scan3A_502 : i32 to index
      %get3A_562 = arith.constant 32 : index
      %get3A_563 = tpu.vector_load %get3A_560[%get3A_561, %get3A_562] {strides = array<i32>} : memref<64x128xf32, #tpu.memory_space<vmem>>, vector<16xf32>,
      %mul3A_564 = arith.mulf %get3A_556, %get3A_563 : vector<16xf32>
      %get3A_565 = arith.constant 0 : i32
      %get3A_566 = arith.constant 0 : i32
      %get3A_567 = tpu.memref_slice %arg10[%scan3A_257, %get3A_565, %get3A_566] : memref<2x64x128xf32, #tpu.memory_space<vmem>> -> memref<1x64x128xf32, #tpu.memory_space<vmem>>
      %get3A_568 = tpu.memref_squeeze %get3A_567 : memref<1x64x128xf32, #tpu.memory_space<vmem>> -> memref<64x128xf32, #tpu.memory_space<vmem>>
      %get3A_569 = arith.index_cast %scan3A_502 : i32 to index
      %get3A_570 = arith.constant 32 : index
      %get3A_571 = tpu.vector_load %get3A_568[%get3A_569, %get3A_570] {strides = array<i32>} : memref<64x128xf32, #tpu.memory_space<vmem>>, vector<16xf32>,
      %mul3A_572 = arith.mulf %mul3A_564, %get3A_571 : vector<16xf32>
      %add3A_573 = arith.addf %add3A_549, %mul3A_572 : vector<16xf32>
      %get3A_574 = arith.constant 0 : i32
      %get3A_575 = arith.constant 0 : i32
      %get3A_576 = tpu.memref_slice %arg9[%scan3A_255, %get3A_574, %get3A_575] : memref<2x64x128xf32, #tpu.memory_space<vmem>> -> memref<1x64x128xf32, #tpu.memory_space<vmem>>
      %get3A_577 = tpu.memref_squeeze %get3A_576 : memref<1x64x128xf32, #tpu.memory_space<vmem>> -> memref<64x128xf32, #tpu.memory_space<vmem>>
      %get3A_578 = arith.index_cast %scan3A_502 : i32 to index
      %get3A_579 = arith.constant 48 : index
      %get3A_580 = tpu.vector_load %get3A_577[%get3A_578, %get3A_579] {strides = array<i32>} : memref<64x128xf32, #tpu.memory_space<vmem>>, vector<16xf32>,
      %get3A_581 = arith.constant 0 : i32
      %get3A_582 = arith.constant 0 : i32
      %get3A_583 = tpu.memref_slice %arg11[%scan3A_256, %get3A_581, %get3A_582] : memref<2x64x128xf32, #tpu.memory_space<vmem>> -> memref<1x64x128xf32, #tpu.memory_space<vmem>>
      %get3A_584 = tpu.memref_squeeze %get3A_583 : memref<1x64x128xf32, #tpu.memory_space<vmem>> -> memref<64x128xf32, #tpu.memory_space<vmem>>
      %get3A_585 = arith.index_cast %scan3A_502 : i32 to index
      %get3A_586 = arith.constant 48 : index
      %get3A_587 = tpu.vector_load %get3A_584[%get3A_585, %get3A_586] {strides = array<i32>} : memref<64x128xf32, #tpu.memory_space<vmem>>, vector<16xf32>,
      %mul3A_588 = arith.mulf %get3A_580, %get3A_587 : vector<16xf32>
      %get3A_589 = arith.constant 0 : i32
      %get3A_590 = arith.constant 0 : i32
      %get3A_591 = tpu.memref_slice %arg10[%scan3A_257, %get3A_589, %get3A_590] : memref<2x64x128xf32, #tpu.memory_space<vmem>> -> memref<1x64x128xf32, #tpu.memory_space<vmem>>
      %get3A_592 = tpu.memref_squeeze %get3A_591 : memref<1x64x128xf32, #tpu.memory_space<vmem>> -> memref<64x128xf32, #tpu.memory_space<vmem>>
      %get3A_593 = arith.index_cast %scan3A_502 : i32 to index
      %get3A_594 = arith.constant 48 : index
      %get3A_595 = tpu.vector_load %get3A_592[%get3A_593, %get3A_594] {strides = array<i32>} : memref<64x128xf32, #tpu.memory_space<vmem>>, vector<16xf32>,
      %mul3A_596 = arith.mulf %mul3A_588, %get3A_595 : vector<16xf32>
      %add3A_597 = arith.addf %add3A_573, %mul3A_596 : vector<16xf32>
      %get3A_598 = arith.constant 0 : i32
      %get3A_599 = arith.constant 0 : i32
      %get3A_600 = tpu.memref_slice %arg9[%scan3A_255, %get3A_598, %get3A_599] : memref<2x64x128xf32, #tpu.memory_space<vmem>> -> memref<1x64x128xf32, #tpu.memory_space<vmem>>
      %get3A_601 = tpu.memref_squeeze %get3A_600 : memref<1x64x128xf32, #tpu.memory_space<vmem>> -> memref<64x128xf32, #tpu.memory_space<vmem>>
      %get3A_602 = arith.index_cast %scan3A_502 : i32 to index
      %get3A_603 = arith.constant 64 : index
      %get3A_604 = tpu.vector_load %get3A_601[%get3A_602, %get3A_603] {strides = array<i32>} : memref<64x128xf32, #tpu.memory_space<vmem>>, vector<16xf32>,
      %get3A_605 = arith.constant 0 : i32
      %get3A_606 = arith.constant 0 : i32
      %get3A_607 = tpu.memref_slice %arg11[%scan3A_256, %get3A_605, %get3A_606] : memref<2x64x128xf32, #tpu.memory_space<vmem>> -> memref<1x64x128xf32, #tpu.memory_space<vmem>>
      %get3A_608 = tpu.memref_squeeze %get3A_607 : memref<1x64x128xf32, #tpu.memory_space<vmem>> -> memref<64x128xf32, #tpu.memory_space<vmem>>
      %get3A_609 = arith.index_cast %scan3A_502 : i32 to index
      %get3A_610 = arith.constant 64 : index
      %get3A_611 = tpu.vector_load %get3A_608[%get3A_609, %get3A_610] {strides = array<i32>} : memref<64x128xf32, #tpu.memory_space<vmem>>, vector<16xf32>,
      %mul3A_612 = arith.mulf %get3A_604, %get3A_611 : vector<16xf32>
      %get3A_613 = arith.constant 0 : i32
      %get3A_614 = arith.constant 0 : i32
      %get3A_615 = tpu.memref_slice %arg10[%scan3A_257, %get3A_613, %get3A_614] : memref<2x64x128xf32, #tpu.memory_space<vmem>> -> memref<1x64x128xf32, #tpu.memory_space<vmem>>
      %get3A_616 = tpu.memref_squeeze %get3A_615 : memref<1x64x128xf32, #tpu.memory_space<vmem>> -> memref<64x128xf32, #tpu.memory_space<vmem>>
      %get3A_617 = arith.index_cast %scan3A_502 : i32 to index
      %get3A_618 = arith.constant 64 : index
      %get3A_619 = tpu.vector_load %get3A_616[%get3A_617, %get3A_618] {strides = array<i32>} : memref<64x128xf32, #tpu.memory_space<vmem>>, vector<16xf32>,
      %mul3A_620 = arith.mulf %mul3A_612, %get3A_619 : vector<16xf32>
      %add3A_621 = arith.addf %add3A_597, %mul3A_620 : vector<16xf32>
      %get3A_622 = arith.constant 0 : i32
      %get3A_623 = arith.constant 0 : i32
      %get3A_624 = tpu.memref_slice %arg9[%scan3A_255, %get3A_622, %get3A_623] : memref<2x64x128xf32, #tpu.memory_space<vmem>> -> memref<1x64x128xf32, #tpu.memory_space<vmem>>
      %get3A_625 = tpu.memref_squeeze %get3A_624 : memref<1x64x128xf32, #tpu.memory_space<vmem>> -> memref<64x128xf32, #tpu.memory_space<vmem>>
      %get3A_626 = arith.index_cast %scan3A_502 : i32 to index
      %get3A_627 = arith.constant 80 : index
      %get3A_628 = tpu.vector_load %get3A_625[%get3A_626, %get3A_627] {strides = array<i32>} : memref<64x128xf32, #tpu.memory_space<vmem>>, vector<16xf32>,
      %get3A_629 = arith.constant 0 : i32
      %get3A_630 = arith.constant 0 : i32
      %get3A_631 = tpu.memref_slice %arg11[%scan3A_256, %get3A_629, %get3A_630] : memref<2x64x128xf32, #tpu.memory_space<vmem>> -> memref<1x64x128xf32, #tpu.memory_space<vmem>>
      %get3A_632 = tpu.memref_squeeze %get3A_631 : memref<1x64x128xf32, #tpu.memory_space<vmem>> -> memref<64x128xf32, #tpu.memory_space<vmem>>
      %get3A_633 = arith.index_cast %scan3A_502 : i32 to index
      %get3A_634 = arith.constant 80 : index
      %get3A_635 = tpu.vector_load %get3A_632[%get3A_633, %get3A_634] {strides = array<i32>} : memref<64x128xf32, #tpu.memory_space<vmem>>, vector<16xf32>,
      %mul3A_636 = arith.mulf %get3A_628, %get3A_635 : vector<16xf32>
      %get3A_637 = arith.constant 0 : i32
      %get3A_638 = arith.constant 0 : i32
      %get3A_639 = tpu.memref_slice %arg10[%scan3A_257, %get3A_637, %get3A_638] : memref<2x64x128xf32, #tpu.memory_space<vmem>> -> memref<1x64x128xf32, #tpu.memory_space<vmem>>
      %get3A_640 = tpu.memref_squeeze %get3A_639 : memref<1x64x128xf32, #tpu.memory_space<vmem>> -> memref<64x128xf32, #tpu.memory_space<vmem>>
      %get3A_641 = arith.index_cast %scan3A_502 : i32 to index
      %get3A_642 = arith.constant 80 : index
      %get3A_643 = tpu.vector_load %get3A_640[%get3A_641, %get3A_642] {strides = array<i32>} : memref<64x128xf32, #tpu.memory_space<vmem>>, vector<16xf32>,
      %mul3A_644 = arith.mulf %mul3A_636, %get3A_643 : vector<16xf32>
      %add3A_645 = arith.addf %add3A_621, %mul3A_644 : vector<16xf32>
      %get3A_646 = arith.constant 0 : i32
      %get3A_647 = arith.constant 0 : i32
      %get3A_648 = tpu.memref_slice %arg9[%scan3A_255, %get3A_646, %get3A_647] : memref<2x64x128xf32, #tpu.memory_space<vmem>> -> memref<1x64x128xf32, #tpu.memory_space<vmem>>
      %get3A_649 = tpu.memref_squeeze %get3A_648 : memref<1x64x128xf32, #tpu.memory_space<vmem>> -> memref<64x128xf32, #tpu.memory_space<vmem>>
      %get3A_650 = arith.index_cast %scan3A_502 : i32 to index
      %get3A_651 = arith.constant 96 : index
      %get3A_652 = tpu.vector_load %get3A_649[%get3A_650, %get3A_651] {strides = array<i32>} : memref<64x128xf32, #tpu.memory_space<vmem>>, vector<16xf32>,
      %get3A_653 = arith.constant 0 : i32
      %get3A_654 = arith.constant 0 : i32
      %get3A_655 = tpu.memref_slice %arg11[%scan3A_256, %get3A_653, %get3A_654] : memref<2x64x128xf32, #tpu.memory_space<vmem>> -> memref<1x64x128xf32, #tpu.memory_space<vmem>>
      %get3A_656 = tpu.memref_squeeze %get3A_655 : memref<1x64x128xf32, #tpu.memory_space<vmem>> -> memref<64x128xf32, #tpu.memory_space<vmem>>
      %get3A_657 = arith.index_cast %scan3A_502 : i32 to index
      %get3A_658 = arith.constant 96 : index
      %get3A_659 = tpu.vector_load %get3A_656[%get3A_657, %get3A_658] {strides = array<i32>} : memref<64x128xf32, #tpu.memory_space<vmem>>, vector<16xf32>,
      %mul3A_660 = arith.mulf %get3A_652, %get3A_659 : vector<16xf32>
      %get3A_661 = arith.constant 0 : i32
      %get3A_662 = arith.constant 0 : i32
      %get3A_663 = tpu.memref_slice %arg10[%scan3A_257, %get3A_661, %get3A_662] : memref<2x64x128xf32, #tpu.memory_space<vmem>> -> memref<1x64x128xf32, #tpu.memory_space<vmem>>
      %get3A_664 = tpu.memref_squeeze %get3A_663 : memref<1x64x128xf32, #tpu.memory_space<vmem>> -> memref<64x128xf32, #tpu.memory_space<vmem>>
      %get3A_665 = arith.index_cast %scan3A_502 : i32 to index
      %get3A_666 = arith.constant 96 : index
      %get3A_667 = tpu.vector_load %get3A_664[%get3A_665, %get3A_666] {strides = array<i32>} : memref<64x128xf32, #tpu.memory_space<vmem>>, vector<16xf32>,
      %mul3A_668 = arith.mulf %mul3A_660, %get3A_667 : vector<16xf32>
      %add3A_669 = arith.addf %add3A_645, %mul3A_668 : vector<16xf32>
      %get3A_670 = arith.constant 0 : i32
      %get3A_671 = arith.constant 0 : i32
      %get3A_672 = tpu.memref_slice %arg9[%scan3A_255, %get3A_670, %get3A_671] : memref<2x64x128xf32, #tpu.memory_space<vmem>> -> memref<1x64x128xf32, #tpu.memory_space<vmem>>
      %get3A_673 = tpu.memref_squeeze %get3A_672 : memref<1x64x128xf32, #tpu.memory_space<vmem>> -> memref<64x128xf32, #tpu.memory_space<vmem>>
      %get3A_674 = arith.index_cast %scan3A_502 : i32 to index
      %get3A_675 = arith.constant 112 : index
      %get3A_676 = tpu.vector_load %get3A_673[%get3A_674, %get3A_675] {strides = array<i32>} : memref<64x128xf32, #tpu.memory_space<vmem>>, vector<16xf32>,
      %get3A_677 = arith.constant 0 : i32
      %get3A_678 = arith.constant 0 : i32
      %get3A_679 = tpu.memref_slice %arg11[%scan3A_256, %get3A_677, %get3A_678] : memref<2x64x128xf32, #tpu.memory_space<vmem>> -> memref<1x64x128xf32, #tpu.memory_space<vmem>>
      %get3A_680 = tpu.memref_squeeze %get3A_679 : memref<1x64x128xf32, #tpu.memory_space<vmem>> -> memref<64x128xf32, #tpu.memory_space<vmem>>
      %get3A_681 = arith.index_cast %scan3A_502 : i32 to index
      %get3A_682 = arith.constant 112 : index
      %get3A_683 = tpu.vector_load %get3A_680[%get3A_681, %get3A_682] {strides = array<i32>} : memref<64x128xf32, #tpu.memory_space<vmem>>, vector<16xf32>,
      %mul3A_684 = arith.mulf %get3A_676, %get3A_683 : vector<16xf32>
      %get3A_685 = arith.constant 0 : i32
      %get3A_686 = arith.constant 0 : i32
      %get3A_687 = tpu.memref_slice %arg10[%scan3A_257, %get3A_685, %get3A_686] : memref<2x64x128xf32, #tpu.memory_space<vmem>> -> memref<1x64x128xf32, #tpu.memory_space<vmem>>
      %get3A_688 = tpu.memref_squeeze %get3A_687 : memref<1x64x128xf32, #tpu.memory_space<vmem>> -> memref<64x128xf32, #tpu.memory_space<vmem>>
      %get3A_689 = arith.index_cast %scan3A_502 : i32 to index
      %get3A_690 = arith.constant 112 : index
      %get3A_691 = tpu.vector_load %get3A_688[%get3A_689, %get3A_690] {strides = array<i32>} : memref<64x128xf32, #tpu.memory_space<vmem>>, vector<16xf32>,
      %mul3A_692 = arith.mulf %mul3A_684, %get3A_691 : vector<16xf32>
      %add3A_693 = arith.addf %add3A_669, %mul3A_692 : vector<16xf32>
      %lt3A_694 = arith.constant 0 : i32
      %lt3A_695 = vector.broadcast %lt3A_694 : i32 to vector<16xi32>
      %lt3A_696 = arith.cmpi slt, %xor3A_4, %lt3A_695 : vector<16xi32>
      %add3A_697 = arith.constant 16 : i32
      %add3A_698 = vector.broadcast %add3A_697 : i32 to vector<16xi32>
      %add3A_699 = arith.addi %xor3A_4, %add3A_698 : vector<16xi32>
      %select_n3A_700 = arith.select %lt3A_696, %add3A_699, %xor3A_4 : vector<16xi1>, vector<16xi32>
      %broadcast_in_dim3A_701 = vector.shape_cast %select_n3A_700 : vector<16xi32> to vector<16x1xi32>
      %gather3A_702 = vector.shape_cast %broadcast_in_dim3A_701 : vector<16x1xi32> to vector<16xi32>
      %gather3A_703 = tpu.dynamic_gather %add3A_693[%gather3A_702] in [0] : vector<16xf32>, vector<16xi32> -> vector<16xf32>
      %add3A_704 = arith.addf %add3A_693, %gather3A_703 : vector<16xf32>
      %lt3A_705 = arith.constant 0 : i32
      %lt3A_706 = vector.broadcast %lt3A_705 : i32 to vector<16xi32>
      %lt3A_707 = arith.cmpi slt, %xor3A_7, %lt3A_706 : vector<16xi32>
      %add3A_708 = arith.constant 16 : i32
      %add3A_709 = vector.broadcast %add3A_708 : i32 to vector<16xi32>
      %add3A_710 = arith.addi %xor3A_7, %add3A_709 : vector<16xi32>
      %select_n3A_711 = arith.select %lt3A_707, %add3A_710, %xor3A_7 : vector<16xi1>, vector<16xi32>
      %broadcast_in_dim3A_712 = vector.shape_cast %select_n3A_711 : vector<16xi32> to vector<16x1xi32>
      %gather3A_713 = vector.shape_cast %broadcast_in_dim3A_712 : vector<16x1xi32> to vector<16xi32>
      %gather3A_714 = tpu.dynamic_gather %add3A_704[%gather3A_713] in [0] : vector<16xf32>, vector<16xi32> -> vector<16xf32>
      %add3A_715 = arith.addf %add3A_704, %gather3A_714 : vector<16xf32>
      %lt3A_716 = arith.constant 0 : i32
      %lt3A_717 = vector.broadcast %lt3A_716 : i32 to vector<16xi32>
      %lt3A_718 = arith.cmpi slt, %xor3A_10, %lt3A_717 : vector<16xi32>
      %add3A_719 = arith.constant 16 : i32
      %add3A_720 = vector.broadcast %add3A_719 : i32 to vector<16xi32>
      %add3A_721 = arith.addi %xor3A_10, %add3A_720 : vector<16xi32>
      %select_n3A_722 = arith.select %lt3A_718, %add3A_721, %xor3A_10 : vector<16xi1>, vector<16xi32>
      %broadcast_in_dim3A_723 = vector.shape_cast %select_n3A_722 : vector<16xi32> to vector<16x1xi32>
      %gather3A_724 = vector.shape_cast %broadcast_in_dim3A_723 : vector<16x1xi32> to vector<16xi32>
      %gather3A_725 = tpu.dynamic_gather %add3A_715[%gather3A_724] in [0] : vector<16xf32>, vector<16xi32> -> vector<16xf32>
      %add3A_726 = arith.addf %add3A_715, %gather3A_725 : vector<16xf32>
      %lt3A_727 = arith.constant 0 : i32
      %lt3A_728 = vector.broadcast %lt3A_727 : i32 to vector<16xi32>
      %lt3A_729 = arith.cmpi slt, %xor3A_13, %lt3A_728 : vector<16xi32>
      %add3A_730 = arith.constant 16 : i32
      %add3A_731 = vector.broadcast %add3A_730 : i32 to vector<16xi32>
      %add3A_732 = arith.addi %xor3A_13, %add3A_731 : vector<16xi32>
      %select_n3A_733 = arith.select %lt3A_729, %add3A_732, %xor3A_13 : vector<16xi1>, vector<16xi32>
      %broadcast_in_dim3A_734 = vector.shape_cast %select_n3A_733 : vector<16xi32> to vector<16x1xi32>
      %gather3A_735 = vector.shape_cast %broadcast_in_dim3A_734 : vector<16x1xi32> to vector<16xi32>
      %gather3A_736 = tpu.dynamic_gather %add3A_726[%gather3A_735] in [0] : vector<16xf32>, vector<16xi32> -> vector<16xf32>
      %add3A_737 = arith.addf %add3A_726, %gather3A_736 : vector<16xf32>
      %add3A_738 = arith.constant 128 : i32
      %add3A_739 = arith.addi %add3A_738, %scan3A_502 : i32
      %broadcast_in_dim3A_740 = vector.broadcast %add3A_739 : i32 to vector<16xi32>
      tpu.vector_store_idx %arg8[%broadcast_in_dim3A_740], %add3A_737 masked %eq3A_15 : memref<192xf32, #tpu.memory_space<vmem>>[vector<16xi32>], vector<16xf32>, vector<16xi1>
      %scan3A_741 = arith.constant 0 : i32
      scf.yield %scan3A_741 : i32
    }
    %scan3A_264 = arith.constant 64 : i32
    "tpu.region"() ({
      %run_scoped3A = tpu.sem_alloc : memref<!tpu.dma_semaphore, #tpu.memory_space<semaphore_mem>>
      %dma_start3A_265 = tpu.memref_slice %arg6[%mul3A_2] : memref<6144xf32, #tpu.memory_space<hbm>> -> memref<192xf32, #tpu.memory_space<hbm>>
      %dma_start3A_266 = tpu.memref_slice %arg6[%mul3A_2] : memref<6144xf32, #tpu.memory_space<hbm>> -> memref<192xf32, #tpu.memory_space<hbm>>
      tpu.enqueue_dma source(%arg8 : memref<192xf32, #tpu.memory_space<vmem>>) target(%dma_start3A_266 : memref<192xf32, #tpu.memory_space<hbm>>) target_semaphore(%run_scoped3A : memref<!tpu.dma_semaphore, #tpu.memory_space<semaphore_mem>>)
      %dma_wait3A_267 = tpu.memref_slice %arg6[%mul3A_2] : memref<6144xf32, #tpu.memory_space<hbm>> -> memref<192xf32, #tpu.memory_space<hbm>>
      %dma_wait3A_268 = tpu.memref_slice %arg6[%mul3A_2] : memref<6144xf32, #tpu.memory_space<hbm>> -> memref<192xf32, #tpu.memory_space<hbm>>
      tpu.wait_dma2 semaphore(%run_scoped3A : memref<!tpu.dma_semaphore, #tpu.memory_space<semaphore_mem>>) src(%arg8 : memref<192xf32, #tpu.memory_space<vmem>>) dst(%dma_wait3A_268 : memref<192xf32, #tpu.memory_space<hbm>>)
      tpu.yield
    }) : () -> ()
    return
  }
}

module attributes {stable_mosaic.version = 14 : i64} {
  func.func @_tc_body(%arg0: i32, %arg1: memref<1024x128xbf16, #tpu.memory_space<vmem>>, %arg2: memref<1x1x1024xi32, #tpu.memory_space<vmem>>, %arg3: memref<1024x128xf32, #tpu.memory_space<vmem>>, %arg4: memref<1024x128xf32, #tpu.memory_space<vmem>>, %arg5: memref<1x1x1024xf32, #tpu.memory_space<vmem>>) attributes {dimension_semantics = [#tpu.dimension_semantics<arbitrary>], iteration_bounds = array<i64: 10>, scalar_prefetch = 0 : i64, scratch_operands = 0 : i64, tpu.core_type = #tpu.core_type<tc>, window_params = [{pipeline_mode = #tpu.pipeline_mode<synchronous>, transform_indices = @transform_0, window_bounds = array<i64: 1024, 128>}, {transform_indices = @transform_1, window_bounds = array<i64: 1, 1, 1024>}, {transform_indices = @transform_2, window_bounds = array<i64: 1024, 128>}, {transform_indices = @transform_3, window_bounds = array<i64: 1024, 128>}, {transform_indices = @transform_4, window_bounds = array<i64: 1, 1, 1024>}]} {
    %get3A = arith.constant 0 : index
    %get3A_0 = arith.constant 0 : index
    %get3A_1 = arith.constant 0 : index
    %get3A_2 = vector.load %arg2[%get3A, %get3A_0, %get3A_1] : memref<1x1x1024xi32, #tpu.memory_space<vmem>>, vector<1x1x1024xi32>
    %get3A_3 = vector.shape_cast %get3A_2 : vector<1x1x1024xi32> to vector<1x1024xi32>
    %convert_element_type3A = arith.trunci %get3A_3 : vector<1x1024xi32> to vector<1x1024xi16>
    %iota3A = tpu.iota {dimensions = array<i32: 0>} : vector<1024x1024xi16>
    %eq3A = vector.broadcast %convert_element_type3A : vector<1x1024xi16> to vector<1024x1024xi16>
    %eq3A_4 = arith.cmpi eq, %iota3A, %eq3A : vector<1024x1024xi16>
    %convert_element_type3A_5 = arith.extui %eq3A_4 : vector<1024x1024xi1> to vector<1024x1024xi32>
    %convert_element_type3A_6 = arith.sitofp %convert_element_type3A_5 : vector<1024x1024xi32> to vector<1024x1024xf32>
    %convert_element_type3A_7 = arith.truncf %convert_element_type3A_6 : vector<1024x1024xf32> to vector<1024x1024xbf16>
    %get3A_8 = arith.constant 0 : index
    %get3A_9 = arith.constant 0 : index
    %get3A_10 = vector.load %arg1[%get3A_8, %get3A_9] : memref<1024x128xbf16, #tpu.memory_space<vmem>>, vector<1024x128xbf16>
    %dot_general3A = arith.constant dense<0.000000e+00> : vector<1024x128xf32>
    %dot_general3A_11 = tpu.matmul %convert_element_type3A_7, %get3A_10, %dot_general3A {dimension_numbers = #tpu.dot_dimension_numbers<[0], [0], [1], [1], [0, 1, 1, 1], [], []>, transpose_lhs_hint = false} : vector<1024x1024xbf16>, vector<1024x128xbf16>, vector<1024x128xf32> -> vector<1024x128xf32>
    %get3A_12 = arith.constant 0 : index
    %get3A_13 = arith.constant 0 : index
    %get3A_14 = vector.load %arg3[%get3A_12, %get3A_13] : memref<1024x128xf32, #tpu.memory_space<vmem>>, vector<1024x128xf32>
    %mul3A = arith.mulf %get3A_14, %dot_general3A_11 : vector<1024x128xf32>
    %get3A_15 = arith.constant 0 : index
    %get3A_16 = arith.constant 0 : index
    %get3A_17 = vector.load %arg4[%get3A_15, %get3A_16] : memref<1024x128xf32, #tpu.memory_space<vmem>>, vector<1024x128xf32>
    %mul3A_18 = arith.mulf %mul3A, %get3A_17 : vector<1024x128xf32>
    %broadcast_in_dim3A = arith.constant 1.000000e+00 : f32
    %broadcast_in_dim3A_19 = vector.broadcast %broadcast_in_dim3A : f32 to vector<1x128xf32>
    %dot_general3A_20 = arith.constant dense<0.000000e+00> : vector<1x1024xf32>
    %dot_general3A_21 = tpu.matmul %broadcast_in_dim3A_19, %mul3A_18, %dot_general3A_20 {dimension_numbers = #tpu.dot_dimension_numbers<[1], [1], [0], [0], [0, 0, 1, 0], [], []>, transpose_lhs_hint = false} : vector<1x128xf32>, vector<1024x128xf32>, vector<1x1024xf32> -> vector<1x1024xf32>
    %broadcast_in_dim3A_22 = vector.shape_cast %dot_general3A_21 : vector<1x1024xf32> to vector<1x1x1024xf32>
    %swap3A = arith.constant 0 : index
    %swap3A_23 = arith.constant 0 : index
    %swap3A_24 = arith.constant 0 : index
    %swap3A_25 = vector.load %arg5[%swap3A, %swap3A_23, %swap3A_24] : memref<1x1x1024xf32, #tpu.memory_space<vmem>>, vector<1x1x1024xf32>
    tpu.vector_store %arg5[%swap3A, %swap3A_23, %swap3A_24], %broadcast_in_dim3A_22 {strides = array<i32>} : memref<1x1x1024xf32, #tpu.memory_space<vmem>>, vector<1x1x1024xf32>,
    return
  }
  func.func @transform_0(%arg0: i32) -> (i32, i32) {
    %c0_i32 = arith.constant 0 : i32
    %c0_i32_0 = arith.constant 0 : i32
    %c0_i32_1 = arith.constant 0 : i32
    return %c0_i32, %c0_i32_0 : i32, i32
  }
  func.func @transform_1(%arg0: i32) -> (i32, i32, i32) {
    %add3A = arith.constant 6 : i32
    %add3A_0 = arith.addi %arg0, %add3A : i32
    %c0_i32 = arith.constant 0 : i32
    %c0_i32_1 = arith.constant 0 : i32
    %c0_i32_2 = arith.constant 0 : i32
    return %add3A_0, %c0_i32, %c0_i32_1 : i32, i32, i32
  }
  func.func @transform_2(%arg0: i32) -> (i32, i32) {
    %add3A = arith.constant 6 : i32
    %add3A_0 = arith.addi %arg0, %add3A : i32
    %c0_i32 = arith.constant 0 : i32
    %c0_i32_1 = arith.constant 0 : i32
    return %add3A_0, %c0_i32 : i32, i32
  }
  func.func @transform_3(%arg0: i32) -> (i32, i32) {
    %add3A = arith.constant 6 : i32
    %add3A_0 = arith.addi %arg0, %add3A : i32
    %c0_i32 = arith.constant 0 : i32
    %c0_i32_1 = arith.constant 0 : i32
    return %add3A_0, %c0_i32 : i32, i32
  }
  func.func @transform_4(%arg0: i32) -> (i32, i32, i32) {
    %c0_i32 = arith.constant 0 : i32
    %c0_i32_0 = arith.constant 0 : i32
    %c0_i32_1 = arith.constant 0 : i32
    return %arg0, %c0_i32, %c0_i32_0 : i32, i32, i32
  }
}

</mosaic_0001>

<sc_bundles>
// kernel: kernel.4.cloned.1.call-start
scs
__scs_entry_jumppad:
0x0: {  	(pc) =	sbr.rel $0x88, $3  }
0x1: {  	(tag) =	ssettag $0x0;
	lr =	simm.s32 $0x1  }
0x2: {  	[smem:$0x3F9D] =	sst lr;
	_ =	strace $0xD0000000  }
0x3: {  	_ = 	snop  }
0x4: {  	_ = 	snop  }
0x5: {  	_ = 	snop  }
0x6: {  	_ = 	snop  }
0x7: {  	_ = 	snop  }
__scs_overlays_trampoline_lowered:
0x8: {  	[smem:$0x3FAC] =	sst s0  }
0x9: {  	[smem:$0x3FAD] =	sst s1  }
0xa: {  	[smem:$0x3FAE] =	sst s2  }
0xb: {  	[smem:$0x3FAF] =	sst s3  }
0xc: {  	[smem:$0x3FB0] =	sst s4  }
0xd: {  	[smem:$0x3FB1] =	sst s5  }
0xe: {  	[smem:$0x3FB2] =	sst s6  }
0xf: {  	[smem:$0x3FB3] =	sst s7  }
0x10: {  	[smem:$0x3FB4] =	sst s8  }
0x11: {  	[smem:$0x3FB5] =	sst s9;
	s0 =	simm.s32 @!p0 $0x0  }
0x12: {  	s1 =	sld [smem:$0x3F9B];
	s0 =	simm.s32 @p0 $0x1  }
0x13: {  	[smem:$0x3FB6] =	sst s0;
	s0 =	simm.s32 @!p1 $0x0  }
0x14: {  	s2 =	sld [smem:$0x3F9A];
	s0 =	simm.s32 @p1 $0x1  }
0x15: {  	[smem:$0x3FB7] =	sst s0;
	s0 =	simm.s32 @!p2 $0x0  }
0x16: {  	s3 =	sld [smem:$0x3FDB];
	s0 =	simm.s32 @p2 $0x1  }
0x17: {  	s4 =	simm.s32 $0x1BF5;
	[smem:$0x3FB9] =	sst s0  }
0x18: {  	s0 =	sld [smem:$0x3F9C];
	_ =	swait.ge [sflag:s4], $0x0  }
0x19: {  	s7 =	sld [smem:$0x3F9D]  }
0x1a: {  	s8 =	sadd.s32 $0xFFFFE003, lr  }
0x1b: {  	s9 =	sadd.s32 $0xFFFFFEF7, lr;
	s5 =	simm.s32 $0xFFFFFFFF;
	p2 =	slt.u32 s8, $0xFFFFF086  }
0x1c: {  	p1 =	slt.u32 s9, $0xF7A;
	s5 =	simm.s32 @!p2 $0x0  }
0x1d: {  	s5 =	simm.s32 @p1 $0x1;
	p0 =	seq.s32 s7, s2  }
0x1e: {  	s7 =	smul.u32 @!p0 $0xF7A, s2;
	p2 =	seq.s32 @!p0 s5, $0x0  }
0x1f: {  	s9 =	smul.u32 $0xF7A, s1;
	s8 =	simm.s32 @!p0 $0x1BF5;
	p2 =	por !p2, p0  }
0x20: {  	[sflag:s8] =	ssyncset.s32 @!p0 $0xFFFFF086;
	s6 =	sadd.s32 @!p0 s3, s7;
	s7 =	simm.s32 @!p0 $0x108  }
0x21: {  	s3 =	sadd.s32 s3, s9;
	s6 =	sadd.s32 @!p0 $0x88, s6;
	s7 =	simm.s32 @p2 $0x1082  }
0x22: {  	[simem:s7], [sflag:s8] =	dma.local @!p0 [hbm:s6], $0xF7A  }
0x23: {  	s9 =	sor.u32 $0xD0000000, s2;
	s6 =	simm.s32 $0x108;
	_ =	swait.ge @!p0 [sflag:s8], $0x0  }
0x24: {  	s3 =	sadd.s32 $0x88, s3;
	s6 =	simm.s32 @!p1 $0x1082;
	[sflag:s4] =	ssyncset.s32 $0xFFFFF086  }
0x25: {  	[simem:s6], [sflag:s4] =	dma.local [hbm:s3], $0xF7A  }
0x26: {  	[smem:$0x3F9D] =	sst s1;
	(tag) =	ssettag s2;
	_ =	strace s9  }
0x27: {  	s1 =	sld [smem:$0x3FAD]  }
0x28: {  	s2 =	sld [smem:$0x3FAE]  }
0x29: {  	s4 =	sld [smem:$0x3FB0]  }
0x2a: {  	p0 =	seq.s32 s5, $0x0;
	s5 =	sld [smem:$0x3FB1]  }
0x2b: {  	s6 =	sld [smem:$0x3FB2]  }
0x2c: {  	s7 =	sld [smem:$0x3FB3]  }
0x2d: {  	s3 =	simm.s32 $0x108;
	s8 =	sld [smem:$0x3FB4]  }
0x2e: {  	s3 =	simm.s32 @!p0 $0x1082;
	s9 =	sld [smem:$0x3FB5]  }
0x2f: {  	lr =	sadd.s32 s0, s3;
	s0 =	sld [smem:$0x3FAC]  }
0x30: {  	s3 =	sld [smem:$0x3FAF]  }
0x31: {  	[smem:$0x3FB8] =	sst s10  }
0x32: {  	s10 =	sld [smem:$0x3FB6];
	_ =	sdelay $0x3  }
0x33: {  	p0 =	seq.s32 s10, $0x1;
	s10 =	sld [smem:$0x3FB8];
	_ =	sdelay $0x3  }
0x34: {  	[smem:$0x3FB8] =	sst s10  }
0x35: {  	s10 =	sld [smem:$0x3FB7];
	_ =	sdelay $0x3  }
0x36: {  	p1 =	seq.s32 s10, $0x1;
	s10 =	sld [smem:$0x3FB8];
	_ =	sdelay $0x3  }
0x37: {  	[smem:$0x3FB8] =	sst s10  }
0x38: {  	s10 =	sld [smem:$0x3FB9]  }
0x39: {  	_ = 	snop;
	(pc) =	sbr.ind lr, $3  }
0x3a: {  	_ = 	snop  }
0x3b: {  	_ = 	snop  }
0x3c: {  	p2 =	seq.s32 s10, $0x1;
	s10 =	sld [smem:$0x3FB8]  }
0x3d: {  	_ =	shalt  }
0x3e: {  	_ =	shalt  }
0x3f: {  	_ =	shalt  }
0x40: {  	_ =	shalt  }
0x41: {  	_ =	shalt  }
0x42: {  	_ =	shalt  }
0x43: {  	_ =	shalt  }
0x44: {  	_ =	shalt  }
0x45: {  	_ =	shalt  }
0x46: {  	_ =	shalt  }
0x47: {  	_ =	shalt  }
0x48: {  	_ =	shalt  }
0x49: {  	_ =	shalt  }
0x4a: {  	_ =	shalt  }
0x4b: {  	_ =	shalt  }
0x4c: {  	_ =	shalt  }
0x4d: {  	_ =	shalt  }
0x4e: {  	_ =	shalt  }
0x4f: {  	_ =	shalt  }
0x50: {  	_ =	shalt  }
0x51: {  	_ =	shalt  }
0x52: {  	_ =	shalt  }
0x53: {  	_ =	shalt  }
0x54: {  	_ =	shalt  }
0x55: {  	_ =	shalt  }
0x56: {  	_ =	shalt  }
0x57: {  	_ =	shalt  }
0x58: {  	_ =	shalt  }
0x59: {  	_ =	shalt  }
0x5a: {  	_ =	shalt  }
0x5b: {  	_ =	shalt  }
0x5c: {  	_ =	shalt  }
0x5d: {  	_ =	shalt  }
0x5e: {  	_ =	shalt  }
0x5f: {  	_ =	shalt  }
0x60: {  	_ =	shalt  }
0x61: {  	_ =	shalt  }
0x62: {  	_ =	shalt  }
0x63: {  	_ =	shalt  }
0x64: {  	_ =	shalt  }
0x65: {  	_ =	shalt  }
0x66: {  	_ =	shalt  }
0x67: {  	_ =	shalt  }
0x68: {  	_ =	shalt  }
0x69: {  	_ =	shalt  }
0x6a: {  	_ =	shalt  }
0x6b: {  	_ =	shalt  }
0x6c: {  	_ =	shalt  }
0x6d: {  	_ =	shalt  }
0x6e: {  	_ =	shalt  }
0x6f: {  	_ =	shalt  }
0x70: {  	_ =	shalt  }
0x71: {  	_ =	shalt  }
0x72: {  	_ =	shalt  }
0x73: {  	_ =	shalt  }
0x74: {  	_ =	shalt  }
0x75: {  	_ =	shalt  }
0x76: {  	_ =	shalt  }
0x77: {  	_ =	shalt  }
0x78: {  	_ =	shalt  }
0x79: {  	_ =	shalt  }
0x7a: {  	_ =	shalt  }
0x7b: {  	_ =	shalt  }
0x7c: {  	_ =	shalt  }
0x7d: {  	_ =	shalt  }
0x7e: {  	_ =	shalt  }
0x7f: {  	_ =	shalt  }
0x80: {  	_ =	shalt  }
0x81: {  	_ =	shalt  }
0x82: {  	_ =	shalt  }
0x83: {  	_ =	shalt  }
0x84: {  	_ =	shalt  }
0x85: {  	_ =	shalt  }
0x86: {  	_ =	shalt  }
0x87: {  	_ =	shalt  }
.Lfunc_end0:
.L_simem_size_0:
called_computation_lowered:
.L_overlay_start_0:
0x88: {  	s2 =	sld [smem:$0x3FD9]  }
0x89: {  	s3 =	sld [smem:$0x3FFE];
	_ =	sdelay $0x1  }
0x8a: {  	s1 =	srdreg.scid  }
0x8b: {  	s0 =	sand.u32 $0x1, s1  }
0x8c: {  	s17 =	sshll.u32 s0, $0xA;
	s2 =	sadd.s32 s3, s2  }
0x8d: {  	s2 =	sadd.s32 s2, s17  }
0x8e: {  	[smem:$0x3FC4] =	sst s2  }
0x8f: {  	_ = 	snop  }
0x90: {  	s2 =	sld [smem:$0x3FC9]  }
0x91: {  	s18 =	sld [smem:$0x3FC8]  }
0x92: {  	s4 =	sld [smem:$0x3FC7]  }
0x93: {  	s5 =	sld [smem:$0x3FC6];
	(tm) =	ssettm $0x1  }
0x94: {  	s6 =	sld [smem:$0x3FFB];
	_ =	sdelay $0x3  }
0x95: {  	_ =	strace s6  }
0x96: {  	s6 =	sld [smem:$0x3FFC];
	_ =	sdelay $0x3  }
0x97: {  	_ =	strace s6  }
0x98: {  	s6 =	sld [smem:$0x3FFD];
	_ =	sdelay $0x3  }
0x99: {  	_ =	strace s6  }
0x9a: {  	_ =	strace $0x8FFFFFFF  }
0x9b: {  	s19 =	sld [smem:$0x3FDB];
	_ =	sdelay $0x1  }
0x9c: {  	s7 =	simm.s32 $_scs_section_size  }
0x9d: {  	s8 =	simm.s32 $_size__tile_overlayer_lowered;
	s9 =	simm.s32 $_tile_overlayer_lowered  }
0x9e: {  	s22 =	simm.s32 $0x1BFF;
	s21 =	sshll.u32 s9, $0x1;
	s6 =	sadd.s32 s7, s19  }
0x9f: {  	s10 =	simm.s32 $0x0;
	s20 =	sshll.u32 s8, $0x1;
	s8 =	sadd.s32 s21, s6  }
0xa0: {  	[timem:s10], [sflag:s22] =	dma.local [hbm:s8], s20  }
0xa1: {  	_ =	swait.ge [sflag:s22], s20  }
0xa2: {  	s7 =	ssub.s32 $0x0, s20;
	[sflag:s22] =	ssyncset.done $0x0  }
0xa3: {  	[sflag:s22] =	ssyncadd.s32 s7;
	_ =	sdelay $0x1  }
0xa4: {  	s23 =	simm.s32 $0x1B8B  }
0xa5: {  	_ =	swait.ge [sflag:s23], $0x1  }
0xa6: {  	[sflag:s23] =	ssyncset.done $0x0  }
0xa7: {  	s25 =	simm.s32 $0x1B8E;
	s24 =	sld [smem:$0x3FFE];
	[sflag:s23] =	ssyncadd.s32 $0xFFFFFFFF  }
0xa8: {  	s26 =	simm.s32 $execute0_lowered;
	[smem:$0x3FD2] =	sst s25  }
0xa9: {  	s8 =	sshll.u32 s26, $0x1;
	_ =	strace $0x80000046;
	[dreg:$0x1] =	wrdreg $0xFFFFFFFF  }
0xaa: {  	s28 =	simm.s32 $_size_execute0_lowered;
	s6 =	sadd.s32 s6, s8;
	[dreg:$0x0] =	wrdreg $0x0  }
0xab: {  	s8 =	sshll.u32 s28, $0x1;
	[dreg:$0x2] =	wrdreg s6  }
0xac: {  	[dreg:$0x3] =	wrdreg s8  }
0xad: {  	[dreg:$0x4] =	wrdreg $0xC0  }
0xae: {  	_ =	task [dreg:s10], $0x5FFFF  }
0xaf: {  	[dreg:$0x1] =	wrdreg $0xFFFFFFFF  }
0xb0: {  	[dreg:$0x0] =	wrdreg $0x60  }
0xb1: {  	[dreg:$0x2] =	wrdreg s2  }
0xb2: {  	[dreg:$0x3] =	wrdreg s18  }
0xb3: {  	[dreg:$0x4] =	wrdreg s4  }
0xb4: {  	[dreg:$0x5] =	wrdreg s5  }
0xb5: {  	[dreg:$0x6] =	wrdreg s24  }
0xb6: {  	[dreg:$0x7] =	wrdreg $0x9  }
0xb7: {  	_ =	task.clear_ibuf [dreg:s10], $0x8FFFF;
	_ =	strace $0x90000046  }
0xb8: {  	s29 =	simm.s32 $0x9;
	_ =	strace $0x80000048  }
0xb9: {  	_ =	swait.ge [sflag:s29], $0x1  }
0xba: {  	[sflag:s29] =	ssyncadd.s32 $0xFFFFFFFF  }
0xbb: {  	_ =	strace $0x90000048  }
0xbc: {  	_ =	sfence  }
0xbd: {  	s30 =	sld [smem:$0x0];
	_ =	sdelay $0x2  }
0xbe: {  	s31 =	sshll.u32 s1, $0xD;
	s1 =	sshrl.u32 s1, $0x2  }
0xbf: {  	s3 =	sand.u32 $0x4000, s31;
	s1 =	sadd.s32 s1, s30  }
0xc0: {  	s0 =	sor.u32 s3, s0;
	s1 =	sshll.u32 s1, $0x11  }
0xc1: {  	s0 =	sor.u32 s1, s0  }
0xc2: {  	s0 =	sadd.s32 $0x8F2B, s0  }
0xc3: {  	[sflag:s0] =	ssyncadd.remote.s32 $0x1  }
0xc4: {  	_ =	sfence.sel $0xFFFF  }
0xc5: {  	[dreg:$0x0] =	wrdreg $0xFFFFFFFF;
	(pc) =	sbr.abs _section_cstart, $3  }
0xc6: {  	[dreg:$0x1] =	wrdreg $0xFFFFFFFF  }
0xc7: {  	_ =	task.clear_ibuf [dreg:s10], $0x2FFFF;
	_ =	strace $0x9FFFFFFF  }
0xc8: {  	(tm) =	ssettm $0x7FFFFFFF  }
0xc9: {  	_ =	shalt  }
tec
execute0_lowered:
.L_overlay_start_1:
0x0: {  	(tag) =	ssettag $0x1  }
0x1: {  	s9 =	rddreg [dreg:$0x0]  }
0x2: {  	s6 =	rddreg [dreg:$0x1]  }
0x3: {  	s10 =	rddreg [dreg:$0x2];
	s1 =	srdreg.scid  }
0x4: {  	s0 =	stileid.u32;
	s2 =	rddreg [dreg:$0x3]  }
0x5: {  	s5 =	rddreg [dreg:$0x4];
	v0 =	vimm.s32 $0xFEDCBA98;
	s3 =	simm.s32 $0x0;
	v1 =	vimm.s32 $0x76543210;
	s15 =	simm.s32 $0x3  }
0x6: {  	v2 =	vimm.s32 $0xBA98FEDC;
	v3 =	vimm.s32 $0x32107654;
	s16 =	simm.s32 $0x40;
	s17 =	simm.s32 $0x8200;
	s18 =	simm.s32 $0x2200  }
0x7: {  	v4 =	vimm.s32 $0xDCFE98BA;
	v5 =	vimm.s32 $0x54761032;
	s19 =	simm.s32 $0x6200;
	s4 =	sand.u32 $0x1, s1;
	s30 =	sshll.u32 s0, $0x1  }
0x8: {  	v6 =	vimm.s32 $0xEFCDAB89;
	v7 =	vimm.s32 $0x67452301;
	s20 =	simm.s32 $0xA200;
	s21 =	simm.s32 $0x1;
	s7 =	sor.u32 s4, s30  }
0x9: {  	s22 =	simm.s32 $0x100;
	s23 =	simm.s32 $0x80;
	v0 =	vunpack.c.l.s4.s8 v0;
	v1 =	vunpack.c.l.s4.s8 v1;
	v2 =	vunpack.c.l.s4.s8 v2;
	s8 =	smul.u32 $0x18, s7  }
0xa: {  	s24 =	simm.s32 $0x2;
	v3 =	vunpack.c.l.s4.s8 v3;
	v4 =	vunpack.c.l.s4.s8 v4;
	v5 =	vunpack.c.l.s4.s8 v5;
	s4 =	ssub.s32 $0x2, s4;
	s11 =	smul.u32 $0x6000, s7  }
0xb: {  	[smem:$0x7FF] =	sst s3;
	v6 =	vunpack.c.l.s4.s8 v6;
	v7 =	vunpack.c.l.s4.s8 v7;
	s7 =	smul.u32 $0xC00, s7;
	v0 =	vunpack.c.0.s8.s32 v0;
	s31 =	sshrl.u32 s4, $0x1  }
0xc: {  	s25 =	simm.s32 $0x0;
	_ =	strace $0x80000047;
	v2 =	vunpack.c.0.s8.s32 v2;
	v3 =	vunpack.c.0.s8.s32 v3;
	v4 =	vunpack.c.0.s8.s32 v4;
	s14 =	ssub.s32 s4, s31  }
0xd: {  	v5 =	vunpack.c.0.s8.s32 v5;
	v6 =	vunpack.c.0.s8.s32 v6;
	v7 =	vunpack.c.0.s8.s32 v7;
	s11 =	sshrl.u32 s11, $0x3;
	s12 =	sadd.s32 s8, s5;
	s4 =	sadd.s32 s9, s7  }
0xe: {  	v1 =	vunpack.c.0.s8.s32 v1;
	s5 =	sadd.s32 s10, s7;
	s6 =	sadd.s32 s6, s8;
	v2 =	vcombine.low v3, v2;
	s13 =	sadd.s32 $0x400, s11  }
0xf: {  	v3 =	vcombine.low v5, v4;
	v4 =	vcombine.low v7, v6;
	v0 =	vand.u32 $0xF, v0;
	s11 =	sadd.s32 $0x800, s11;
	s7 =	sadd.s32 s9, s13;
	s8 =	sadd.s32 s10, s13  }
0x10: {  	v0 =	vcombine.low v0, v1;
	s9 =	sadd.s32 s9, s11;
	s10 =	sadd.s32 s10, s11;
	s11 =	sadd.s32 $0xC00, s12  }
0x11: {  	s12 =	smax.u32 s14, $0x1;
	s13 =	simm.s32 $0x200;
	s14 =	simm.s32 $0x4200;
	v1 =	vand.u32 $0xF, v2;
	v2 =	vand.u32 $0xF, v3;
	v3 =	vand.u32 $0xF, v4  }
.LBB2_1:
0x12: {  	[tilespmem:s13], [sflag:$0x1] =	stream.linear.gather [hbm4b:s4+s3], $0x2000, $0x38;
	[tilespmem:$0xC200] =	vst v63  }
0x13: {  	_ = 	snop  }
0x14: {  	[tilespmem:s14], [sflag:$0x1] =	stream.linear.gather [hbm4b:s5+s3], $0x2000, $0x38;
	[tilespmem:$0xC200] =	vst v63  }
0x15: {  	_ = 	snop  }
0x16: {  	[tilespmem:s3], [sflag:$0x3] =	stream.linear.gather [hbm4b:s6+s3], $0xC0, $0x38;
	[tilespmem:$0xC200] =	vst v63  }
0x17: {  	_ =	swait.ge [sflag:s15], $0xC0  }
0x18: {  	[sflag:s15] =	ssyncset.done $0x0  }
0x19: {  	[sflag:s15] =	ssyncadd.s32 $0xFFFFFF40  }
0x1a: {  	[tilespmem:s17], [sflag:$0x1] =	stream.indirect.gather [hbm4b:s2+s16], $0x80, s3, s16, $0xb8;
	[tilespmem:$0xC200] =	vst v63  }
0x1b: {  	_ = 	snop  }
0x1c: {  	[tilespmem:s18], [sflag:$0x2] =	stream.linear.gather [hbm4b:s7+s3], $0x2000, $0x38;
	[tilespmem:$0xC200] =	vst v63  }
0x1d: {  	_ = 	snop  }
0x1e: {  	[tilespmem:s19], [sflag:$0x2] =	stream.linear.gather [hbm4b:s8+s3], $0x2000, $0x38;
	[tilespmem:$0xC200] =	vst v63  }
0x1f: {  	_ = 	snop  }
0x20: {  	[tilespmem:s20], [sflag:$0x2] =	stream.indirect.gather [hbm4b:s2+s16], $0x80, s16, s16, $0xb8;
	[tilespmem:$0xC200] =	vst v63  }
0x21: {  	_ =	swait.ge [sflag:s21], $0x2000  }
0x22: {  	[sflag:s21] =	ssyncset.done $0x0  }
0x23: {  	[sflag:s21] =	ssyncadd.s32 $0xFFFFE000  }
0x24: {  	_ =	swait.ge [sflag:s21], $0x2000  }
0x25: {  	[sflag:s21] =	ssyncset.done $0x0  }
0x26: {  	[sflag:s21] =	ssyncadd.s32 $0xFFFFE000  }
0x27: {  	_ =	swait.ge [sflag:s21], $0x2000  }
0x28: {  	[sflag:s21] =	ssyncset.done $0x0  }
0x29: {  	s26 =	simm.s32 $0x280;
	[sflag:s21] =	ssyncadd.s32 $0xFFFFE000  }
0x2a: {  	v4 =	vld [tilespmem:s26+$0xFFFFFFD0]  }
0x2b: {  	s28 =	simm.s32 $0x8280;
	v5 =	vld [tilespmem:s26+$0xFFFFFFC0]  }
0x2c: {  	v6 =	vld [tilespmem:s28+$0xFFFFFFB0]  }
0x2d: {  	v7 =	vld [tilespmem:s26+$0xFFFFFFB0]  }
0x2e: {  	v8 =	vld [tilespmem:s28+$0xFFFFFFE0]  }
0x2f: {  	v9 =	vld [tilespmem:s28+$0xFFFFFFA0]  }
0x30: {  	v10 =	vld [tilespmem:s26+$0xFFFFFFA0]  }
0x31: {  	v11 =	vld [tilespmem:s26+$0xFFFFFF80]  }
0x32: {  	v12 =	vld [tilespmem:s28+$0xFFFFFF80]  }
0x33: {  	v13 =	vld [tilespmem:s28+$0xFFFFFF90]  }
0x34: {  	s29 =	simm.s32 $0x4280;
	v14 =	vld [tilespmem:s26+$0xFFFFFF90]  }
0x35: {  	v15 =	vld [tilespmem:s29+$0xFFFFFF90]  }
0x36: {  	v16 =	vld [tilespmem:s29+$0xFFFFFF80]  }
0x37: {  	v17 =	vld [tilespmem:s26+$0xFFFFFFE0]  }
0x38: {  	v18 =	vld [tilespmem:s29+$0xFFFFFFA0]  }
0x39: {  	v19 =	vld [tilespmem:s29+$0xFFFFFFB0];
	v13 =	vmul.f32 v13, v14;
	v11 =	vmul.f32 v12, v11  }
0x3a: {  	v38 =	vld [tilespmem:s28+$0xFFFFFFC0];
	v9 =	vmul.f32 v9, v10  }
0x3b: {  	v39 =	vld [tilespmem:s28+$0xFFFFFFD0];
	v13 =	vmul.f32 v15, v13;
	v11 =	vmul.f32 v16, v11  }
0x3c: {  	v40 =	vld [tilespmem:s29+$0xFFFFFFC0]  }
0x3d: {  	v41 =	vld [tilespmem:s29+$0xFFFFFFD0];
	v6 =	vmul.f32 v6, v7;
	v9 =	vmul.f32 v18, v9;
	v11 =	vadd.f32 v13, v11  }
0x3e: {  	v42 =	vld [tilespmem:s26+$0xFFFFFFF0]  }
0x3f: {  	v43 =	vld [tilespmem:s28+$0xFFFFFFF0];
	v5 =	vmul.f32 v38, v5;
	v6 =	vmul.f32 v19, v6;
	v9 =	vadd.f32 v9, v11  }
0x40: {  	v7 =	vld [tilespmem:s29+$0xFFFFFFE0]  }
0x41: {  	v4 =	vmul.f32 v39, v4;
	v5 =	vmul.f32 v40, v5;
	v6 =	vadd.f32 v6, v9  }
0x42: {  	v44 =	vld [tilespmem:s29+$0xFFFFFFF0]  }
0x43: {  	v8 =	vmul.f32 v8, v17;
	v4 =	vmul.f32 v41, v4;
	v5 =	vadd.f32 v5, v6;
	_ =	sdelay $0x1  }
0x44: {  	v6 =	vmul.f32 v7, v8;
	v7 =	vmul.f32 v43, v42;
	v4 =	vadd.f32 v4, v5;
	_ =	sdelay $0x1  }
0x45: {  	v5 =	vmul.f32 v44, v7;
	v4 =	vadd.f32 v6, v4;
	_ =	sdelay $0x1  }
0x46: {  	v4 =	vadd.f32 v5, v4;
	_ =	sdelay $0x1  }
0x47: {  	v5 =	vperm.xlane v4, v0;
	_ =	sdelay $0x1  }
0x48: {  	v4 =	vadd.f32 v4, v5;
	_ =	sdelay $0x1  }
0x49: {  	v5 =	vperm.xlane v4, v1;
	_ =	sdelay $0x1  }
0x4a: {  	v4 =	vadd.f32 v4, v5;
	_ =	sdelay $0x1  }
0x4b: {  	v6 =	vmov s3;
	v5 =	vperm.xlane v4, v2  }
0x4c: {  	v6 =	vand.u32 $0xFFFFFFFE, v6  }
0x4d: {  	v4 =	vadd.f32 v4, v5;
	v5 =	vbroadcast v6, $0x0;
	_ =	sdelay $0x1  }
0x4e: {  	v6 =	vperm.xlane v4, v3;
	_ =	sdelay $0x1  }
0x4f: {  	v4 =	vadd.f32 v4, v6;
	_ =	sdelay $0x1  }
0x50: {  	[tilespmem:v5+s22+$0x0] =	vst.idx.msk $0x1, v4  }
0x51: {  	v4 =	vld [tilespmem:s26+$0x0]  }
0x52: {  	v5 =	vld [tilespmem:s28+$0x0]  }
0x53: {  	v6 =	vld [tilespmem:s26+$0x10]  }
0x54: {  	v7 =	vld [tilespmem:s28+$0x70]  }
0x55: {  	v45 =	vld [tilespmem:s28+$0x60]  }
0x56: {  	v46 =	vld [tilespmem:s28+$0x50]  }
0x57: {  	v47 =	vld [tilespmem:s28+$0x40]  }
0x58: {  	v48 =	vld [tilespmem:s29+$0x20]  }
0x59: {  	v49 =	vld [tilespmem:s28+$0x20]  }
0x5a: {  	v50 =	vld [tilespmem:s26+$0x20]  }
0x5b: {  	v51 =	vld [tilespmem:s28+$0x10]  }
0x5c: {  	v52 =	vld [tilespmem:s29+$0x10]  }
0x5d: {  	v53 =	vld [tilespmem:s29+$0x0]  }
0x5e: {  	v54 =	vld [tilespmem:s28+$0x30]  }
0x5f: {  	v55 =	vld [tilespmem:s26+$0x30]  }
0x60: {  	v56 =	vld [tilespmem:s29+$0x30];
	v4 =	vmul.f32 v5, v4;
	v5 =	vmul.f32 v51, v6  }
0x61: {  	v6 =	vld [tilespmem:s26+$0x40];
	v12 =	vmul.f32 v49, v50  }
0x62: {  	v57 =	vld [tilespmem:s26+$0x50];
	v4 =	vmul.f32 v53, v4;
	v5 =	vmul.f32 v52, v5  }
0x63: {  	v58 =	vld [tilespmem:s29+$0x40]  }
0x64: {  	v60 =	vld [tilespmem:s26+$0x60];
	v59 =	vmul.f32 v54, v55;
	v4 =	vadd.f32 v5, v4;
	v5 =	vmul.f32 v48, v12  }
0x65: {  	v61 =	vld [tilespmem:s29+$0x50]  }
0x66: {  	v62 =	vld [tilespmem:s26+$0x70];
	v6 =	vmul.f32 v47, v6;
	v4 =	vadd.f32 v5, v4;
	v5 =	vmul.f32 v56, v59  }
0x67: {  	v63 =	vld [tilespmem:s29+$0x60]  }
0x68: {  	v9 =	vmul.f32 v46, v57;
	v4 =	vadd.f32 v5, v4;
	v5 =	vmul.f32 v58, v6  }
0x69: {  	v6 =	vld [tilespmem:s29+$0x70]  }
0x6a: {  	v8 =	vmul.f32 v45, v60;
	v4 =	vadd.f32 v5, v4;
	v5 =	vmul.f32 v61, v9;
	_ =	sdelay $0x1  }
0x6b: {  	v7 =	vmul.f32 v7, v62;
	v4 =	vadd.f32 v5, v4;
	v5 =	vmul.f32 v63, v8;
	_ =	sdelay $0x1  }
0x6c: {  	v4 =	vadd.f32 v5, v4;
	v5 =	vmul.f32 v6, v7;
	_ =	sdelay $0x1  }
0x6d: {  	s31 =	simm.s32 $0x2;
	s30 =	simm.s32 $0x0;
	v4 =	vadd.f32 v5, v4  }
.LBB2_2:
0x6e: {  	s28 =	sadd.s32 $0x100, s28;
	s29 =	sadd.s32 $0x100, s29;
	s26 =	sadd.s32 $0x100, s26  }
0x6f: {  	p0 =	slt.u32 s31, $0x3E;
	s1 =	smov.u32 s31;
	s31 =	sadd.s32 $0x2, s31;
	v5 =	vperm.xlane v4, v0  }
0x70: {  	_ = 	snop  }
0x71: {  	v4 =	vadd.f32 v4, v5;
	_ =	sdelay $0x1  }
0x72: {  	v5 =	vperm.xlane v4, v1;
	_ =	sdelay $0x1  }
0x73: {  	v4 =	vadd.f32 v4, v5;
	_ =	sdelay $0x1  }
0x74: {  	v5 =	vperm.xlane v4, v2;
	_ =	sdelay $0x1  }
0x75: {  	s0 =	sadd.s32 $0x1, s30;
	s30 =	smov.u32 s1;
	v4 =	vadd.f32 v4, v5  }
0x76: {  	v5 =	vmov s0  }
0x77: {  	v6 =	vperm.xlane v4, v3;
	_ =	sdelay $0x1  }
0x78: {  	v4 =	vadd.f32 v4, v6;
	_ =	sdelay $0x1  }
0x79: {  	[tilespmem:v5+s22+$0x0] =	vst.idx.msk $0x1, v4  }
0x7a: {  	v4 =	vld [tilespmem:s26+$0xFFFFFFD0]  }
0x7b: {  	v5 =	vld [tilespmem:s26+$0xFFFFFFC0]  }
0x7c: {  	v6 =	vld [tilespmem:s28+$0xFFFFFFB0]  }
0x7d: {  	v7 =	vld [tilespmem:s26+$0xFFFFFFB0]  }
0x7e: {  	v8 =	vld [tilespmem:s28+$0xFFFFFFE0]  }
0x7f: {  	v9 =	vld [tilespmem:s26+$0xFFFFFFE0]  }
0x80: {  	v10 =	vld [tilespmem:s28+$0xFFFFFFA0]  }
0x81: {  	v11 =	vld [tilespmem:s26+$0xFFFFFFA0]  }
0x82: {  	v12 =	vld [tilespmem:s26+$0xFFFFFF80]  }
0x83: {  	v13 =	vld [tilespmem:s28+$0xFFFFFF80]  }
0x84: {  	v14 =	vld [tilespmem:s28+$0xFFFFFF90]  }
0x85: {  	v15 =	vld [tilespmem:s26+$0xFFFFFF90]  }
0x86: {  	v16 =	vld [tilespmem:s29+$0xFFFFFF90];
	v10 =	vmul.f32 v10, v11  }
0x87: {  	v11 =	vld [tilespmem:s29+$0xFFFFFFB0]  }
0x88: {  	v17 =	vld [tilespmem:s29+$0xFFFFFF80]  }
0x89: {  	v18 =	vld [tilespmem:s28+$0xFFFFFFC0]  }
0x8a: {  	v14 =	vmul.f32 v14, v15;
	v15 =	vld [tilespmem:s28+$0xFFFFFFD0]  }
0x8b: {  	v19 =	vld [tilespmem:s29+$0xFFFFFFD0]  }
0x8c: {  	v14 =	vmul.f32 v16, v14;
	v16 =	vld [tilespmem:s29+$0xFFFFFFA0]  }
0x8d: {  	v12 =	vmul.f32 v13, v12;
	v13 =	vld [tilespmem:s29+$0xFFFFFFE0]  }
0x8e: {  	v20 =	vld [tilespmem:s26+$0xFFFFFFF0]  }
0x8f: {  	v8 =	vmul.f32 v8, v9;
	v12 =	vmul.f32 v17, v12;
	v9 =	vld [tilespmem:s28+$0xFFFFFFF0]  }
0x90: {  	v17 =	vld [tilespmem:s29+$0xFFFFFFC0]  }
0x91: {  	v6 =	vmul.f32 v6, v7;
	v12 =	vadd.f32 v14, v12;
	v10 =	vmul.f32 v16, v10;
	v7 =	vld [tilespmem:s29+$0xFFFFFFF0]  }
0x92: {  	v8 =	vmul.f32 v13, v8  }
0x93: {  	v6 =	vmul.f32 v11, v6;
	v5 =	vmul.f32 v18, v5;
	v10 =	vadd.f32 v10, v12  }
0x94: {  	v9 =	vmul.f32 v9, v20  }
0x95: {  	v4 =	vmul.f32 v15, v4;
	v6 =	vadd.f32 v6, v10;
	v5 =	vmul.f32 v17, v5  }
0x96: {  	v7 =	vmul.f32 v7, v9  }
0x97: {  	v4 =	vmul.f32 v19, v4;
	v5 =	vadd.f32 v5, v6;
	_ =	sdelay $0x1  }
0x98: {  	v4 =	vadd.f32 v4, v5;
	_ =	sdelay $0x1  }
0x99: {  	v4 =	vadd.f32 v8, v4;
	_ =	sdelay $0x1  }
0x9a: {  	v4 =	vadd.f32 v7, v4;
	_ =	sdelay $0x1  }
0x9b: {  	v5 =	vperm.xlane v4, v0;
	_ =	sdelay $0x1  }
0x9c: {  	v4 =	vadd.f32 v4, v5;
	_ =	sdelay $0x1  }
0x9d: {  	v5 =	vperm.xlane v4, v1;
	_ =	sdelay $0x1  }
0x9e: {  	v4 =	vadd.f32 v4, v5;
	_ =	sdelay $0x1  }
0x9f: {  	v6 =	vmov s30;
	v5 =	vperm.xlane v4, v2  }
0xa0: {  	v6 =	vand.u32 $0xFFFFFFFE, v6  }
0xa1: {  	v4 =	vadd.f32 v4, v5;
	v5 =	vbroadcast v6, $0x0;
	_ =	sdelay $0x1  }
0xa2: {  	v6 =	vperm.xlane v4, v3;
	_ =	sdelay $0x1  }
0xa3: {  	v4 =	vadd.f32 v4, v6;
	_ =	sdelay $0x1  }
0xa4: {  	[tilespmem:v5+s22+$0x0] =	vst.idx.msk $0x1, v4  }
0xa5: {  	v4 =	vld [tilespmem:s26+$0x0]  }
0xa6: {  	v5 =	vld [tilespmem:s28+$0x0]  }
0xa7: {  	v6 =	vld [tilespmem:s26+$0x10]  }
0xa8: {  	v7 =	vld [tilespmem:s28+$0x70]  }
0xa9: {  	v8 =	vld [tilespmem:s28+$0x60]  }
0xaa: {  	v9 =	vld [tilespmem:s28+$0x50]  }
0xab: {  	v4 =	vmul.f32 v5, v4;
	v5 =	vld [tilespmem:s28+$0x40]  }
0xac: {  	v10 =	vld [tilespmem:s29+$0x20]  }
0xad: {  	v11 =	vld [tilespmem:s28+$0x20]  }
0xae: {  	v12 =	vld [tilespmem:s26+$0x20]  }
0xaf: {  	v13 =	vld [tilespmem:s28+$0x10]  }
0xb0: {  	v14 =	vld [tilespmem:s29+$0x10]  }
0xb1: {  	v15 =	vld [tilespmem:s29+$0x0]  }
0xb2: {  	v16 =	vld [tilespmem:s28+$0x30]  }
0xb3: {  	v11 =	vmul.f32 v11, v12;
	v12 =	vld [tilespmem:s26+$0x30]  }
0xb4: {  	v6 =	vmul.f32 v13, v6;
	v13 =	vld [tilespmem:s26+$0x40]  }
0xb5: {  	v17 =	vld [tilespmem:s29+$0x30]  }
0xb6: {  	v4 =	vmul.f32 v15, v4;
	v6 =	vmul.f32 v14, v6;
	v14 =	vld [tilespmem:s26+$0x50]  }
0xb7: {  	v15 =	vld [tilespmem:s29+$0x40]  }
0xb8: {  	v4 =	vadd.f32 v6, v4;
	v6 =	vmul.f32 v10, v11;
	v10 =	vmul.f32 v16, v12;
	v11 =	vld [tilespmem:s26+$0x60]  }
0xb9: {  	v5 =	vmul.f32 v5, v13;
	v12 =	vld [tilespmem:s29+$0x50]  }
0xba: {  	v4 =	vadd.f32 v6, v4;
	v6 =	vmul.f32 v17, v10;
	v10 =	vld [tilespmem:s26+$0x70]  }
0xbb: {  	v9 =	vmul.f32 v9, v14;
	v13 =	vld [tilespmem:s29+$0x60]  }
0xbc: {  	v4 =	vadd.f32 v6, v4;
	v5 =	vmul.f32 v15, v5  }
0xbd: {  	v6 =	vmul.f32 v8, v11;
	v8 =	vld [tilespmem:s29+$0x70]  }
0xbe: {  	v4 =	vadd.f32 v5, v4;
	v5 =	vmul.f32 v12, v9  }
0xbf: {  	v7 =	vmul.f32 v7, v10  }
.Ltmp0:
0xc0: {  	v4 =	vadd.f32 v5, v4;
	v5 =	vmul.f32 v13, v6;
	(pc) =	sbr.rel @p0 .LBB2_2-.Ltmp0, $3  }
0xc1: {  	_ = 	snop  }
0xc2: {  	v4 =	vadd.f32 v5, v4;
	v5 =	vmul.f32 v8, v7;
	_ =	sdelay $0x1  }
0xc3: {  	v4 =	vadd.f32 v5, v4  }
0xc4: {  	_ = 	snop  }
0xc5: {  	v5 =	vperm.xlane v4, v0;
	_ =	sdelay $0x1  }
0xc6: {  	v4 =	vadd.f32 v4, v5;
	_ =	sdelay $0x1  }
0xc7: {  	v5 =	vperm.xlane v4, v1;
	_ =	sdelay $0x1  }
0xc8: {  	v4 =	vadd.f32 v4, v5;
	_ =	sdelay $0x1  }
0xc9: {  	v5 =	vperm.xlane v4, v2;
	_ =	sdelay $0x1  }
0xca: {  	s0 =	sadd.s32 $0x1, s30;
	v4 =	vadd.f32 v4, v5  }
0xcb: {  	v5 =	vmov s0  }
0xcc: {  	v6 =	vperm.xlane v4, v3;
	_ =	sdelay $0x1  }
0xcd: {  	v4 =	vadd.f32 v4, v6;
	_ =	sdelay $0x1  }
0xce: {  	[tilespmem:v5+s22+$0x0] =	vst.idx.msk $0x1, v4  }
0xcf: {  	[tilespmem:s13], [sflag:$0x1] =	stream.linear.gather [hbm4b:s9+s3], $0x2000, $0x38;
	[tilespmem:$0xC200] =	vst v63  }
0xd0: {  	_ = 	snop  }
0xd1: {  	[tilespmem:s14], [sflag:$0x1] =	stream.linear.gather [hbm4b:s10+s3], $0x2000, $0x38;
	[tilespmem:$0xC200] =	vst v63  }
0xd2: {  	_ = 	snop  }
0xd3: {  	[tilespmem:s17], [sflag:$0x1] =	stream.indirect.gather [hbm4b:s2+s16], $0x80, s23, s16, $0xb8;
	[tilespmem:$0xC200] =	vst v63  }
0xd4: {  	_ =	swait.ge [sflag:s24], $0x2000  }
0xd5: {  	[sflag:s24] =	ssyncset.done $0x0  }
0xd6: {  	[sflag:s24] =	ssyncadd.s32 $0xFFFFE000  }
0xd7: {  	_ =	swait.ge [sflag:s24], $0x2000  }
0xd8: {  	[sflag:s24] =	ssyncset.done $0x0  }
0xd9: {  	[sflag:s24] =	ssyncadd.s32 $0xFFFFE000  }
0xda: {  	_ =	swait.ge [sflag:s24], $0x2000  }
0xdb: {  	[sflag:s24] =	ssyncset.done $0x0  }
0xdc: {  	s26 =	simm.s32 $0xA2F0;
	[sflag:s24] =	ssyncadd.s32 $0xFFFFE000  }
0xdd: {  	s29 =	simm.s32 $0x62F0;
	v4 =	vld [tilespmem:s26+$0xFFFFFF40]  }
0xde: {  	v5 =	vld [tilespmem:s29+$0xFFFFFF10]  }
0xdf: {  	v6 =	vld [tilespmem:s29+$0xFFFFFF20]  }
0xe0: {  	s28 =	simm.s32 $0x22F0;
	v7 =	vld [tilespmem:s26+$0xFFFFFF10]  }
0xe1: {  	v8 =	vld [tilespmem:s28+$0xFFFFFF20]  }
0xe2: {  	v9 =	vld [tilespmem:s26+$0xFFFFFF20]  }
0xe3: {  	v10 =	vld [tilespmem:s28+$0xFFFFFF10]  }
0xe4: {  	v11 =	vld [tilespmem:s28+$0xFFFFFF30]  }
0xe5: {  	v12 =	vld [tilespmem:s26+$0xFFFFFF30]  }
0xe6: {  	v13 =	vld [tilespmem:s26+$0xFFFFFF50]  }
0xe7: {  	v14 =	vld [tilespmem:s26+$0xFFFFFF60]  }
0xe8: {  	v15 =	vld [tilespmem:s26+$0xFFFFFF70]  }
0xe9: {  	v16 =	vld [tilespmem:s26+$0xFFFFFF80]  }
0xea: {  	v17 =	vld [tilespmem:s28+$0xFFFFFF40]  }
0xeb: {  	v18 =	vld [tilespmem:s29+$0xFFFFFF30]  }
0xec: {  	v37 =	vld [tilespmem:s28+$0xFFFFFF50];
	v8 =	vmul.f32 v9, v8;
	v7 =	vmul.f32 v7, v10  }
0xed: {  	v39 =	vld [tilespmem:s29+$0xFFFFFF40];
	v38 =	vmul.f32 v12, v11  }
0xee: {  	v40 =	vld [tilespmem:s29+$0xFFFFFF50];
	v5 =	vmul.f32 v5, v7;
	v6 =	vmul.f32 v6, v8  }
0xef: {  	v7 =	vld [tilespmem:s28+$0xFFFFFF60]  }
0xf0: {  	v41 =	vld [tilespmem:s28+$0xFFFFFF70];
	v4 =	vmul.f32 v4, v17;
	v5 =	vadd.f32 v6, v5;
	v6 =	vmul.f32 v18, v38  }
0xf1: {  	v42 =	vld [tilespmem:s29+$0xFFFFFF60]  }
0xf2: {  	v43 =	vld [tilespmem:s29+$0xFFFFFF70];
	v9 =	vmul.f32 v13, v37;
	v4 =	vmul.f32 v39, v4;
	v5 =	vadd.f32 v6, v5  }
0xf3: {  	v6 =	vld [tilespmem:s28+$0xFFFFFF80]  }
0xf4: {  	v7 =	vmul.f32 v14, v7;
	v4 =	vadd.f32 v4, v5;
	v5 =	vmul.f32 v40, v9  }
0xf5: {  	v44 =	vld [tilespmem:s29+$0xFFFFFF80]  }
0xf6: {  	v45 =	vmul.f32 v15, v41;
	v4 =	vadd.f32 v5, v4;
	v5 =	vmul.f32 v42, v7;
	_ =	sdelay $0x1  }
0xf7: {  	v6 =	vmul.f32 v16, v6;
	v4 =	vadd.f32 v5, v4;
	v5 =	vmul.f32 v43, v45;
	_ =	sdelay $0x1  }
0xf8: {  	v4 =	vadd.f32 v5, v4;
	v5 =	vmul.f32 v44, v6;
	_ =	sdelay $0x1  }
0xf9: {  	v4 =	vadd.f32 v5, v4;
	_ =	sdelay $0x1  }
0xfa: {  	v5 =	vperm.xlane v4, v0;
	_ =	sdelay $0x1  }
0xfb: {  	v4 =	vadd.f32 v4, v5;
	_ =	sdelay $0x1  }
0xfc: {  	v5 =	vperm.xlane v4, v1;
	_ =	sdelay $0x1  }
0xfd: {  	v4 =	vadd.f32 v4, v5  }
0xfe: {  	s1 =	simm.s32 $0x40  }
0xff: {  	v6 =	vmov s1;
	v5 =	vperm.xlane v4, v2  }
0x100: {  	v6 =	vand.u32 $0xFFFFFFFE, v6  }
0x101: {  	v4 =	vadd.f32 v4, v5;
	v5 =	vbroadcast v6, $0x0;
	_ =	sdelay $0x1  }
0x102: {  	v6 =	vperm.xlane v4, v3;
	_ =	sdelay $0x1  }
0x103: {  	v4 =	vadd.f32 v4, v6;
	_ =	sdelay $0x1  }
0x104: {  	[tilespmem:v5+s22+$0x0] =	vst.idx.msk $0x1, v4  }
0x105: {  	v4 =	vld [tilespmem:s28+$0xFFFFFF90]  }
0x106: {  	v5 =	vld [tilespmem:s26+$0xFFFFFF90]  }
0x107: {  	v6 =	vld [tilespmem:s28+$0xFFFFFFA0]  }
0x108: {  	v7 =	vld [tilespmem:s26+$0x0]  }
0x109: {  	v46 =	vld [tilespmem:s26+$0xFFFFFFF0]  }
0x10a: {  	v47 =	vld [tilespmem:s26+$0xFFFFFFE0]  }
0x10b: {  	v48 =	vld [tilespmem:s26+$0xFFFFFFD0]  }
0x10c: {  	v49 =	vld [tilespmem:s26+$0xFFFFFFC0]  }
0x10d: {  	v50 =	vld [tilespmem:s26+$0xFFFFFFB0]  }
0x10e: {  	v51 =	vld [tilespmem:s28+$0xFFFFFFB0]  }
0x10f: {  	v52 =	vld [tilespmem:s26+$0xFFFFFFA0]  }
0x110: {  	v53 =	vld [tilespmem:s29+$0xFFFFFFA0]  }
0x111: {  	v54 =	vld [tilespmem:s29+$0xFFFFFF90]  }
0x112: {  	v55 =	vld [tilespmem:s28+$0xFFFFFFC0]  }
0x113: {  	v56 =	vld [tilespmem:s29+$0xFFFFFFB0]  }
0x114: {  	v57 =	vld [tilespmem:s29+$0xFFFFFFC0];
	v4 =	vmul.f32 v5, v4;
	v5 =	vmul.f32 v52, v6  }
0x115: {  	v6 =	vld [tilespmem:s28+$0xFFFFFFD0];
	v12 =	vmul.f32 v50, v51  }
0x116: {  	v58 =	vld [tilespmem:s28+$0xFFFFFFE0];
	v4 =	vmul.f32 v54, v4;
	v5 =	vmul.f32 v53, v5  }
0x117: {  	v59 =	vld [tilespmem:s29+$0xFFFFFFD0]  }
0x118: {  	v60 =	vld [tilespmem:s28+$0xFFFFFFF0];
	v11 =	vmul.f32 v49, v55;
	v4 =	vadd.f32 v5, v4;
	v5 =	vmul.f32 v56, v12  }
0x119: {  	v61 =	vld [tilespmem:s29+$0xFFFFFFE0]  }
0x11a: {  	v62 =	vld [tilespmem:s28+$0x0];
	v6 =	vmul.f32 v48, v6;
	v4 =	vadd.f32 v5, v4;
	v5 =	vmul.f32 v57, v11  }
0x11b: {  	v63 =	vld [tilespmem:s29+$0xFFFFFFF0]  }
0x11c: {  	v9 =	vmul.f32 v47, v58;
	v4 =	vadd.f32 v5, v4;
	v5 =	vmul.f32 v59, v6  }
0x11d: {  	v6 =	vld [tilespmem:s29+$0x0]  }
0x11e: {  	v8 =	vmul.f32 v46, v60;
	v4 =	vadd.f32 v5, v4;
	v5 =	vmul.f32 v61, v9;
	_ =	sdelay $0x1  }
0x11f: {  	v7 =	vmul.f32 v7, v62;
	v4 =	vadd.f32 v5, v4;
	v5 =	vmul.f32 v63, v8;
	_ =	sdelay $0x1  }
0x120: {  	v4 =	vadd.f32 v5, v4;
	v5 =	vmul.f32 v6, v7;
	_ =	sdelay $0x1  }
0x121: {  	v4 =	vadd.f32 v5, v4;
	_ =	sdelay $0x1  }
0x122: {  	v5 =	vperm.xlane v4, v0;
	_ =	sdelay $0x1  }
0x123: {  	v4 =	vadd.f32 v4, v5;
	_ =	sdelay $0x1  }
0x124: {  	s30 =	simm.s32 $0x0;
	s31 =	simm.s32 $0x63F0;
	s29 =	simm.s32 $0xFFFFFFFE;
	v5 =	vperm.xlane v4, v1  }
.LBB2_4:
0x125: {  	s28 =	sadd.s32 $0x100, s28  }
0x126: {  	s26 =	sadd.s32 $0x100, s26;
	s0 =	smov.u32 s30;
	s30 =	sadd.s32 $0x2, s30  }
0x127: {  	p0 =	slt.u32 s30, $0x3E;
	v4 =	vadd.f32 v4, v5;
	_ =	sdelay $0x1  }
0x128: {  	v5 =	vperm.xlane v4, v2;
	_ =	sdelay $0x1  }
0x129: {  	s1 =	sadd.s32 $0x43, s29;
	s29 =	smov.u32 s0;
	v4 =	vadd.f32 v4, v5  }
0x12a: {  	v5 =	vmov s1  }
0x12b: {  	v6 =	vperm.xlane v4, v3;
	_ =	sdelay $0x1  }
0x12c: {  	v4 =	vadd.f32 v4, v6;
	_ =	sdelay $0x1  }
0x12d: {  	[tilespmem:v5+s22+$0x0] =	vst.idx.msk $0x1, v4  }
0x12e: {  	v4 =	vld [tilespmem:s26+$0xFFFFFF40]  }
0x12f: {  	v5 =	vld [tilespmem:s31+$0xFFFFFF10]  }
0x130: {  	v6 =	vld [tilespmem:s31+$0xFFFFFF20]  }
0x131: {  	v7 =	vld [tilespmem:s26+$0xFFFFFF10]  }
0x132: {  	v8 =	vld [tilespmem:s28+$0xFFFFFF20]  }
0x133: {  	v9 =	vld [tilespmem:s26+$0xFFFFFF20]  }
0x134: {  	v10 =	vld [tilespmem:s28+$0xFFFFFF10]  }
0x135: {  	v11 =	vld [tilespmem:s28+$0xFFFFFF30]  }
0x136: {  	v12 =	vld [tilespmem:s26+$0xFFFFFF30]  }
0x137: {  	v13 =	vld [tilespmem:s26+$0xFFFFFF50]  }
0x138: {  	v14 =	vld [tilespmem:s26+$0xFFFFFF60]  }
0x139: {  	v15 =	vld [tilespmem:s26+$0xFFFFFF70]  }
0x13a: {  	v16 =	vld [tilespmem:s26+$0xFFFFFF80]  }
0x13b: {  	v11 =	vmul.f32 v12, v11;
	v12 =	vld [tilespmem:s28+$0xFFFFFF40]  }
0x13c: {  	v8 =	vmul.f32 v9, v8;
	v9 =	vld [tilespmem:s31+$0xFFFFFF30]  }
0x13d: {  	v7 =	vmul.f32 v7, v10;
	v10 =	vld [tilespmem:s28+$0xFFFFFF50]  }
0x13e: {  	v17 =	vld [tilespmem:s31+$0xFFFFFF40]  }
0x13f: {  	v6 =	vmul.f32 v6, v8;
	v5 =	vmul.f32 v5, v7;
	v7 =	vld [tilespmem:s28+$0xFFFFFF60]  }
0x140: {  	v4 =	vmul.f32 v4, v12;
	v8 =	vld [tilespmem:s31+$0xFFFFFF50]  }
0x141: {  	v5 =	vadd.f32 v6, v5;
	v6 =	vmul.f32 v9, v11;
	v9 =	vld [tilespmem:s28+$0xFFFFFF70]  }
0x142: {  	v10 =	vmul.f32 v13, v10;
	v11 =	vld [tilespmem:s31+$0xFFFFFF60]  }
0x143: {  	v5 =	vadd.f32 v6, v5;
	v4 =	vmul.f32 v17, v4;
	v6 =	vld [tilespmem:s28+$0xFFFFFF80]  }
0x144: {  	v7 =	vmul.f32 v14, v7;
	v12 =	vld [tilespmem:s31+$0xFFFFFF70]  }
0x145: {  	v4 =	vadd.f32 v4, v5;
	v5 =	vmul.f32 v8, v10  }
0x146: {  	v8 =	vmul.f32 v15, v9;
	v9 =	vld [tilespmem:s31+$0xFFFFFF80]  }
0x147: {  	v4 =	vadd.f32 v5, v4;
	v5 =	vmul.f32 v11, v7  }
0x148: {  	v6 =	vmul.f32 v16, v6  }
0x149: {  	v4 =	vadd.f32 v5, v4;
	v5 =	vmul.f32 v12, v8;
	_ =	sdelay $0x1  }
0x14a: {  	v4 =	vadd.f32 v5, v4;
	v5 =	vmul.f32 v9, v6;
	_ =	sdelay $0x1  }
0x14b: {  	v4 =	vadd.f32 v5, v4;
	_ =	sdelay $0x1  }
0x14c: {  	v5 =	vperm.xlane v4, v0;
	_ =	sdelay $0x1  }
0x14d: {  	v4 =	vadd.f32 v4, v5;
	_ =	sdelay $0x1  }
0x14e: {  	v5 =	vperm.xlane v4, v1;
	_ =	sdelay $0x1  }
0x14f: {  	v4 =	vadd.f32 v4, v5  }
0x150: {  	s0 =	sadd.s32 $0x42, s29  }
0x151: {  	v6 =	vmov s0;
	v5 =	vperm.xlane v4, v2  }
0x152: {  	v6 =	vand.u32 $0xFFFFFFFE, v6  }
0x153: {  	v4 =	vadd.f32 v4, v5;
	v5 =	vbroadcast v6, $0x0;
	_ =	sdelay $0x1  }
0x154: {  	v6 =	vperm.xlane v4, v3;
	_ =	sdelay $0x1  }
0x155: {  	v4 =	vadd.f32 v4, v6;
	_ =	sdelay $0x1  }
0x156: {  	[tilespmem:v5+s22+$0x0] =	vst.idx.msk $0x1, v4  }
0x157: {  	v4 =	vld [tilespmem:s28+$0xFFFFFF90]  }
0x158: {  	v5 =	vld [tilespmem:s26+$0xFFFFFF90]  }
0x159: {  	v6 =	vld [tilespmem:s28+$0xFFFFFFA0];
	_ =	sdelay $0x1  }
0x15a: {  	v7 =	vld [tilespmem:s26+$0x0]  }
0x15b: {  	v8 =	vld [tilespmem:s26+$0xFFFFFFF0]  }
0x15c: {  	v4 =	vmul.f32 v5, v4;
	v5 =	vld [tilespmem:s26+$0xFFFFFFE0]  }
0x15d: {  	v9 =	vld [tilespmem:s26+$0xFFFFFFD0]  }
0x15e: {  	v10 =	vld [tilespmem:s26+$0xFFFFFFC0]  }
0x15f: {  	v11 =	vld [tilespmem:s26+$0xFFFFFFB0]  }
0x160: {  	v12 =	vld [tilespmem:s28+$0xFFFFFFB0]  }
0x161: {  	v13 =	vld [tilespmem:s26+$0xFFFFFFA0]  }
0x162: {  	v14 =	vld [tilespmem:s31+$0xFFFFFFA0]  }
0x163: {  	v15 =	vld [tilespmem:s31+$0xFFFFFF90]  }
0x164: {  	v16 =	vld [tilespmem:s28+$0xFFFFFFC0]  }
0x165: {  	v11 =	vmul.f32 v11, v12;
	v12 =	vld [tilespmem:s31+$0xFFFFFFB0]  }
0x166: {  	v6 =	vmul.f32 v13, v6;
	v13 =	vld [tilespmem:s28+$0xFFFFFFD0]  }
0x167: {  	v17 =	vld [tilespmem:s31+$0xFFFFFFC0]  }
0x168: {  	v4 =	vmul.f32 v15, v4;
	v6 =	vmul.f32 v14, v6;
	v14 =	vld [tilespmem:s28+$0xFFFFFFE0]  }
0x169: {  	v10 =	vmul.f32 v10, v16;
	v15 =	vld [tilespmem:s31+$0xFFFFFFD0]  }
0x16a: {  	v4 =	vadd.f32 v6, v4;
	v6 =	vmul.f32 v12, v11;
	v11 =	vld [tilespmem:s28+$0xFFFFFFF0]  }
0x16b: {  	v9 =	vmul.f32 v9, v13;
	v12 =	vld [tilespmem:s31+$0xFFFFFFE0]  }
0x16c: {  	v4 =	vadd.f32 v6, v4;
	v6 =	vmul.f32 v17, v10;
	v10 =	vld [tilespmem:s28+$0x0]  }
0x16d: {  	v5 =	vmul.f32 v5, v14;
	v13 =	vld [tilespmem:s31+$0xFFFFFFF0]  }
0x16e: {  	v4 =	vadd.f32 v6, v4;
	v6 =	vmul.f32 v15, v9  }
0x16f: {  	v8 =	vmul.f32 v8, v11;
	v9 =	vld [tilespmem:s31+$0x0]  }
0x170: {  	v4 =	vadd.f32 v6, v4;
	v5 =	vmul.f32 v12, v5  }
0x171: {  	v6 =	vmul.f32 v7, v10  }
0x172: {  	v4 =	vadd.f32 v5, v4;
	v5 =	vmul.f32 v13, v8;
	_ =	sdelay $0x1  }
0x173: {  	v4 =	vadd.f32 v5, v4;
	v5 =	vmul.f32 v9, v6;
	_ =	sdelay $0x1  }
0x174: {  	v4 =	vadd.f32 v5, v4;
	_ =	sdelay $0x1  }
.Ltmp1:
0x175: {  	v5 =	vperm.xlane v4, v0;
	(pc) =	sbr.rel @p0 .LBB2_4-.Ltmp1, $3  }
0x176: {  	_ = 	snop  }
0x177: {  	v4 =	vadd.f32 v4, v5;
	_ =	sdelay $0x1  }
0x178: {  	s31 =	sadd.s32 $0x100, s31;
	v5 =	vperm.xlane v4, v1  }
0x179: {  	_ = 	snop  }
0x17a: {  	v4 =	vadd.f32 v4, v5;
	_ =	sdelay $0x1  }
0x17b: {  	v5 =	vperm.xlane v4, v2;
	_ =	sdelay $0x1  }
0x17c: {  	s0 =	sadd.s32 $0x43, s29;
	v4 =	vadd.f32 v4, v5  }
0x17d: {  	v5 =	vmov s0  }
0x17e: {  	v6 =	vperm.xlane v4, v3;
	_ =	sdelay $0x1  }
0x17f: {  	v4 =	vadd.f32 v4, v6;
	_ =	sdelay $0x1  }
0x180: {  	[tilespmem:v5+s22+$0x0] =	vst.idx.msk $0x1, v4  }
0x181: {  	_ =	swait.ge [sflag:s21], $0x2000  }
0x182: {  	[sflag:s21] =	ssyncset.done $0x0  }
0x183: {  	[sflag:s21] =	ssyncadd.s32 $0xFFFFE000  }
0x184: {  	_ =	swait.ge [sflag:s21], $0x2000  }
0x185: {  	[sflag:s21] =	ssyncset.done $0x0  }
0x186: {  	[sflag:s21] =	ssyncadd.s32 $0xFFFFE000  }
0x187: {  	_ =	swait.ge [sflag:s21], $0x2000  }
0x188: {  	[sflag:s21] =	ssyncset.done $0x0  }
0x189: {  	s26 =	simm.s32 $0x8280;
	[sflag:s21] =	ssyncadd.s32 $0xFFFFE000  }
0x18a: {  	s29 =	simm.s32 $0x4280;
	v4 =	vld [tilespmem:s26+$0xFFFFFFB0]  }
0x18b: {  	v5 =	vld [tilespmem:s29+$0xFFFFFF80]  }
0x18c: {  	v6 =	vld [tilespmem:s29+$0xFFFFFF90]  }
0x18d: {  	s28 =	simm.s32 $0x280;
	v7 =	vld [tilespmem:s26+$0xFFFFFF80]  }
0x18e: {  	v8 =	vld [tilespmem:s28+$0xFFFFFF90]  }
0x18f: {  	v9 =	vld [tilespmem:s26+$0xFFFFFF90]  }
0x190: {  	v10 =	vld [tilespmem:s28+$0xFFFFFF80]  }
0x191: {  	v11 =	vld [tilespmem:s28+$0xFFFFFFA0]  }
0x192: {  	v12 =	vld [tilespmem:s26+$0xFFFFFFA0]  }
0x193: {  	v13 =	vld [tilespmem:s26+$0xFFFFFFC0]  }
0x194: {  	v14 =	vld [tilespmem:s26+$0xFFFFFFD0]  }
0x195: {  	v15 =	vld [tilespmem:s26+$0xFFFFFFE0]  }
0x196: {  	v16 =	vld [tilespmem:s26+$0xFFFFFFF0]  }
0x197: {  	v17 =	vld [tilespmem:s28+$0xFFFFFFB0]  }
0x198: {  	v18 =	vld [tilespmem:s29+$0xFFFFFFA0]  }
0x199: {  	v37 =	vld [tilespmem:s28+$0xFFFFFFC0];
	v8 =	vmul.f32 v9, v8;
	v7 =	vmul.f32 v7, v10  }
0x19a: {  	v39 =	vld [tilespmem:s29+$0xFFFFFFB0];
	v38 =	vmul.f32 v12, v11  }
0x19b: {  	v40 =	vld [tilespmem:s29+$0xFFFFFFC0];
	v5 =	vmul.f32 v5, v7;
	v6 =	vmul.f32 v6, v8  }
0x19c: {  	v7 =	vld [tilespmem:s28+$0xFFFFFFD0]  }
0x19d: {  	v41 =	vld [tilespmem:s28+$0xFFFFFFE0];
	v4 =	vmul.f32 v4, v17;
	v5 =	vadd.f32 v6, v5;
	v6 =	vmul.f32 v18, v38  }
0x19e: {  	v42 =	vld [tilespmem:s29+$0xFFFFFFD0]  }
0x19f: {  	v43 =	vld [tilespmem:s29+$0xFFFFFFE0];
	v9 =	vmul.f32 v13, v37;
	v4 =	vmul.f32 v39, v4;
	v5 =	vadd.f32 v6, v5  }
0x1a0: {  	v6 =	vld [tilespmem:s28+$0xFFFFFFF0]  }
0x1a1: {  	v7 =	vmul.f32 v14, v7;
	v4 =	vadd.f32 v4, v5;
	v5 =	vmul.f32 v40, v9  }
0x1a2: {  	v44 =	vld [tilespmem:s29+$0xFFFFFFF0]  }
0x1a3: {  	v45 =	vmul.f32 v15, v41;
	v4 =	vadd.f32 v5, v4;
	v5 =	vmul.f32 v42, v7;
	_ =	sdelay $0x1  }
0x1a4: {  	v6 =	vmul.f32 v16, v6;
	v4 =	vadd.f32 v5, v4;
	v5 =	vmul.f32 v43, v45;
	_ =	sdelay $0x1  }
0x1a5: {  	v4 =	vadd.f32 v5, v4;
	v5 =	vmul.f32 v44, v6;
	_ =	sdelay $0x1  }
0x1a6: {  	v4 =	vadd.f32 v5, v4;
	_ =	sdelay $0x1  }
0x1a7: {  	v5 =	vperm.xlane v4, v0;
	_ =	sdelay $0x1  }
0x1a8: {  	v4 =	vadd.f32 v4, v5;
	_ =	sdelay $0x1  }
0x1a9: {  	v5 =	vperm.xlane v4, v1;
	_ =	sdelay $0x1  }
0x1aa: {  	v4 =	vadd.f32 v4, v5  }
0x1ab: {  	s1 =	simm.s32 $0x80  }
0x1ac: {  	v6 =	vmov s1;
	v5 =	vperm.xlane v4, v2  }
0x1ad: {  	v6 =	vand.u32 $0xFFFFFFFE, v6  }
0x1ae: {  	v4 =	vadd.f32 v4, v5;
	v5 =	vbroadcast v6, $0x0;
	_ =	sdelay $0x1  }
0x1af: {  	v6 =	vperm.xlane v4, v3;
	_ =	sdelay $0x1  }
0x1b0: {  	v4 =	vadd.f32 v4, v6;
	_ =	sdelay $0x1  }
0x1b1: {  	[tilespmem:v5+s22+$0x0] =	vst.idx.msk $0x1, v4  }
0x1b2: {  	v4 =	vld [tilespmem:s28+$0x0]  }
0x1b3: {  	v5 =	vld [tilespmem:s26+$0x0]  }
0x1b4: {  	v6 =	vld [tilespmem:s28+$0x10]  }
0x1b5: {  	v7 =	vld [tilespmem:s26+$0x70]  }
0x1b6: {  	v46 =	vld [tilespmem:s26+$0x60]  }
0x1b7: {  	v47 =	vld [tilespmem:s26+$0x50]  }
0x1b8: {  	v48 =	vld [tilespmem:s26+$0x40]  }
0x1b9: {  	v49 =	vld [tilespmem:s26+$0x30]  }
0x1ba: {  	v50 =	vld [tilespmem:s26+$0x20]  }
0x1bb: {  	v51 =	vld [tilespmem:s28+$0x20]  }
0x1bc: {  	v52 =	vld [tilespmem:s26+$0x10]  }
0x1bd: {  	v53 =	vld [tilespmem:s29+$0x10]  }
0x1be: {  	v54 =	vld [tilespmem:s29+$0x0]  }
0x1bf: {  	v55 =	vld [tilespmem:s28+$0x30]  }
0x1c0: {  	v56 =	vld [tilespmem:s29+$0x20]  }
0x1c1: {  	v57 =	vld [tilespmem:s29+$0x30];
	v4 =	vmul.f32 v5, v4;
	v5 =	vmul.f32 v52, v6  }
0x1c2: {  	v6 =	vld [tilespmem:s28+$0x40];
	v12 =	vmul.f32 v50, v51  }
0x1c3: {  	v58 =	vld [tilespmem:s28+$0x50];
	v4 =	vmul.f32 v54, v4;
	v5 =	vmul.f32 v53, v5  }
0x1c4: {  	v59 =	vld [tilespmem:s29+$0x40]  }
0x1c5: {  	v60 =	vld [tilespmem:s28+$0x60];
	v11 =	vmul.f32 v49, v55;
	v4 =	vadd.f32 v5, v4;
	v5 =	vmul.f32 v56, v12  }
0x1c6: {  	v61 =	vld [tilespmem:s29+$0x50]  }
0x1c7: {  	v62 =	vld [tilespmem:s28+$0x70];
	v6 =	vmul.f32 v48, v6;
	v4 =	vadd.f32 v5, v4;
	v5 =	vmul.f32 v57, v11  }
0x1c8: {  	v63 =	vld [tilespmem:s29+$0x60]  }
0x1c9: {  	v9 =	vmul.f32 v47, v58;
	v4 =	vadd.f32 v5, v4;
	v5 =	vmul.f32 v59, v6  }
0x1ca: {  	v6 =	vld [tilespmem:s29+$0x70]  }
0x1cb: {  	v8 =	vmul.f32 v46, v60;
	v4 =	vadd.f32 v5, v4;
	v5 =	vmul.f32 v61, v9;
	_ =	sdelay $0x1  }
0x1cc: {  	v7 =	vmul.f32 v7, v62;
	v4 =	vadd.f32 v5, v4;
	v5 =	vmul.f32 v63, v8;
	_ =	sdelay $0x1  }
0x1cd: {  	v4 =	vadd.f32 v5, v4;
	v5 =	vmul.f32 v6, v7;
	_ =	sdelay $0x1  }
0x1ce: {  	v4 =	vadd.f32 v5, v4;
	_ =	sdelay $0x1  }
0x1cf: {  	v5 =	vperm.xlane v4, v0;
	_ =	sdelay $0x1  }
0x1d0: {  	v4 =	vadd.f32 v4, v5;
	_ =	sdelay $0x1  }
0x1d1: {  	s30 =	simm.s32 $0x0;
	s31 =	simm.s32 $0x4380;
	s29 =	simm.s32 $0xFFFFFFFE;
	v5 =	vperm.xlane v4, v1  }
.LBB2_6:
0x1d2: {  	s28 =	sadd.s32 $0x100, s28  }
0x1d3: {  	s26 =	sadd.s32 $0x100, s26;
	s0 =	smov.u32 s30;
	s30 =	sadd.s32 $0x2, s30  }
0x1d4: {  	p0 =	slt.u32 s30, $0x3E;
	v4 =	vadd.f32 v4, v5;
	_ =	sdelay $0x1  }
0x1d5: {  	v5 =	vperm.xlane v4, v2;
	_ =	sdelay $0x1  }
0x1d6: {  	s1 =	sadd.s32 $0x83, s29;
	s29 =	smov.u32 s0;
	v4 =	vadd.f32 v4, v5  }
0x1d7: {  	v5 =	vmov s1  }
0x1d8: {  	v6 =	vperm.xlane v4, v3;
	_ =	sdelay $0x1  }
0x1d9: {  	v4 =	vadd.f32 v4, v6;
	_ =	sdelay $0x1  }
0x1da: {  	[tilespmem:v5+s22+$0x0] =	vst.idx.msk $0x1, v4  }
0x1db: {  	v4 =	vld [tilespmem:s26+$0xFFFFFFB0]  }
0x1dc: {  	v5 =	vld [tilespmem:s31+$0xFFFFFF80]  }
0x1dd: {  	v6 =	vld [tilespmem:s31+$0xFFFFFF90]  }
0x1de: {  	v7 =	vld [tilespmem:s26+$0xFFFFFF80]  }
0x1df: {  	v8 =	vld [tilespmem:s28+$0xFFFFFF90]  }
0x1e0: {  	v9 =	vld [tilespmem:s26+$0xFFFFFF90]  }
0x1e1: {  	v10 =	vld [tilespmem:s28+$0xFFFFFF80]  }
0x1e2: {  	v11 =	vld [tilespmem:s28+$0xFFFFFFA0]  }
0x1e3: {  	v12 =	vld [tilespmem:s26+$0xFFFFFFA0]  }
0x1e4: {  	v13 =	vld [tilespmem:s26+$0xFFFFFFC0]  }
0x1e5: {  	v14 =	vld [tilespmem:s26+$0xFFFFFFD0]  }
0x1e6: {  	v15 =	vld [tilespmem:s26+$0xFFFFFFE0]  }
0x1e7: {  	v16 =	vld [tilespmem:s26+$0xFFFFFFF0]  }
0x1e8: {  	v11 =	vmul.f32 v12, v11;
	v12 =	vld [tilespmem:s28+$0xFFFFFFB0]  }
0x1e9: {  	v8 =	vmul.f32 v9, v8;
	v9 =	vld [tilespmem:s31+$0xFFFFFFA0]  }
0x1ea: {  	v7 =	vmul.f32 v7, v10;
	v10 =	vld [tilespmem:s28+$0xFFFFFFC0]  }
0x1eb: {  	v17 =	vld [tilespmem:s31+$0xFFFFFFB0]  }
0x1ec: {  	v6 =	vmul.f32 v6, v8;
	v5 =	vmul.f32 v5, v7;
	v7 =	vld [tilespmem:s28+$0xFFFFFFD0]  }
0x1ed: {  	v4 =	vmul.f32 v4, v12;
	v8 =	vld [tilespmem:s31+$0xFFFFFFC0]  }
0x1ee: {  	v5 =	vadd.f32 v6, v5;
	v6 =	vmul.f32 v9, v11;
	v9 =	vld [tilespmem:s28+$0xFFFFFFE0]  }
0x1ef: {  	v10 =	vmul.f32 v13, v10;
	v11 =	vld [tilespmem:s31+$0xFFFFFFD0]  }
0x1f0: {  	v5 =	vadd.f32 v6, v5;
	v4 =	vmul.f32 v17, v4;
	v6 =	vld [tilespmem:s28+$0xFFFFFFF0]  }
0x1f1: {  	v7 =	vmul.f32 v14, v7;
	v12 =	vld [tilespmem:s31+$0xFFFFFFE0]  }
0x1f2: {  	v4 =	vadd.f32 v4, v5;
	v5 =	vmul.f32 v8, v10  }
0x1f3: {  	v8 =	vmul.f32 v15, v9;
	v9 =	vld [tilespmem:s31+$0xFFFFFFF0]  }
0x1f4: {  	v4 =	vadd.f32 v5, v4;
	v5 =	vmul.f32 v11, v7  }
0x1f5: {  	v6 =	vmul.f32 v16, v6  }
0x1f6: {  	v4 =	vadd.f32 v5, v4;
	v5 =	vmul.f32 v12, v8;
	_ =	sdelay $0x1  }
0x1f7: {  	v4 =	vadd.f32 v5, v4;
	v5 =	vmul.f32 v9, v6;
	_ =	sdelay $0x1  }
0x1f8: {  	v4 =	vadd.f32 v5, v4;
	_ =	sdelay $0x1  }
0x1f9: {  	v5 =	vperm.xlane v4, v0;
	_ =	sdelay $0x1  }
0x1fa: {  	v4 =	vadd.f32 v4, v5;
	_ =	sdelay $0x1  }
0x1fb: {  	v5 =	vperm.xlane v4, v1;
	_ =	sdelay $0x1  }
0x1fc: {  	v4 =	vadd.f32 v4, v5  }
0x1fd: {  	s0 =	sadd.s32 $0x82, s29  }
0x1fe: {  	v6 =	vmov s0;
	v5 =	vperm.xlane v4, v2  }
0x1ff: {  	v6 =	vand.u32 $0xFFFFFFFE, v6  }
0x200: {  	v4 =	vadd.f32 v4, v5;
	v5 =	vbroadcast v6, $0x0;
	_ =	sdelay $0x1  }
0x201: {  	v6 =	vperm.xlane v4, v3;
	_ =	sdelay $0x1  }
0x202: {  	v4 =	vadd.f32 v4, v6;
	_ =	sdelay $0x1  }
0x203: {  	[tilespmem:v5+s22+$0x0] =	vst.idx.msk $0x1, v4  }
0x204: {  	v4 =	vld [tilespmem:s28+$0x0]  }
0x205: {  	v5 =	vld [tilespmem:s26+$0x0]  }
0x206: {  	v6 =	vld [tilespmem:s28+$0x10];
	_ =	sdelay $0x1  }
0x207: {  	v7 =	vld [tilespmem:s26+$0x70]  }
0x208: {  	v8 =	vld [tilespmem:s26+$0x60]  }
0x209: {  	v4 =	vmul.f32 v5, v4;
	v5 =	vld [tilespmem:s26+$0x50]  }
0x20a: {  	v9 =	vld [tilespmem:s26+$0x40]  }
0x20b: {  	v10 =	vld [tilespmem:s26+$0x30]  }
0x20c: {  	v11 =	vld [tilespmem:s26+$0x20]  }
0x20d: {  	v12 =	vld [tilespmem:s28+$0x20]  }
0x20e: {  	v13 =	vld [tilespmem:s26+$0x10]  }
0x20f: {  	v14 =	vld [tilespmem:s31+$0x10]  }
0x210: {  	v15 =	vld [tilespmem:s31+$0x0]  }
0x211: {  	v16 =	vld [tilespmem:s28+$0x30]  }
0x212: {  	v11 =	vmul.f32 v11, v12;
	v12 =	vld [tilespmem:s31+$0x20]  }
0x213: {  	v6 =	vmul.f32 v13, v6;
	v13 =	vld [tilespmem:s28+$0x40]  }
0x214: {  	v17 =	vld [tilespmem:s31+$0x30]  }
0x215: {  	v4 =	vmul.f32 v15, v4;
	v6 =	vmul.f32 v14, v6;
	v14 =	vld [tilespmem:s28+$0x50]  }
0x216: {  	v10 =	vmul.f32 v10, v16;
	v15 =	vld [tilespmem:s31+$0x40]  }
0x217: {  	v4 =	vadd.f32 v6, v4;
	v6 =	vmul.f32 v12, v11;
	v11 =	vld [tilespmem:s28+$0x60]  }
0x218: {  	v9 =	vmul.f32 v9, v13;
	v12 =	vld [tilespmem:s31+$0x50]  }
0x219: {  	v4 =	vadd.f32 v6, v4;
	v6 =	vmul.f32 v17, v10;
	v10 =	vld [tilespmem:s28+$0x70]  }
0x21a: {  	v5 =	vmul.f32 v5, v14;
	v13 =	vld [tilespmem:s31+$0x60]  }
0x21b: {  	v4 =	vadd.f32 v6, v4;
	v6 =	vmul.f32 v15, v9  }
0x21c: {  	v8 =	vmul.f32 v8, v11;
	v9 =	vld [tilespmem:s31+$0x70]  }
0x21d: {  	v4 =	vadd.f32 v6, v4;
	v5 =	vmul.f32 v12, v5  }
0x21e: {  	v6 =	vmul.f32 v7, v10  }
0x21f: {  	v4 =	vadd.f32 v5, v4;
	v5 =	vmul.f32 v13, v8;
	_ =	sdelay $0x1  }
0x220: {  	v4 =	vadd.f32 v5, v4;
	v5 =	vmul.f32 v9, v6;
	_ =	sdelay $0x1  }
0x221: {  	v4 =	vadd.f32 v5, v4;
	_ =	sdelay $0x1  }
.Ltmp2:
0x222: {  	v5 =	vperm.xlane v4, v0;
	(pc) =	sbr.rel @p0 .LBB2_6-.Ltmp2, $3  }
0x223: {  	_ = 	snop  }
0x224: {  	v4 =	vadd.f32 v4, v5;
	_ =	sdelay $0x1  }
0x225: {  	s31 =	sadd.s32 $0x100, s31;
	v5 =	vperm.xlane v4, v1  }
0x226: {  	_ = 	snop  }
0x227: {  	v4 =	vadd.f32 v4, v5;
	_ =	sdelay $0x1  }
0x228: {  	v5 =	vperm.xlane v4, v2;
	_ =	sdelay $0x1  }
0x229: {  	s0 =	sadd.s32 $0x83, s29;
	v4 =	vadd.f32 v4, v5  }
0x22a: {  	v5 =	vmov s0  }
0x22b: {  	v6 =	vperm.xlane v4, v3;
	_ =	sdelay $0x1  }
0x22c: {  	s25 =	sadd.s32 $0x1, s25;
	v4 =	vadd.f32 v4, v6  }
0x22d: {  	p0 =	sne.s32 s25, s12  }
.Ltmp3:
0x22e: {  	[tilespmem:v5+s22+$0x0] =	vst.idx.msk $0x1, v4;
	(pc) =	sbr.rel @p0 .LBB2_1-.Ltmp3, $4  }
0x22f: {  	[hbm4b:s11+s3] =	stream.linear.scatter [tilespmem:s22], [sflag:$0x3], $0xC0, $0x38;
	[tilespmem:$0xC200] =	vst v63  }
0x230: {  	_ =	swait.ge [sflag:s15], $0xC0  }
0x231: {  	[sflag:s15] =	ssyncset.done $0x0  }
0x232: {  	[sflag:s15] =	ssyncadd.s32 $0xFFFFFF40  }
0x233: {  	_ =	sfence.sel $0x180000  }
0x234: {  	[bflag:$0x0] =	sbarrier.arrive $0xFFFF  }
0x235: {  	_ =	strace $0x90000047  }
0x236: {  	s0 =	stileid.u32;
	[bflag:$0x2] =	sbarrier.arrive $0xFFFF  }
0x237: {  	p0 =	sne.s32 s0, $0x0;
	s0 =	rddreg [dreg:$0x5]  }
0x238: {  	s0 =	sadd.s32 @!p0 $0x100000, s0  }
0x239: {  	[sflag:s0] =	ssyncadd.tile.s32 @!p0 $0x1;
	_ =	shalt  }
.Lfunc_end2:
_tile_overlayer_lowered:
.L_overlay_start_2:
0x23a: {  	(tag) =	ssettag $0x2  }
0x23b: {  	s0 =	rddreg [dreg:$0x0];
	s2 =	stileid.u32  }
0x23c: {  	s1 =	rddreg [dreg:$0x1];
	p0 =	sne.s32 s2, $0x0  }
0x23d: {  	s3 =	rddreg [dreg:$0x2];
	[bflag:$0x3] =	sbarrier.arrive $0xFFFF;
	s2 =	simm.s32 @!p0 $0x1C03  }
0x23e: {  	[timem:s3], [sflag:s2] =	dma.local @!p0 [hbm:s0], s1  }
0x23f: {  	s0 =	simm.s32 @!p0 $0x3  }
0x240: {  	_ =	swait.ge @!p0 [sflag:s0], s1  }
0x241: {  	s1 =	ssub.s32 @!p0 $0x0, s1;
	[sflag:s0] =	ssyncset.done @!p0 $0x0  }
0x242: {  	[sflag:s0] =	ssyncadd.s32 @!p0 s1  }
0x243: {  	[bflag:$0x3] =	sbarrier.arrive $0xFFFF  }
0x244: {  	_ =	shalt  }

</sc_bundles>
